<compile_context>
chip_gen: v7x
topology: tpu7x:2x2x1
jax: 0.10.2.dev20260603
libtpu: 0.0.44.dev20260713+nightly
codegen_flags: <defaults>
</compile_context>

<pallas_src>
import functools

import jax
import jax.numpy as jnp
from jax import lax
from jax.experimental import pallas as pl
from jax.experimental.pallas import tpu as pltpu
from jax.experimental.pallas import tpu_sc as plsc

KNN = 20
B = 4
N = 2048
NC, NS = 2, 16
NW = NC * NS
PPW = (B * N) // NW
PG = 4
RG = PG * KNN
NG = PPW // PG
FB = 64
GPF = FB // PG
TN = 256
NEG_INF = float('-inf')


def _prep_topk_body(xf_ref, xt_ref, idx_ref, pdc):
    b = pl.program_id(0)
    xf = xf_ref[0]
    xt = xt_ref[0]
    sqf = jnp.sum(xf * xf, axis=1)
    sqt = jnp.sum(xt * xt, axis=1)
    inner = lax.dot_general(xt.astype(jnp.bfloat16), xf.astype(jnp.bfloat16),
                            (((1,), (1,)), ((), ())),
                            preferred_element_type=jnp.float32)
    pv = 2.0 * inner - sqt[:, None] - sqf[None, :]
    pdc[...] = pv
    iota = lax.broadcasted_iota(jnp.int32, (TN, N), 1)
    m = jnp.max(pv, axis=1, keepdims=True)
    cols = []
    for t in range(KNN):
        pv = pdc[...]
        am = jnp.min(jnp.where(pv == m, iota, N), axis=1, keepdims=True)
        cols.append(am)
        if t < KNN - 1:
            pv2 = jnp.where(iota == am, NEG_INF, pv)
            pdc[...] = pv2
            m = jnp.max(pv2, axis=1, keepdims=True)
    idx_ref[0] = jnp.concatenate(cols, axis=1) + b * N


def _prep_topk(xr):
    d = xr.shape[-1]
    nt = N // TN
    return pl.pallas_call(
        _prep_topk_body,
        grid=(B, nt),
        in_specs=[
            pl.BlockSpec((1, N, d), lambda b, i: (b, 0, 0)),
            pl.BlockSpec((1, TN, d), lambda b, i: (b, i, 0)),
        ],
        out_specs=pl.BlockSpec((1, TN, KNN), lambda b, i: (b, i, 0)),
        out_shape=jax.ShapeDtypeStruct((B, N, KNN), jnp.int32),
        scratch_shapes=[pltpu.VMEM((TN, N), jnp.float32)],
    )(xr, xr)


def _sc_edge(x_tab, idxw):
    wtab = x_tab.shape[1]
    mesh = plsc.VectorSubcoreMesh(core_axis_name="c", subcore_axis_name="s",
                                  num_cores=NC, num_subcores=NS)

    @functools.partial(
        pl.kernel,
        out_type=jax.ShapeDtypeStruct((B * N * KNN, wtab), jnp.float32),
        mesh=mesh,
        scratch_types=[
            pltpu.VMEM((NG * RG,), jnp.int32),
            pltpu.VMEM((RG, wtab), jnp.float32),
            pltpu.VMEM((RG, wtab), jnp.float32),
            pltpu.VMEM((RG, wtab), jnp.float32),
            pltpu.VMEM((RG, wtab), jnp.float32),
            pltpu.SemaphoreType.DMA,
            pltpu.SemaphoreType.DMA,
            pltpu.SemaphoreType.DMA,
            pltpu.SemaphoreType.DMA,
            pltpu.SemaphoreType.DMA,
            pltpu.SemaphoreType.DMA,
        ],
    )
    def k(x_hbm, idx_hbm, f_hbm, idx_v, b0, b1, b2, b3,
          gs0, gs1, gs2, gs3, os0, os1):
        wid = lax.axis_index("s") * NC + lax.axis_index("c")
        pbase = wid * PPW
        erow_base = pbase * KNN
        pltpu.sync_copy(idx_hbm.at[wid], idx_v)
        bufs = (b0, b1, b2, b3)
        gsems = (gs0, gs1, gs2, gs3)
        osems = (os0, os1)

        def gather(g, slot):
            pltpu.async_copy(x_hbm.at[idx_v.at[pl.ds(g * RG, RG)]],
                             bufs[slot], gsems[slot])

        def gwait(g, slot):
            pltpu.make_async_copy(x_hbm.at[idx_v.at[pl.ds(g * RG, RG)]],
                                  bufs[slot], gsems[slot]).wait()

        def out_start(g, slot):
            pltpu.async_copy(bufs[slot],
                             f_hbm.at[pl.ds(erow_base + g * RG, RG)],
                             osems[slot % 2])

        def out_wait(g, slot):
            pltpu.make_async_copy(
                bufs[slot], f_hbm.at[pl.ds(erow_base + g * RG, RG)],
                osems[slot % 2]).wait()

        gather(0, 0)
        gather(1, 1)

        def quad(q, carry):
            for s in range(4):
                g = q * 4 + s

                @pl.when(g >= 2)
                def _():
                    out_wait(g - 2, (s + 2) % 4)

                @pl.when(g + 2 < NG)
                def _():
                    gather(g + 2, (s + 2) % 4)

                gwait(g, s)
                out_start(g, s)
            return carry

        lax.fori_loop(0, NG // 4, quad, 0, unroll=False)
        out_wait(NG - 2, (NG - 2) % 4)
        out_wait(NG - 1, (NG - 1) % 4)

    return k(x_tab, idxw)


def _econv_body(nsteps, pt, f_ref, xn_ref, wa_ref, wb_ref, b_ref, g_ref,
                be_ref, mx_ref, scale_ref, shift_ref, s1, s2):
    i = pl.program_id(0)

    @pl.when(i == 0)
    def _():
        s1[...] = jnp.zeros_like(s1)
        s2[...] = jnp.zeros_like(s2)

    dn = (((1,), (0,)), ((), ()))
    bf = jnp.bfloat16
    xn = xn_ref[...]
    w = xn.shape[-1]
    tr = pt * KNN
    xn_rep = jnp.broadcast_to(xn[:, None, :], (pt, KNN, w)).reshape(tr, w)
    dx = f_ref[...] - xn_rep
    ya = lax.dot_general(dx.astype(bf), wa_ref[...].astype(bf), dn,
                         preferred_element_type=jnp.float32)
    yb = lax.dot_general(xn.astype(bf), wb_ref[...].astype(bf), dn,
                         preferred_element_type=jnp.float32) + b_ref[...]
    o = ya.shape[-1]
    yg = ya.reshape(pt, KNN, o)
    sa = jnp.sum(yg, axis=1)
    mx_ref[...] = jnp.max(yg, axis=1) + yb
    s1[...] += (jnp.sum(sa, axis=0, keepdims=True) +
                KNN * jnp.sum(yb, axis=0, keepdims=True))
    s2[...] += (jnp.sum(ya * ya, axis=0, keepdims=True) +
                jnp.sum(2.0 * sa * yb + KNN * (yb * yb), axis=0,
                        keepdims=True))

    @pl.when(i == nsteps - 1)
    def _():
        cnt = jnp.float32(B * N * KNN)
        mean = s1[...] / cnt
        var = s2[...] / cnt - mean * mean
        sc = g_ref[...] * lax.rsqrt(var + 1e-5)
        scale_ref[...] = sc
        shift_ref[...] = be_ref[...] - mean * sc


def _econv(f, xn_tab, wa_t, wb_t, bb, g, be, o):
    wtab = xn_tab.shape[1]
    pt = 128
    tr = pt * KNN
    nsteps = (B * N) // pt
    return pl.pallas_call(
        functools.partial(_econv_body, nsteps, pt),
        grid=(nsteps,),
        in_specs=[
            pl.BlockSpec((tr, wtab), lambda i: (i, 0)),
            pl.BlockSpec((pt, wtab), lambda i: (i, 0)),
            pl.BlockSpec((wtab, o), lambda i: (0, 0)),
            pl.BlockSpec((wtab, o), lambda i: (0, 0)),
            pl.BlockSpec((1, o), lambda i: (0, 0)),
            pl.BlockSpec((1, o), lambda i: (0, 0)),
            pl.BlockSpec((1, o), lambda i: (0, 0)),
        ],
        out_specs=[
            pl.BlockSpec((pt, o), lambda i: (i, 0)),
            pl.BlockSpec((1, o), lambda i: (0, 0)),
            pl.BlockSpec((1, o), lambda i: (0, 0)),
        ],
        out_shape=[
            jax.ShapeDtypeStruct((B * N, o), jnp.float32),
            jax.ShapeDtypeStruct((1, o), jnp.float32),
            jax.ShapeDtypeStruct((1, o), jnp.float32),
        ],
        scratch_shapes=[pltpu.VMEM((1, o), jnp.float32),
                        pltpu.VMEM((1, o), jnp.float32)],
    )(f, xn_tab, wa_t, wb_t, bb, g, be)


def _normalize_body(mx_ref, scale_ref, shift_ref, xn_ref):
    xn_ref[...] = jnp.maximum(mx_ref[...] * scale_ref[...] + shift_ref[...],
                              0.0)


def _normalize(mx, scale, shift, o):
    tsn = 1024
    nsteps = (B * N) // tsn
    return pl.pallas_call(
        _normalize_body,
        grid=(nsteps,),
        in_specs=[
            pl.BlockSpec((tsn, o), lambda i: (i, 0)),
            pl.BlockSpec((1, o), lambda i: (0, 0)),
            pl.BlockSpec((1, o), lambda i: (0, 0)),
        ],
        out_specs=pl.BlockSpec((tsn, o), lambda i: (i, 0)),
        out_shape=jax.ShapeDtypeStruct((B * N, o), jnp.float32),
    )(mx, scale, shift)


def _final_body(nt, x1_ref, x2_ref, x3_ref, w1_ref, w2_ref, w3_ref,
                bo_ref, g_ref, be_ref, out_ref, s1, s2, my):
    b = pl.program_id(0)
    i = pl.program_id(1)

    @pl.when(jnp.logical_and(b == 0, i == 0))
    def _():
        s1[...] = jnp.zeros_like(s1)
        s2[...] = jnp.zeros_like(s2)
        my[...] = jnp.full_like(my, NEG_INF)

    dn = (((1,), (0,)), ((), ()))
    bf = jnp.bfloat16
    y = (lax.dot_general(x1_ref[0].astype(bf), w1_ref[...].astype(bf), dn,
                         preferred_element_type=jnp.float32) +
         lax.dot_general(x2_ref[0].astype(bf), w2_ref[...].astype(bf), dn,
                         preferred_element_type=jnp.float32) +
         lax.dot_general(x3_ref[0].astype(bf), w3_ref[...].astype(bf), dn,
                         preferred_element_type=jnp.float32) + bo_ref[...])
    s1[...] += jnp.sum(y, axis=0, keepdims=True)
    s2[...] += jnp.sum(y * y, axis=0, keepdims=True)
    my[pl.ds(b, 1), :] = jnp.maximum(my[pl.ds(b, 1), :],
                                     jnp.max(y, axis=0, keepdims=True))

    @pl.when(jnp.logical_and(b == B - 1, i == nt - 1))
    def _():
        cnt = jnp.float32(B * N)
        mean = s1[...] / cnt
        var = s2[...] / cnt - mean * mean
        sc = g_ref[...] * lax.rsqrt(var + 1e-5)
        sh = be_ref[...] - mean * sc
        out_ref[...] = jnp.maximum(my[...] * sc + sh, 0.0)


def _final(x1, x2, x3, w1t, w2t, w3t, bo, g, be):
    tf = 512
    nt = N // tf
    return pl.pallas_call(
        functools.partial(_final_body, nt),
        grid=(B, nt),
        in_specs=[
            pl.BlockSpec((1, tf, 128), lambda b, i: (b, i, 0)),
            pl.BlockSpec((1, tf, 128), lambda b, i: (b, i, 0)),
            pl.BlockSpec((1, tf, 256), lambda b, i: (b, i, 0)),
            pl.BlockSpec((128, 512), lambda b, i: (0, 0)),
            pl.BlockSpec((128, 512), lambda b, i: (0, 0)),
            pl.BlockSpec((256, 512), lambda b, i: (0, 0)),
            pl.BlockSpec((1, 512), lambda b, i: (0, 0)),
            pl.BlockSpec((1, 512), lambda b, i: (0, 0)),
            pl.BlockSpec((1, 512), lambda b, i: (0, 0)),
        ],
        out_specs=pl.BlockSpec((B, 512), lambda b, i: (0, 0)),
        out_shape=jax.ShapeDtypeStruct((B, 512), jnp.float32),
        scratch_shapes=[pltpu.VMEM((1, 512), jnp.float32),
                        pltpu.VMEM((1, 512), jnp.float32),
                        pltpu.VMEM((B, 512), jnp.float32)],
    )(x1, x2, x3, w1t, w2t, w3t, bo, g, be)


def _layer(x_mm, x_tab, W, bb, g, be, o_real, o_pad, d_real):
    wtab = x_tab.shape[1]
    wa_t = jnp.zeros((wtab, o_pad), jnp.float32)
    wa_t = wa_t.at[:d_real, :o_real].set(W[:, :d_real].T)
    wb_t = jnp.zeros((wtab, o_pad), jnp.float32)
    wb_t = wb_t.at[:d_real, :o_real].set(W[:, d_real:].T)
    op = o_pad - o_real
    bp = jnp.pad(bb, (0, op)).reshape(1, o_pad)
    gp = jnp.pad(g, (0, op)).reshape(1, o_pad)
    bep = jnp.pad(be, (0, op)).reshape(1, o_pad)
    idx = _prep_topk(x_mm)
    idxw = idx.reshape(NW, NG * RG)
    f = _sc_edge(x_tab, idxw)
    mx, scale, shift = _econv(f, x_tab, wa_t, wb_t, bp, gp, bep, o_pad)
    xn = _normalize(mx, scale, shift, o_pad)
    return xn


def kernel(x, W1, b1, g1, be1, W2, b2, g2, be2, W3, b3, g3, be3,
           Wout, bout, gout, beout):
    xr = jnp.transpose(x, (0, 2, 1))
    x_mm1 = jnp.pad(xr, ((0, 0), (0, 0), (0, 5)))
    x_tab1 = jnp.pad(xr, ((0, 0), (0, 0), (0, 125))).reshape(B * N, 128)
    x1 = _layer(x_mm1, x_tab1, W1, b1, g1, be1, 64, 128, 3)
    x2 = _layer(x1.reshape(B, N, 128), x1, W2, b2, g2, be2, 128, 128, 64)
    x3 = _layer(x2.reshape(B, N, 128), x2, W3, b3, g3, be3, 256, 256, 128)
    w1t = jnp.pad(Wout[:, :64].T, ((0, 64), (0, 0)))
    out = _final(x1.reshape(B, N, 128), x2.reshape(B, N, 128),
                 x3.reshape(B, N, 256),
                 w1t, Wout[:, 64:192].T, Wout[:, 192:].T,
                 bout.reshape(1, 512), gout.reshape(1, 512),
                 beout.reshape(1, 512))
    return out

# --- scband reference (transcript-rebuilt; emitter-appended) ---
"""Pipeline reference for scband-dgcnnencoder-24343874634076 (READ-ONLY COPY).

The authoritative reference and input builder live on the scoring server;
editing this copy changes nothing except your own understanding.
"""

import jax, jax.numpy as jnp
import numpy as np

K = 20

def knn(x, k):
    inner = -2.0 * jnp.matmul(jnp.transpose(x, (0, 2, 1)), x)
    xx = jnp.sum(x ** 2, axis=1, keepdims=True)
    pd = -xx - inner - jnp.transpose(xx, (0, 2, 1))
    return jax.lax.top_k(pd, k)[1]

def get_graph_feature(x, k):
    B, d, N = x.shape
    idx = knn(x, k)
    idx = (idx + jnp.arange(B).reshape(-1, 1, 1) * N).reshape(-1)
    xt = jnp.transpose(x, (0, 2, 1)).reshape(B * N, d)
    f = xt[idx].reshape(B, N, k, d)
    xr = xt.reshape(B, N, 1, d)
    f = jnp.concatenate([f - xr, jnp.broadcast_to(xr, (B, N, k, d))], axis=3)
    return jnp.transpose(f, (0, 3, 1, 2))

def conv_bn_relu2d(f, W, b, g, be):
    y = jnp.einsum('oc,bcnk->bonk', W, f) + b[None, :, None, None]
    m = jnp.mean(y, axis=(0, 2, 3), keepdims=True)
    v = jnp.var(y, axis=(0, 2, 3), keepdims=True)
    y = (y - m) / jnp.sqrt(v + 1e-5) * g[None, :, None, None] + be[None, :, None, None]
    return jax.nn.relu(y)

def setup_inputs(seed: int = 0):
    key = jax.random.key(seed)
    ks = jax.random.split(key, 12)
    def u(k, shape, fan):
        bound = 1.0 / np.sqrt(fan)
        return jax.random.uniform(k, shape, jnp.float32, -bound, bound)
    inp = {}
    inp['x'] = jax.random.normal(ks[0], (4, 3, 2048), jnp.float32)
    inp['W1'] = u(ks[1], (64, 6), 6); inp['b1'] = u(ks[2], (64,), 6)
    inp['g1'] = jnp.ones((64,), jnp.float32); inp['be1'] = jnp.zeros((64,), jnp.float32)
    inp['W2'] = u(ks[3], (128, 128), 128); inp['b2'] = u(ks[4], (128,), 128)
    inp['g2'] = jnp.ones((128,), jnp.float32); inp['be2'] = jnp.zeros((128,), jnp.float32)
    inp['W3'] = u(ks[5], (256, 256), 256); inp['b3'] = u(ks[6], (256,), 256)
    inp['g3'] = jnp.ones((256,), jnp.float32); inp['be3'] = jnp.zeros((256,), jnp.float32)
    inp['Wout'] = u(ks[7], (512, 448), 448); inp['bout'] = u(ks[8], (512,), 448)
    inp['gout'] = jnp.ones((512,), jnp.float32); inp['beout'] = jnp.zeros((512,), jnp.float32)
    return inp

def reference(x, W1, b1, g1, be1, W2, b2, g2, be2, W3, b3, g3, be3, Wout, bout, gout, beout):
    f1 = get_graph_feature(x, K)
    x1 = jnp.max(conv_bn_relu2d(f1, W1, b1, g1, be1), axis=-1)
    f2 = get_graph_feature(x1, K)
    x2 = jnp.max(conv_bn_relu2d(f2, W2, b2, g2, be2), axis=-1)
    f3 = get_graph_feature(x2, K)
    x3 = jnp.max(conv_bn_relu2d(f3, W3, b3, g3, be3), axis=-1)
    xc = jnp.concatenate([x1, x2, x3], axis=1)
    y = jnp.einsum('oc,bcn->bon', Wout, xc) + bout[None, :, None]
    m = jnp.mean(y, axis=(0, 2), keepdims=True)
    v = jnp.var(y, axis=(0, 2), keepdims=True)
    y = (y - m) / jnp.sqrt(v + 1e-5) * gout[None, :, None] + beout[None, :, None]
    y = jax.nn.relu(y)
    return jnp.max(y, axis=2)

if __name__ == "__main__":
    import jax
    _d = setup_inputs()
    print(jax.jit(kernel)(*tuple(_d.values())))

</pallas_src>

<mosaic_0001>
#map = affine_map<(d0, d1) -> (0, 0)>
module attributes {stable_mosaic.version = 14 : i64} {
  func.func @k(%arg0: i32, %arg1: i32, %arg2: memref<8192x128xf32, #tpu.memory_space<hbm>>, %arg3: memref<32x5120xi32, #tpu.memory_space<hbm>>, %arg4: memref<163840x128xf32, #tpu.memory_space<hbm>>, %arg5: memref<5120xi32, #tpu.memory_space<vmem>>, %arg6: memref<80x128xf32, #tpu.memory_space<vmem>>, %arg7: memref<80x128xf32, #tpu.memory_space<vmem>>, %arg8: memref<80x128xf32, #tpu.memory_space<vmem>>, %arg9: memref<80x128xf32, #tpu.memory_space<vmem>>, %arg10: memref<!tpu.dma_semaphore, #tpu.memory_space<semaphore_mem>>, %arg11: memref<!tpu.dma_semaphore, #tpu.memory_space<semaphore_mem>>, %arg12: memref<!tpu.dma_semaphore, #tpu.memory_space<semaphore_mem>>, %arg13: memref<!tpu.dma_semaphore, #tpu.memory_space<semaphore_mem>>, %arg14: memref<!tpu.dma_semaphore, #tpu.memory_space<semaphore_mem>>, %arg15: memref<!tpu.dma_semaphore, #tpu.memory_space<semaphore_mem>>) attributes {dimension_semantics = [#tpu.dimension_semantics<core_parallel>, #tpu.dimension_semantics<subcore_parallel>], iteration_bounds = array<i64: 2, 16>, scalar_prefetch = 0 : i64, scratch_operands = 11 : i64, tpu.core_type = #tpu.core_type<sc_vector_subcore>, window_params = [{transform_indices = #map}, {transform_indices = #map}, {transform_indices = #map}]} {
    %mul3A = arith.constant 2 : i32
    %mul3A_0 = arith.muli %arg1, %mul3A : i32
    %add3A = arith.addi %mul3A_0, %arg0 : i32
    %mul3A_1 = arith.constant 256 : i32
    %mul3A_2 = arith.muli %add3A, %mul3A_1 : i32
    %mul3A_3 = arith.constant 20 : i32
    %mul3A_4 = arith.muli %mul3A_2, %mul3A_3 : i32
    "tpu.region"() ({
      %run_scoped3A = tpu.sem_alloc : memref<!tpu.dma_semaphore, #tpu.memory_space<semaphore_mem>>
      %dma_start3A_30 = arith.constant 0 : i32
      %dma_start3A_31 = tpu.memref_slice %arg3[%add3A, %dma_start3A_30] : memref<32x5120xi32, #tpu.memory_space<hbm>> -> memref<1x5120xi32, #tpu.memory_space<hbm>>
      %dma_start3A_32 = tpu.memref_squeeze %dma_start3A_31 : memref<1x5120xi32, #tpu.memory_space<hbm>> -> memref<5120xi32, #tpu.memory_space<hbm>>
      %dma_start3A_33 = arith.constant 0 : i32
      %dma_start3A_34 = tpu.memref_slice %arg3[%add3A, %dma_start3A_33] : memref<32x5120xi32, #tpu.memory_space<hbm>> -> memref<1x5120xi32, #tpu.memory_space<hbm>>
      %dma_start3A_35 = tpu.memref_squeeze %dma_start3A_34 : memref<1x5120xi32, #tpu.memory_space<hbm>> -> memref<5120xi32, #tpu.memory_space<hbm>>
      tpu.enqueue_dma source(%dma_start3A_35 : memref<5120xi32, #tpu.memory_space<hbm>>) target(%arg5 : memref<5120xi32, #tpu.memory_space<vmem>>) target_semaphore(%run_scoped3A : memref<!tpu.dma_semaphore, #tpu.memory_space<semaphore_mem>>)
      %dma_wait3A_36 = arith.constant 0 : i32
      %dma_wait3A_37 = tpu.memref_slice %arg3[%add3A, %dma_wait3A_36] : memref<32x5120xi32, #tpu.memory_space<hbm>> -> memref<1x5120xi32, #tpu.memory_space<hbm>>
      %dma_wait3A_38 = tpu.memref_squeeze %dma_wait3A_37 : memref<1x5120xi32, #tpu.memory_space<hbm>> -> memref<5120xi32, #tpu.memory_space<hbm>>
      %dma_wait3A_39 = arith.constant 0 : i32
      %dma_wait3A_40 = tpu.memref_slice %arg3[%add3A, %dma_wait3A_39] : memref<32x5120xi32, #tpu.memory_space<hbm>> -> memref<1x5120xi32, #tpu.memory_space<hbm>>
      %dma_wait3A_41 = tpu.memref_squeeze %dma_wait3A_40 : memref<1x5120xi32, #tpu.memory_space<hbm>> -> memref<5120xi32, #tpu.memory_space<hbm>>
      tpu.wait_dma2 semaphore(%run_scoped3A : memref<!tpu.dma_semaphore, #tpu.memory_space<semaphore_mem>>) src(%dma_wait3A_41 : memref<5120xi32, #tpu.memory_space<hbm>>) dst(%arg5 : memref<5120xi32, #tpu.memory_space<vmem>>)
      tpu.yield
    }) : () -> ()
    %dma_start3A = arith.constant 0 : i32
    %dma_start3A_5 = tpu.memref_slice %arg5[%dma_start3A] : memref<5120xi32, #tpu.memory_space<vmem>> -> memref<80xi32, #tpu.memory_space<vmem>>
    %dma_start3A_6 = arith.constant 0 : i32
    %dma_start3A_7 = arith.constant 0 : i32
    %dma_start3A_8 = tpu.memref_slice %arg2[%dma_start3A_6, %dma_start3A_7] : memref<8192x128xf32, #tpu.memory_space<hbm>> -> memref<8192x128xf32, #tpu.memory_space<hbm>>
    tpu.enqueue_indirect_dma source(%dma_start3A_8 : memref<8192x128xf32, #tpu.memory_space<hbm>>) target(%arg6 : memref<80x128xf32, #tpu.memory_space<vmem>>) offsets(%dma_start3A_5 : memref<80xi32, #tpu.memory_space<vmem>>) semaphore(%arg10 : memref<!tpu.dma_semaphore, #tpu.memory_space<semaphore_mem>>)
    %dma_start3A_9 = arith.constant 80 : i32
    %dma_start3A_10 = tpu.memref_slice %arg5[%dma_start3A_9] : memref<5120xi32, #tpu.memory_space<vmem>> -> memref<80xi32, #tpu.memory_space<vmem>>
    %dma_start3A_11 = arith.constant 0 : i32
    %dma_start3A_12 = arith.constant 0 : i32
    %dma_start3A_13 = tpu.memref_slice %arg2[%dma_start3A_11, %dma_start3A_12] : memref<8192x128xf32, #tpu.memory_space<hbm>> -> memref<8192x128xf32, #tpu.memory_space<hbm>>
    tpu.enqueue_indirect_dma source(%dma_start3A_13 : memref<8192x128xf32, #tpu.memory_space<hbm>>) target(%arg7 : memref<80x128xf32, #tpu.memory_space<vmem>>) offsets(%dma_start3A_10 : memref<80xi32, #tpu.memory_space<vmem>>) semaphore(%arg11 : memref<!tpu.dma_semaphore, #tpu.memory_space<semaphore_mem>>)
    %scan3A = arith.constant 0 : i32
    %scan3A_14 = arith.constant 0 : i32
    %scan3A_15 = arith.constant 16 : i32
    %scan3A_16 = arith.addi %scan3A_14, %scan3A_15 : i32
    %scan3A_17 = arith.constant 1 : i32
    scf.for %scan3A_30 = %scan3A_14 to %scan3A_16 step %scan3A_17  : i32 {
      %mul3A_31 = arith.constant 4 : i32
      %mul3A_32 = arith.muli %scan3A_30, %mul3A_31 : i32
      %add3A_33 = arith.constant 0 : i32
      %add3A_34 = arith.addi %mul3A_32, %add3A_33 : i32
      %ge3A = arith.constant 2 : i32
      %ge3A_35 = arith.cmpi sge, %add3A_34, %ge3A : i32
      %convert_element_type3A = arith.extui %ge3A_35 : i1 to i32
      %cond3A = arith.constant 0 : i32
      %cond3A_36 = arith.cmpi ne, %convert_element_type3A, %cond3A : i32
      scf.if %cond3A_36 {
        %sub3A = arith.constant 2 : i32
        %sub3A_143 = arith.subi %add3A_34, %sub3A : i32
        %mul3A_144 = arith.constant 80 : i32
        %mul3A_145 = arith.muli %sub3A_143, %mul3A_144 : i32
        %add3A_146 = arith.addi %mul3A_4, %mul3A_145 : i32
        %dma_wait3A_147 = arith.constant 0 : i32
        %dma_wait3A_148 = tpu.memref_slice %arg4[%add3A_146, %dma_wait3A_147] : memref<163840x128xf32, #tpu.memory_space<hbm>> -> memref<80x128xf32, #tpu.memory_space<hbm>>
        %dma_wait3A_149 = arith.constant 0 : i32
        %dma_wait3A_150 = tpu.memref_slice %arg4[%add3A_146, %dma_wait3A_149] : memref<163840x128xf32, #tpu.memory_space<hbm>> -> memref<80x128xf32, #tpu.memory_space<hbm>>
        tpu.wait_dma2 semaphore(%arg14 : memref<!tpu.dma_semaphore, #tpu.memory_space<semaphore_mem>>) src(%arg8 : memref<80x128xf32, #tpu.memory_space<vmem>>) dst(%dma_wait3A_150 : memref<80x128xf32, #tpu.memory_space<hbm>>)
      } else {
      }
      %add3A_37 = arith.constant 2 : i32
      %add3A_38 = arith.addi %add3A_34, %add3A_37 : i32
      %lt3A = arith.constant 64 : i32
      %lt3A_39 = arith.cmpi slt, %add3A_38, %lt3A : i32
      %convert_element_type3A_40 = arith.extui %lt3A_39 : i1 to i32
      %cond3A_41 = arith.constant 0 : i32
      %cond3A_42 = arith.cmpi ne, %convert_element_type3A_40, %cond3A_41 : i32
      scf.if %cond3A_42 {
        %add3A_143 = arith.constant 2 : i32
        %add3A_144 = arith.addi %add3A_34, %add3A_143 : i32
        %mul3A_145 = arith.constant 80 : i32
        %mul3A_146 = arith.muli %add3A_144, %mul3A_145 : i32
        %dma_start3A_147 = tpu.memref_slice %arg5[%mul3A_146] : memref<5120xi32, #tpu.memory_space<vmem>> -> memref<80xi32, #tpu.memory_space<vmem>>
        %dma_start3A_148 = arith.constant 0 : i32
        %dma_start3A_149 = arith.constant 0 : i32
        %dma_start3A_150 = tpu.memref_slice %arg2[%dma_start3A_148, %dma_start3A_149] : memref<8192x128xf32, #tpu.memory_space<hbm>> -> memref<8192x128xf32, #tpu.memory_space<hbm>>
        tpu.enqueue_indirect_dma source(%dma_start3A_150 : memref<8192x128xf32, #tpu.memory_space<hbm>>) target(%arg8 : memref<80x128xf32, #tpu.memory_space<vmem>>) offsets(%dma_start3A_147 : memref<80xi32, #tpu.memory_space<vmem>>) semaphore(%arg12 : memref<!tpu.dma_semaphore, #tpu.memory_space<semaphore_mem>>)
      } else {
      }
      %mul3A_43 = arith.constant 80 : i32
      %mul3A_44 = arith.muli %add3A_34, %mul3A_43 : i32
      %dma_wait3A_45 = tpu.memref_slice %arg5[%mul3A_44] : memref<5120xi32, #tpu.memory_space<vmem>> -> memref<80xi32, #tpu.memory_space<vmem>>
      %dma_wait3A_46 = arith.constant 0 : i32
      %dma_wait3A_47 = arith.constant 0 : i32
      %dma_wait3A_48 = tpu.memref_slice %arg2[%dma_wait3A_46, %dma_wait3A_47] : memref<8192x128xf32, #tpu.memory_space<hbm>> -> memref<8192x128xf32, #tpu.memory_space<hbm>>
      tpu.wait_indirect_dma semaphore(%arg10 : memref<!tpu.dma_semaphore, #tpu.memory_space<semaphore_mem>>) src(%dma_wait3A_48 : memref<8192x128xf32, #tpu.memory_space<hbm>>) dst(%arg6 : memref<80x128xf32, #tpu.memory_space<vmem>>)
      %mul3A_49 = arith.constant 80 : i32
      %mul3A_50 = arith.muli %add3A_34, %mul3A_49 : i32
      %add3A_51 = arith.addi %mul3A_4, %mul3A_50 : i32
      %dma_start3A_52 = arith.constant 0 : i32
      %dma_start3A_53 = tpu.memref_slice %arg4[%add3A_51, %dma_start3A_52] : memref<163840x128xf32, #tpu.memory_space<hbm>> -> memref<80x128xf32, #tpu.memory_space<hbm>>
      %dma_start3A_54 = arith.constant 0 : i32
      %dma_start3A_55 = tpu.memref_slice %arg4[%add3A_51, %dma_start3A_54] : memref<163840x128xf32, #tpu.memory_space<hbm>> -> memref<80x128xf32, #tpu.memory_space<hbm>>
      tpu.enqueue_dma source(%arg6 : memref<80x128xf32, #tpu.memory_space<vmem>>) target(%dma_start3A_55 : memref<80x128xf32, #tpu.memory_space<hbm>>) target_semaphore(%arg14 : memref<!tpu.dma_semaphore, #tpu.memory_space<semaphore_mem>>)
      %mul3A_56 = arith.constant 4 : i32
      %mul3A_57 = arith.muli %scan3A_30, %mul3A_56 : i32
      %add3A_58 = arith.constant 1 : i32
      %add3A_59 = arith.addi %mul3A_57, %add3A_58 : i32
      %ge3A_60 = arith.constant 2 : i32
      %ge3A_61 = arith.cmpi sge, %add3A_59, %ge3A_60 : i32
      %convert_element_type3A_62 = arith.extui %ge3A_61 : i1 to i32
      %cond3A_63 = arith.constant 0 : i32
      %cond3A_64 = arith.cmpi ne, %convert_element_type3A_62, %cond3A_63 : i32
      scf.if %cond3A_64 {
        %sub3A = arith.constant 2 : i32
        %sub3A_143 = arith.subi %add3A_59, %sub3A : i32
        %mul3A_144 = arith.constant 80 : i32
        %mul3A_145 = arith.muli %sub3A_143, %mul3A_144 : i32
        %add3A_146 = arith.addi %mul3A_4, %mul3A_145 : i32
        %dma_wait3A_147 = arith.constant 0 : i32
        %dma_wait3A_148 = tpu.memref_slice %arg4[%add3A_146, %dma_wait3A_147] : memref<163840x128xf32, #tpu.memory_space<hbm>> -> memref<80x128xf32, #tpu.memory_space<hbm>>
        %dma_wait3A_149 = arith.constant 0 : i32
        %dma_wait3A_150 = tpu.memref_slice %arg4[%add3A_146, %dma_wait3A_149] : memref<163840x128xf32, #tpu.memory_space<hbm>> -> memref<80x128xf32, #tpu.memory_space<hbm>>
        tpu.wait_dma2 semaphore(%arg15 : memref<!tpu.dma_semaphore, #tpu.memory_space<semaphore_mem>>) src(%arg9 : memref<80x128xf32, #tpu.memory_space<vmem>>) dst(%dma_wait3A_150 : memref<80x128xf32, #tpu.memory_space<hbm>>)
      } else {
      }
      %add3A_65 = arith.constant 2 : i32
      %add3A_66 = arith.addi %add3A_59, %add3A_65 : i32
      %lt3A_67 = arith.constant 64 : i32
      %lt3A_68 = arith.cmpi slt, %add3A_66, %lt3A_67 : i32
      %convert_element_type3A_69 = arith.extui %lt3A_68 : i1 to i32
      %cond3A_70 = arith.constant 0 : i32
      %cond3A_71 = arith.cmpi ne, %convert_element_type3A_69, %cond3A_70 : i32
      scf.if %cond3A_71 {
        %add3A_143 = arith.constant 2 : i32
        %add3A_144 = arith.addi %add3A_59, %add3A_143 : i32
        %mul3A_145 = arith.constant 80 : i32
        %mul3A_146 = arith.muli %add3A_144, %mul3A_145 : i32
        %dma_start3A_147 = tpu.memref_slice %arg5[%mul3A_146] : memref<5120xi32, #tpu.memory_space<vmem>> -> memref<80xi32, #tpu.memory_space<vmem>>
        %dma_start3A_148 = arith.constant 0 : i32
        %dma_start3A_149 = arith.constant 0 : i32
        %dma_start3A_150 = tpu.memref_slice %arg2[%dma_start3A_148, %dma_start3A_149] : memref<8192x128xf32, #tpu.memory_space<hbm>> -> memref<8192x128xf32, #tpu.memory_space<hbm>>
        tpu.enqueue_indirect_dma source(%dma_start3A_150 : memref<8192x128xf32, #tpu.memory_space<hbm>>) target(%arg9 : memref<80x128xf32, #tpu.memory_space<vmem>>) offsets(%dma_start3A_147 : memref<80xi32, #tpu.memory_space<vmem>>) semaphore(%arg13 : memref<!tpu.dma_semaphore, #tpu.memory_space<semaphore_mem>>)
      } else {
      }
      %mul3A_72 = arith.constant 80 : i32
      %mul3A_73 = arith.muli %add3A_59, %mul3A_72 : i32
      %dma_wait3A_74 = tpu.memref_slice %arg5[%mul3A_73] : memref<5120xi32, #tpu.memory_space<vmem>> -> memref<80xi32, #tpu.memory_space<vmem>>
      %dma_wait3A_75 = arith.constant 0 : i32
      %dma_wait3A_76 = arith.constant 0 : i32
      %dma_wait3A_77 = tpu.memref_slice %arg2[%dma_wait3A_75, %dma_wait3A_76] : memref<8192x128xf32, #tpu.memory_space<hbm>> -> memref<8192x128xf32, #tpu.memory_space<hbm>>
      tpu.wait_indirect_dma semaphore(%arg11 : memref<!tpu.dma_semaphore, #tpu.memory_space<semaphore_mem>>) src(%dma_wait3A_77 : memref<8192x128xf32, #tpu.memory_space<hbm>>) dst(%arg7 : memref<80x128xf32, #tpu.memory_space<vmem>>)
      %mul3A_78 = arith.constant 80 : i32
      %mul3A_79 = arith.muli %add3A_59, %mul3A_78 : i32
      %add3A_80 = arith.addi %mul3A_4, %mul3A_79 : i32
      %dma_start3A_81 = arith.constant 0 : i32
      %dma_start3A_82 = tpu.memref_slice %arg4[%add3A_80, %dma_start3A_81] : memref<163840x128xf32, #tpu.memory_space<hbm>> -> memref<80x128xf32, #tpu.memory_space<hbm>>
      %dma_start3A_83 = arith.constant 0 : i32
      %dma_start3A_84 = tpu.memref_slice %arg4[%add3A_80, %dma_start3A_83] : memref<163840x128xf32, #tpu.memory_space<hbm>> -> memref<80x128xf32, #tpu.memory_space<hbm>>
      tpu.enqueue_dma source(%arg7 : memref<80x128xf32, #tpu.memory_space<vmem>>) target(%dma_start3A_84 : memref<80x128xf32, #tpu.memory_space<hbm>>) target_semaphore(%arg15 : memref<!tpu.dma_semaphore, #tpu.memory_space<semaphore_mem>>)
      %mul3A_85 = arith.constant 4 : i32
      %mul3A_86 = arith.muli %scan3A_30, %mul3A_85 : i32
      %add3A_87 = arith.constant 2 : i32
      %add3A_88 = arith.addi %mul3A_86, %add3A_87 : i32
      %ge3A_89 = arith.constant 2 : i32
      %ge3A_90 = arith.cmpi sge, %add3A_88, %ge3A_89 : i32
      %convert_element_type3A_91 = arith.extui %ge3A_90 : i1 to i32
      %cond3A_92 = arith.constant 0 : i32
      %cond3A_93 = arith.cmpi ne, %convert_element_type3A_91, %cond3A_92 : i32
      scf.if %cond3A_93 {
        %sub3A = arith.constant 2 : i32
        %sub3A_143 = arith.subi %add3A_88, %sub3A : i32
        %mul3A_144 = arith.constant 80 : i32
        %mul3A_145 = arith.muli %sub3A_143, %mul3A_144 : i32
        %add3A_146 = arith.addi %mul3A_4, %mul3A_145 : i32
        %dma_wait3A_147 = arith.constant 0 : i32
        %dma_wait3A_148 = tpu.memref_slice %arg4[%add3A_146, %dma_wait3A_147] : memref<163840x128xf32, #tpu.memory_space<hbm>> -> memref<80x128xf32, #tpu.memory_space<hbm>>
        %dma_wait3A_149 = arith.constant 0 : i32
        %dma_wait3A_150 = tpu.memref_slice %arg4[%add3A_146, %dma_wait3A_149] : memref<163840x128xf32, #tpu.memory_space<hbm>> -> memref<80x128xf32, #tpu.memory_space<hbm>>
        tpu.wait_dma2 semaphore(%arg14 : memref<!tpu.dma_semaphore, #tpu.memory_space<semaphore_mem>>) src(%arg6 : memref<80x128xf32, #tpu.memory_space<vmem>>) dst(%dma_wait3A_150 : memref<80x128xf32, #tpu.memory_space<hbm>>)
      } else {
      }
      %add3A_94 = arith.constant 2 : i32
      %add3A_95 = arith.addi %add3A_88, %add3A_94 : i32
      %lt3A_96 = arith.constant 64 : i32
      %lt3A_97 = arith.cmpi slt, %add3A_95, %lt3A_96 : i32
      %convert_element_type3A_98 = arith.extui %lt3A_97 : i1 to i32
      %cond3A_99 = arith.constant 0 : i32
      %cond3A_100 = arith.cmpi ne, %convert_element_type3A_98, %cond3A_99 : i32
      scf.if %cond3A_100 {
        %add3A_143 = arith.constant 2 : i32
        %add3A_144 = arith.addi %add3A_88, %add3A_143 : i32
        %mul3A_145 = arith.constant 80 : i32
        %mul3A_146 = arith.muli %add3A_144, %mul3A_145 : i32
        %dma_start3A_147 = tpu.memref_slice %arg5[%mul3A_146] : memref<5120xi32, #tpu.memory_space<vmem>> -> memref<80xi32, #tpu.memory_space<vmem>>
        %dma_start3A_148 = arith.constant 0 : i32
        %dma_start3A_149 = arith.constant 0 : i32
        %dma_start3A_150 = tpu.memref_slice %arg2[%dma_start3A_148, %dma_start3A_149] : memref<8192x128xf32, #tpu.memory_space<hbm>> -> memref<8192x128xf32, #tpu.memory_space<hbm>>
        tpu.enqueue_indirect_dma source(%dma_start3A_150 : memref<8192x128xf32, #tpu.memory_space<hbm>>) target(%arg6 : memref<80x128xf32, #tpu.memory_space<vmem>>) offsets(%dma_start3A_147 : memref<80xi32, #tpu.memory_space<vmem>>) semaphore(%arg10 : memref<!tpu.dma_semaphore, #tpu.memory_space<semaphore_mem>>)
      } else {
      }
      %mul3A_101 = arith.constant 80 : i32
      %mul3A_102 = arith.muli %add3A_88, %mul3A_101 : i32
      %dma_wait3A_103 = tpu.memref_slice %arg5[%mul3A_102] : memref<5120xi32, #tpu.memory_space<vmem>> -> memref<80xi32, #tpu.memory_space<vmem>>
      %dma_wait3A_104 = arith.constant 0 : i32
      %dma_wait3A_105 = arith.constant 0 : i32
      %dma_wait3A_106 = tpu.memref_slice %arg2[%dma_wait3A_104, %dma_wait3A_105] : memref<8192x128xf32, #tpu.memory_space<hbm>> -> memref<8192x128xf32, #tpu.memory_space<hbm>>
      tpu.wait_indirect_dma semaphore(%arg12 : memref<!tpu.dma_semaphore, #tpu.memory_space<semaphore_mem>>) src(%dma_wait3A_106 : memref<8192x128xf32, #tpu.memory_space<hbm>>) dst(%arg8 : memref<80x128xf32, #tpu.memory_space<vmem>>)
      %mul3A_107 = arith.constant 80 : i32
      %mul3A_108 = arith.muli %add3A_88, %mul3A_107 : i32
      %add3A_109 = arith.addi %mul3A_4, %mul3A_108 : i32
      %dma_start3A_110 = arith.constant 0 : i32
      %dma_start3A_111 = tpu.memref_slice %arg4[%add3A_109, %dma_start3A_110] : memref<163840x128xf32, #tpu.memory_space<hbm>> -> memref<80x128xf32, #tpu.memory_space<hbm>>
      %dma_start3A_112 = arith.constant 0 : i32
      %dma_start3A_113 = tpu.memref_slice %arg4[%add3A_109, %dma_start3A_112] : memref<163840x128xf32, #tpu.memory_space<hbm>> -> memref<80x128xf32, #tpu.memory_space<hbm>>
      tpu.enqueue_dma source(%arg8 : memref<80x128xf32, #tpu.memory_space<vmem>>) target(%dma_start3A_113 : memref<80x128xf32, #tpu.memory_space<hbm>>) target_semaphore(%arg14 : memref<!tpu.dma_semaphore, #tpu.memory_space<semaphore_mem>>)
      %mul3A_114 = arith.constant 4 : i32
      %mul3A_115 = arith.muli %scan3A_30, %mul3A_114 : i32
      %add3A_116 = arith.constant 3 : i32
      %add3A_117 = arith.addi %mul3A_115, %add3A_116 : i32
      %ge3A_118 = arith.constant 2 : i32
      %ge3A_119 = arith.cmpi sge, %add3A_117, %ge3A_118 : i32
      %convert_element_type3A_120 = arith.extui %ge3A_119 : i1 to i32
      %cond3A_121 = arith.constant 0 : i32
      %cond3A_122 = arith.cmpi ne, %convert_element_type3A_120, %cond3A_121 : i32
      scf.if %cond3A_122 {
        %sub3A = arith.constant 2 : i32
        %sub3A_143 = arith.subi %add3A_117, %sub3A : i32
        %mul3A_144 = arith.constant 80 : i32
        %mul3A_145 = arith.muli %sub3A_143, %mul3A_144 : i32
        %add3A_146 = arith.addi %mul3A_4, %mul3A_145 : i32
        %dma_wait3A_147 = arith.constant 0 : i32
        %dma_wait3A_148 = tpu.memref_slice %arg4[%add3A_146, %dma_wait3A_147] : memref<163840x128xf32, #tpu.memory_space<hbm>> -> memref<80x128xf32, #tpu.memory_space<hbm>>
        %dma_wait3A_149 = arith.constant 0 : i32
        %dma_wait3A_150 = tpu.memref_slice %arg4[%add3A_146, %dma_wait3A_149] : memref<163840x128xf32, #tpu.memory_space<hbm>> -> memref<80x128xf32, #tpu.memory_space<hbm>>
        tpu.wait_dma2 semaphore(%arg15 : memref<!tpu.dma_semaphore, #tpu.memory_space<semaphore_mem>>) src(%arg7 : memref<80x128xf32, #tpu.memory_space<vmem>>) dst(%dma_wait3A_150 : memref<80x128xf32, #tpu.memory_space<hbm>>)
      } else {
      }
      %add3A_123 = arith.constant 2 : i32
      %add3A_124 = arith.addi %add3A_117, %add3A_123 : i32
      %lt3A_125 = arith.constant 64 : i32
      %lt3A_126 = arith.cmpi slt, %add3A_124, %lt3A_125 : i32
      %convert_element_type3A_127 = arith.extui %lt3A_126 : i1 to i32
      %cond3A_128 = arith.constant 0 : i32
      %cond3A_129 = arith.cmpi ne, %convert_element_type3A_127, %cond3A_128 : i32
      scf.if %cond3A_129 {
        %add3A_143 = arith.constant 2 : i32
        %add3A_144 = arith.addi %add3A_117, %add3A_143 : i32
        %mul3A_145 = arith.constant 80 : i32
        %mul3A_146 = arith.muli %add3A_144, %mul3A_145 : i32
        %dma_start3A_147 = tpu.memref_slice %arg5[%mul3A_146] : memref<5120xi32, #tpu.memory_space<vmem>> -> memref<80xi32, #tpu.memory_space<vmem>>
        %dma_start3A_148 = arith.constant 0 : i32
        %dma_start3A_149 = arith.constant 0 : i32
        %dma_start3A_150 = tpu.memref_slice %arg2[%dma_start3A_148, %dma_start3A_149] : memref<8192x128xf32, #tpu.memory_space<hbm>> -> memref<8192x128xf32, #tpu.memory_space<hbm>>
        tpu.enqueue_indirect_dma source(%dma_start3A_150 : memref<8192x128xf32, #tpu.memory_space<hbm>>) target(%arg7 : memref<80x128xf32, #tpu.memory_space<vmem>>) offsets(%dma_start3A_147 : memref<80xi32, #tpu.memory_space<vmem>>) semaphore(%arg11 : memref<!tpu.dma_semaphore, #tpu.memory_space<semaphore_mem>>)
      } else {
      }
      %mul3A_130 = arith.constant 80 : i32
      %mul3A_131 = arith.muli %add3A_117, %mul3A_130 : i32
      %dma_wait3A_132 = tpu.memref_slice %arg5[%mul3A_131] : memref<5120xi32, #tpu.memory_space<vmem>> -> memref<80xi32, #tpu.memory_space<vmem>>
      %dma_wait3A_133 = arith.constant 0 : i32
      %dma_wait3A_134 = arith.constant 0 : i32
      %dma_wait3A_135 = tpu.memref_slice %arg2[%dma_wait3A_133, %dma_wait3A_134] : memref<8192x128xf32, #tpu.memory_space<hbm>> -> memref<8192x128xf32, #tpu.memory_space<hbm>>
      tpu.wait_indirect_dma semaphore(%arg13 : memref<!tpu.dma_semaphore, #tpu.memory_space<semaphore_mem>>) src(%dma_wait3A_135 : memref<8192x128xf32, #tpu.memory_space<hbm>>) dst(%arg9 : memref<80x128xf32, #tpu.memory_space<vmem>>)
      %mul3A_136 = arith.constant 80 : i32
      %mul3A_137 = arith.muli %add3A_117, %mul3A_136 : i32
      %add3A_138 = arith.addi %mul3A_4, %mul3A_137 : i32
      %dma_start3A_139 = arith.constant 0 : i32
      %dma_start3A_140 = tpu.memref_slice %arg4[%add3A_138, %dma_start3A_139] : memref<163840x128xf32, #tpu.memory_space<hbm>> -> memref<80x128xf32, #tpu.memory_space<hbm>>
      %dma_start3A_141 = arith.constant 0 : i32
      %dma_start3A_142 = tpu.memref_slice %arg4[%add3A_138, %dma_start3A_141] : memref<163840x128xf32, #tpu.memory_space<hbm>> -> memref<80x128xf32, #tpu.memory_space<hbm>>
      tpu.enqueue_dma source(%arg9 : memref<80x128xf32, #tpu.memory_space<vmem>>) target(%dma_start3A_142 : memref<80x128xf32, #tpu.memory_space<hbm>>) target_semaphore(%arg15 : memref<!tpu.dma_semaphore, #tpu.memory_space<semaphore_mem>>)
    }
    %scan3A_18 = arith.constant 16 : i32
    %add3A_19 = arith.constant 4960 : i32
    %add3A_20 = arith.addi %mul3A_4, %add3A_19 : i32
    %dma_wait3A = arith.constant 0 : i32
    %dma_wait3A_21 = tpu.memref_slice %arg4[%add3A_20, %dma_wait3A] : memref<163840x128xf32, #tpu.memory_space<hbm>> -> memref<80x128xf32, #tpu.memory_space<hbm>>
    %dma_wait3A_22 = arith.constant 0 : i32
    %dma_wait3A_23 = tpu.memref_slice %arg4[%add3A_20, %dma_wait3A_22] : memref<163840x128xf32, #tpu.memory_space<hbm>> -> memref<80x128xf32, #tpu.memory_space<hbm>>
    tpu.wait_dma2 semaphore(%arg14 : memref<!tpu.dma_semaphore, #tpu.memory_space<semaphore_mem>>) src(%arg8 : memref<80x128xf32, #tpu.memory_space<vmem>>) dst(%dma_wait3A_23 : memref<80x128xf32, #tpu.memory_space<hbm>>)
    %add3A_24 = arith.constant 5040 : i32
    %add3A_25 = arith.addi %mul3A_4, %add3A_24 : i32
    %dma_wait3A_26 = arith.constant 0 : i32
    %dma_wait3A_27 = tpu.memref_slice %arg4[%add3A_25, %dma_wait3A_26] : memref<163840x128xf32, #tpu.memory_space<hbm>> -> memref<80x128xf32, #tpu.memory_space<hbm>>
    %dma_wait3A_28 = arith.constant 0 : i32
    %dma_wait3A_29 = tpu.memref_slice %arg4[%add3A_25, %dma_wait3A_28] : memref<163840x128xf32, #tpu.memory_space<hbm>> -> memref<80x128xf32, #tpu.memory_space<hbm>>
    tpu.wait_dma2 semaphore(%arg15 : memref<!tpu.dma_semaphore, #tpu.memory_space<semaphore_mem>>) src(%arg9 : memref<80x128xf32, #tpu.memory_space<vmem>>) dst(%dma_wait3A_29 : memref<80x128xf32, #tpu.memory_space<hbm>>)
    return
  }
}

#map = affine_map<(d0, d1) -> (0, 0)>
module attributes {stable_mosaic.version = 14 : i64} {
  func.func @k(%arg0: i32, %arg1: i32, %arg2: memref<8192x128xf32, #tpu.memory_space<hbm>>, %arg3: memref<32x5120xi32, #tpu.memory_space<hbm>>, %arg4: memref<163840x128xf32, #tpu.memory_space<hbm>>, %arg5: memref<5120xi32, #tpu.memory_space<vmem>>, %arg6: memref<80x128xf32, #tpu.memory_space<vmem>>, %arg7: memref<80x128xf32, #tpu.memory_space<vmem>>, %arg8: memref<80x128xf32, #tpu.memory_space<vmem>>, %arg9: memref<80x128xf32, #tpu.memory_space<vmem>>, %arg10: memref<!tpu.dma_semaphore, #tpu.memory_space<semaphore_mem>>, %arg11: memref<!tpu.dma_semaphore, #tpu.memory_space<semaphore_mem>>, %arg12: memref<!tpu.dma_semaphore, #tpu.memory_space<semaphore_mem>>, %arg13: memref<!tpu.dma_semaphore, #tpu.memory_space<semaphore_mem>>, %arg14: memref<!tpu.dma_semaphore, #tpu.memory_space<semaphore_mem>>, %arg15: memref<!tpu.dma_semaphore, #tpu.memory_space<semaphore_mem>>) attributes {dimension_semantics = [#tpu.dimension_semantics<core_parallel>, #tpu.dimension_semantics<subcore_parallel>], iteration_bounds = array<i64: 2, 16>, scalar_prefetch = 0 : i64, scratch_operands = 11 : i64, tpu.core_type = #tpu.core_type<sc_vector_subcore>, window_params = [{transform_indices = #map}, {transform_indices = #map}, {transform_indices = #map}]} {
    %mul3A = arith.constant 2 : i32
    %mul3A_0 = arith.muli %arg1, %mul3A : i32
    %add3A = arith.addi %mul3A_0, %arg0 : i32
    %mul3A_1 = arith.constant 256 : i32
    %mul3A_2 = arith.muli %add3A, %mul3A_1 : i32
    %mul3A_3 = arith.constant 20 : i32
    %mul3A_4 = arith.muli %mul3A_2, %mul3A_3 : i32
    "tpu.region"() ({
      %run_scoped3A = tpu.sem_alloc : memref<!tpu.dma_semaphore, #tpu.memory_space<semaphore_mem>>
      %dma_start3A_30 = arith.constant 0 : i32
      %dma_start3A_31 = tpu.memref_slice %arg3[%add3A, %dma_start3A_30] : memref<32x5120xi32, #tpu.memory_space<hbm>> -> memref<1x5120xi32, #tpu.memory_space<hbm>>
      %dma_start3A_32 = tpu.memref_squeeze %dma_start3A_31 : memref<1x5120xi32, #tpu.memory_space<hbm>> -> memref<5120xi32, #tpu.memory_space<hbm>>
      %dma_start3A_33 = arith.constant 0 : i32
      %dma_start3A_34 = tpu.memref_slice %arg3[%add3A, %dma_start3A_33] : memref<32x5120xi32, #tpu.memory_space<hbm>> -> memref<1x5120xi32, #tpu.memory_space<hbm>>
      %dma_start3A_35 = tpu.memref_squeeze %dma_start3A_34 : memref<1x5120xi32, #tpu.memory_space<hbm>> -> memref<5120xi32, #tpu.memory_space<hbm>>
      tpu.enqueue_dma source(%dma_start3A_35 : memref<5120xi32, #tpu.memory_space<hbm>>) target(%arg5 : memref<5120xi32, #tpu.memory_space<vmem>>) target_semaphore(%run_scoped3A : memref<!tpu.dma_semaphore, #tpu.memory_space<semaphore_mem>>)
      %dma_wait3A_36 = arith.constant 0 : i32
      %dma_wait3A_37 = tpu.memref_slice %arg3[%add3A, %dma_wait3A_36] : memref<32x5120xi32, #tpu.memory_space<hbm>> -> memref<1x5120xi32, #tpu.memory_space<hbm>>
      %dma_wait3A_38 = tpu.memref_squeeze %dma_wait3A_37 : memref<1x5120xi32, #tpu.memory_space<hbm>> -> memref<5120xi32, #tpu.memory_space<hbm>>
      %dma_wait3A_39 = arith.constant 0 : i32
      %dma_wait3A_40 = tpu.memref_slice %arg3[%add3A, %dma_wait3A_39] : memref<32x5120xi32, #tpu.memory_space<hbm>> -> memref<1x5120xi32, #tpu.memory_space<hbm>>
      %dma_wait3A_41 = tpu.memref_squeeze %dma_wait3A_40 : memref<1x5120xi32, #tpu.memory_space<hbm>> -> memref<5120xi32, #tpu.memory_space<hbm>>
      tpu.wait_dma2 semaphore(%run_scoped3A : memref<!tpu.dma_semaphore, #tpu.memory_space<semaphore_mem>>) src(%dma_wait3A_41 : memref<5120xi32, #tpu.memory_space<hbm>>) dst(%arg5 : memref<5120xi32, #tpu.memory_space<vmem>>)
      tpu.yield
    }) : () -> ()
    %dma_start3A = arith.constant 0 : i32
    %dma_start3A_5 = tpu.memref_slice %arg5[%dma_start3A] : memref<5120xi32, #tpu.memory_space<vmem>> -> memref<80xi32, #tpu.memory_space<vmem>>
    %dma_start3A_6 = arith.constant 0 : i32
    %dma_start3A_7 = arith.constant 0 : i32
    %dma_start3A_8 = tpu.memref_slice %arg2[%dma_start3A_6, %dma_start3A_7] : memref<8192x128xf32, #tpu.memory_space<hbm>> -> memref<8192x128xf32, #tpu.memory_space<hbm>>
    tpu.enqueue_indirect_dma source(%dma_start3A_8 : memref<8192x128xf32, #tpu.memory_space<hbm>>) target(%arg6 : memref<80x128xf32, #tpu.memory_space<vmem>>) offsets(%dma_start3A_5 : memref<80xi32, #tpu.memory_space<vmem>>) semaphore(%arg10 : memref<!tpu.dma_semaphore, #tpu.memory_space<semaphore_mem>>)
    %dma_start3A_9 = arith.constant 80 : i32
    %dma_start3A_10 = tpu.memref_slice %arg5[%dma_start3A_9] : memref<5120xi32, #tpu.memory_space<vmem>> -> memref<80xi32, #tpu.memory_space<vmem>>
    %dma_start3A_11 = arith.constant 0 : i32
    %dma_start3A_12 = arith.constant 0 : i32
    %dma_start3A_13 = tpu.memref_slice %arg2[%dma_start3A_11, %dma_start3A_12] : memref<8192x128xf32, #tpu.memory_space<hbm>> -> memref<8192x128xf32, #tpu.memory_space<hbm>>
    tpu.enqueue_indirect_dma source(%dma_start3A_13 : memref<8192x128xf32, #tpu.memory_space<hbm>>) target(%arg7 : memref<80x128xf32, #tpu.memory_space<vmem>>) offsets(%dma_start3A_10 : memref<80xi32, #tpu.memory_space<vmem>>) semaphore(%arg11 : memref<!tpu.dma_semaphore, #tpu.memory_space<semaphore_mem>>)
    %scan3A = arith.constant 0 : i32
    %scan3A_14 = arith.constant 0 : i32
    %scan3A_15 = arith.constant 16 : i32
    %scan3A_16 = arith.addi %scan3A_14, %scan3A_15 : i32
    %scan3A_17 = arith.constant 1 : i32
    scf.for %scan3A_30 = %scan3A_14 to %scan3A_16 step %scan3A_17  : i32 {
      %mul3A_31 = arith.constant 4 : i32
      %mul3A_32 = arith.muli %scan3A_30, %mul3A_31 : i32
      %add3A_33 = arith.constant 0 : i32
      %add3A_34 = arith.addi %mul3A_32, %add3A_33 : i32
      %ge3A = arith.constant 2 : i32
      %ge3A_35 = arith.cmpi sge, %add3A_34, %ge3A : i32
      %convert_element_type3A = arith.extui %ge3A_35 : i1 to i32
      %cond3A = arith.constant 0 : i32
      %cond3A_36 = arith.cmpi ne, %convert_element_type3A, %cond3A : i32
      scf.if %cond3A_36 {
        %sub3A = arith.constant 2 : i32
        %sub3A_143 = arith.subi %add3A_34, %sub3A : i32
        %mul3A_144 = arith.constant 80 : i32
        %mul3A_145 = arith.muli %sub3A_143, %mul3A_144 : i32
        %add3A_146 = arith.addi %mul3A_4, %mul3A_145 : i32
        %dma_wait3A_147 = arith.constant 0 : i32
        %dma_wait3A_148 = tpu.memref_slice %arg4[%add3A_146, %dma_wait3A_147] : memref<163840x128xf32, #tpu.memory_space<hbm>> -> memref<80x128xf32, #tpu.memory_space<hbm>>
        %dma_wait3A_149 = arith.constant 0 : i32
        %dma_wait3A_150 = tpu.memref_slice %arg4[%add3A_146, %dma_wait3A_149] : memref<163840x128xf32, #tpu.memory_space<hbm>> -> memref<80x128xf32, #tpu.memory_space<hbm>>
        tpu.wait_dma2 semaphore(%arg14 : memref<!tpu.dma_semaphore, #tpu.memory_space<semaphore_mem>>) src(%arg8 : memref<80x128xf32, #tpu.memory_space<vmem>>) dst(%dma_wait3A_150 : memref<80x128xf32, #tpu.memory_space<hbm>>)
      } else {
      }
      %add3A_37 = arith.constant 2 : i32
      %add3A_38 = arith.addi %add3A_34, %add3A_37 : i32
      %lt3A = arith.constant 64 : i32
      %lt3A_39 = arith.cmpi slt, %add3A_38, %lt3A : i32
      %convert_element_type3A_40 = arith.extui %lt3A_39 : i1 to i32
      %cond3A_41 = arith.constant 0 : i32
      %cond3A_42 = arith.cmpi ne, %convert_element_type3A_40, %cond3A_41 : i32
      scf.if %cond3A_42 {
        %add3A_143 = arith.constant 2 : i32
        %add3A_144 = arith.addi %add3A_34, %add3A_143 : i32
        %mul3A_145 = arith.constant 80 : i32
        %mul3A_146 = arith.muli %add3A_144, %mul3A_145 : i32
        %dma_start3A_147 = tpu.memref_slice %arg5[%mul3A_146] : memref<5120xi32, #tpu.memory_space<vmem>> -> memref<80xi32, #tpu.memory_space<vmem>>
        %dma_start3A_148 = arith.constant 0 : i32
        %dma_start3A_149 = arith.constant 0 : i32
        %dma_start3A_150 = tpu.memref_slice %arg2[%dma_start3A_148, %dma_start3A_149] : memref<8192x128xf32, #tpu.memory_space<hbm>> -> memref<8192x128xf32, #tpu.memory_space<hbm>>
        tpu.enqueue_indirect_dma source(%dma_start3A_150 : memref<8192x128xf32, #tpu.memory_space<hbm>>) target(%arg8 : memref<80x128xf32, #tpu.memory_space<vmem>>) offsets(%dma_start3A_147 : memref<80xi32, #tpu.memory_space<vmem>>) semaphore(%arg12 : memref<!tpu.dma_semaphore, #tpu.memory_space<semaphore_mem>>)
      } else {
      }
      %mul3A_43 = arith.constant 80 : i32
      %mul3A_44 = arith.muli %add3A_34, %mul3A_43 : i32
      %dma_wait3A_45 = tpu.memref_slice %arg5[%mul3A_44] : memref<5120xi32, #tpu.memory_space<vmem>> -> memref<80xi32, #tpu.memory_space<vmem>>
      %dma_wait3A_46 = arith.constant 0 : i32
      %dma_wait3A_47 = arith.constant 0 : i32
      %dma_wait3A_48 = tpu.memref_slice %arg2[%dma_wait3A_46, %dma_wait3A_47] : memref<8192x128xf32, #tpu.memory_space<hbm>> -> memref<8192x128xf32, #tpu.memory_space<hbm>>
      tpu.wait_indirect_dma semaphore(%arg10 : memref<!tpu.dma_semaphore, #tpu.memory_space<semaphore_mem>>) src(%dma_wait3A_48 : memref<8192x128xf32, #tpu.memory_space<hbm>>) dst(%arg6 : memref<80x128xf32, #tpu.memory_space<vmem>>)
      %mul3A_49 = arith.constant 80 : i32
      %mul3A_50 = arith.muli %add3A_34, %mul3A_49 : i32
      %add3A_51 = arith.addi %mul3A_4, %mul3A_50 : i32
      %dma_start3A_52 = arith.constant 0 : i32
      %dma_start3A_53 = tpu.memref_slice %arg4[%add3A_51, %dma_start3A_52] : memref<163840x128xf32, #tpu.memory_space<hbm>> -> memref<80x128xf32, #tpu.memory_space<hbm>>
      %dma_start3A_54 = arith.constant 0 : i32
      %dma_start3A_55 = tpu.memref_slice %arg4[%add3A_51, %dma_start3A_54] : memref<163840x128xf32, #tpu.memory_space<hbm>> -> memref<80x128xf32, #tpu.memory_space<hbm>>
      tpu.enqueue_dma source(%arg6 : memref<80x128xf32, #tpu.memory_space<vmem>>) target(%dma_start3A_55 : memref<80x128xf32, #tpu.memory_space<hbm>>) target_semaphore(%arg14 : memref<!tpu.dma_semaphore, #tpu.memory_space<semaphore_mem>>)
      %mul3A_56 = arith.constant 4 : i32
      %mul3A_57 = arith.muli %scan3A_30, %mul3A_56 : i32
      %add3A_58 = arith.constant 1 : i32
      %add3A_59 = arith.addi %mul3A_57, %add3A_58 : i32
      %ge3A_60 = arith.constant 2 : i32
      %ge3A_61 = arith.cmpi sge, %add3A_59, %ge3A_60 : i32
      %convert_element_type3A_62 = arith.extui %ge3A_61 : i1 to i32
      %cond3A_63 = arith.constant 0 : i32
      %cond3A_64 = arith.cmpi ne, %convert_element_type3A_62, %cond3A_63 : i32
      scf.if %cond3A_64 {
        %sub3A = arith.constant 2 : i32
        %sub3A_143 = arith.subi %add3A_59, %sub3A : i32
        %mul3A_144 = arith.constant 80 : i32
        %mul3A_145 = arith.muli %sub3A_143, %mul3A_144 : i32
        %add3A_146 = arith.addi %mul3A_4, %mul3A_145 : i32
        %dma_wait3A_147 = arith.constant 0 : i32
        %dma_wait3A_148 = tpu.memref_slice %arg4[%add3A_146, %dma_wait3A_147] : memref<163840x128xf32, #tpu.memory_space<hbm>> -> memref<80x128xf32, #tpu.memory_space<hbm>>
        %dma_wait3A_149 = arith.constant 0 : i32
        %dma_wait3A_150 = tpu.memref_slice %arg4[%add3A_146, %dma_wait3A_149] : memref<163840x128xf32, #tpu.memory_space<hbm>> -> memref<80x128xf32, #tpu.memory_space<hbm>>
        tpu.wait_dma2 semaphore(%arg15 : memref<!tpu.dma_semaphore, #tpu.memory_space<semaphore_mem>>) src(%arg9 : memref<80x128xf32, #tpu.memory_space<vmem>>) dst(%dma_wait3A_150 : memref<80x128xf32, #tpu.memory_space<hbm>>)
      } else {
      }
      %add3A_65 = arith.constant 2 : i32
      %add3A_66 = arith.addi %add3A_59, %add3A_65 : i32
      %lt3A_67 = arith.constant 64 : i32
      %lt3A_68 = arith.cmpi slt, %add3A_66, %lt3A_67 : i32
      %convert_element_type3A_69 = arith.extui %lt3A_68 : i1 to i32
      %cond3A_70 = arith.constant 0 : i32
      %cond3A_71 = arith.cmpi ne, %convert_element_type3A_69, %cond3A_70 : i32
      scf.if %cond3A_71 {
        %add3A_143 = arith.constant 2 : i32
        %add3A_144 = arith.addi %add3A_59, %add3A_143 : i32
        %mul3A_145 = arith.constant 80 : i32
        %mul3A_146 = arith.muli %add3A_144, %mul3A_145 : i32
        %dma_start3A_147 = tpu.memref_slice %arg5[%mul3A_146] : memref<5120xi32, #tpu.memory_space<vmem>> -> memref<80xi32, #tpu.memory_space<vmem>>
        %dma_start3A_148 = arith.constant 0 : i32
        %dma_start3A_149 = arith.constant 0 : i32
        %dma_start3A_150 = tpu.memref_slice %arg2[%dma_start3A_148, %dma_start3A_149] : memref<8192x128xf32, #tpu.memory_space<hbm>> -> memref<8192x128xf32, #tpu.memory_space<hbm>>
        tpu.enqueue_indirect_dma source(%dma_start3A_150 : memref<8192x128xf32, #tpu.memory_space<hbm>>) target(%arg9 : memref<80x128xf32, #tpu.memory_space<vmem>>) offsets(%dma_start3A_147 : memref<80xi32, #tpu.memory_space<vmem>>) semaphore(%arg13 : memref<!tpu.dma_semaphore, #tpu.memory_space<semaphore_mem>>)
      } else {
      }
      %mul3A_72 = arith.constant 80 : i32
      %mul3A_73 = arith.muli %add3A_59, %mul3A_72 : i32
      %dma_wait3A_74 = tpu.memref_slice %arg5[%mul3A_73] : memref<5120xi32, #tpu.memory_space<vmem>> -> memref<80xi32, #tpu.memory_space<vmem>>
      %dma_wait3A_75 = arith.constant 0 : i32
      %dma_wait3A_76 = arith.constant 0 : i32
      %dma_wait3A_77 = tpu.memref_slice %arg2[%dma_wait3A_75, %dma_wait3A_76] : memref<8192x128xf32, #tpu.memory_space<hbm>> -> memref<8192x128xf32, #tpu.memory_space<hbm>>
      tpu.wait_indirect_dma semaphore(%arg11 : memref<!tpu.dma_semaphore, #tpu.memory_space<semaphore_mem>>) src(%dma_wait3A_77 : memref<8192x128xf32, #tpu.memory_space<hbm>>) dst(%arg7 : memref<80x128xf32, #tpu.memory_space<vmem>>)
      %mul3A_78 = arith.constant 80 : i32
      %mul3A_79 = arith.muli %add3A_59, %mul3A_78 : i32
      %add3A_80 = arith.addi %mul3A_4, %mul3A_79 : i32
      %dma_start3A_81 = arith.constant 0 : i32
      %dma_start3A_82 = tpu.memref_slice %arg4[%add3A_80, %dma_start3A_81] : memref<163840x128xf32, #tpu.memory_space<hbm>> -> memref<80x128xf32, #tpu.memory_space<hbm>>
      %dma_start3A_83 = arith.constant 0 : i32
      %dma_start3A_84 = tpu.memref_slice %arg4[%add3A_80, %dma_start3A_83] : memref<163840x128xf32, #tpu.memory_space<hbm>> -> memref<80x128xf32, #tpu.memory_space<hbm>>
      tpu.enqueue_dma source(%arg7 : memref<80x128xf32, #tpu.memory_space<vmem>>) target(%dma_start3A_84 : memref<80x128xf32, #tpu.memory_space<hbm>>) target_semaphore(%arg15 : memref<!tpu.dma_semaphore, #tpu.memory_space<semaphore_mem>>)
      %mul3A_85 = arith.constant 4 : i32
      %mul3A_86 = arith.muli %scan3A_30, %mul3A_85 : i32
      %add3A_87 = arith.constant 2 : i32
      %add3A_88 = arith.addi %mul3A_86, %add3A_87 : i32
      %ge3A_89 = arith.constant 2 : i32
      %ge3A_90 = arith.cmpi sge, %add3A_88, %ge3A_89 : i32
      %convert_element_type3A_91 = arith.extui %ge3A_90 : i1 to i32
      %cond3A_92 = arith.constant 0 : i32
      %cond3A_93 = arith.cmpi ne, %convert_element_type3A_91, %cond3A_92 : i32
      scf.if %cond3A_93 {
        %sub3A = arith.constant 2 : i32
        %sub3A_143 = arith.subi %add3A_88, %sub3A : i32
        %mul3A_144 = arith.constant 80 : i32
        %mul3A_145 = arith.muli %sub3A_143, %mul3A_144 : i32
        %add3A_146 = arith.addi %mul3A_4, %mul3A_145 : i32
        %dma_wait3A_147 = arith.constant 0 : i32
        %dma_wait3A_148 = tpu.memref_slice %arg4[%add3A_146, %dma_wait3A_147] : memref<163840x128xf32, #tpu.memory_space<hbm>> -> memref<80x128xf32, #tpu.memory_space<hbm>>
        %dma_wait3A_149 = arith.constant 0 : i32
        %dma_wait3A_150 = tpu.memref_slice %arg4[%add3A_146, %dma_wait3A_149] : memref<163840x128xf32, #tpu.memory_space<hbm>> -> memref<80x128xf32, #tpu.memory_space<hbm>>
        tpu.wait_dma2 semaphore(%arg14 : memref<!tpu.dma_semaphore, #tpu.memory_space<semaphore_mem>>) src(%arg6 : memref<80x128xf32, #tpu.memory_space<vmem>>) dst(%dma_wait3A_150 : memref<80x128xf32, #tpu.memory_space<hbm>>)
      } else {
      }
      %add3A_94 = arith.constant 2 : i32
      %add3A_95 = arith.addi %add3A_88, %add3A_94 : i32
      %lt3A_96 = arith.constant 64 : i32
      %lt3A_97 = arith.cmpi slt, %add3A_95, %lt3A_96 : i32
      %convert_element_type3A_98 = arith.extui %lt3A_97 : i1 to i32
      %cond3A_99 = arith.constant 0 : i32
      %cond3A_100 = arith.cmpi ne, %convert_element_type3A_98, %cond3A_99 : i32
      scf.if %cond3A_100 {
        %add3A_143 = arith.constant 2 : i32
        %add3A_144 = arith.addi %add3A_88, %add3A_143 : i32
        %mul3A_145 = arith.constant 80 : i32
        %mul3A_146 = arith.muli %add3A_144, %mul3A_145 : i32
        %dma_start3A_147 = tpu.memref_slice %arg5[%mul3A_146] : memref<5120xi32, #tpu.memory_space<vmem>> -> memref<80xi32, #tpu.memory_space<vmem>>
        %dma_start3A_148 = arith.constant 0 : i32
        %dma_start3A_149 = arith.constant 0 : i32
        %dma_start3A_150 = tpu.memref_slice %arg2[%dma_start3A_148, %dma_start3A_149] : memref<8192x128xf32, #tpu.memory_space<hbm>> -> memref<8192x128xf32, #tpu.memory_space<hbm>>
        tpu.enqueue_indirect_dma source(%dma_start3A_150 : memref<8192x128xf32, #tpu.memory_space<hbm>>) target(%arg6 : memref<80x128xf32, #tpu.memory_space<vmem>>) offsets(%dma_start3A_147 : memref<80xi32, #tpu.memory_space<vmem>>) semaphore(%arg10 : memref<!tpu.dma_semaphore, #tpu.memory_space<semaphore_mem>>)
      } else {
      }
      %mul3A_101 = arith.constant 80 : i32
      %mul3A_102 = arith.muli %add3A_88, %mul3A_101 : i32
      %dma_wait3A_103 = tpu.memref_slice %arg5[%mul3A_102] : memref<5120xi32, #tpu.memory_space<vmem>> -> memref<80xi32, #tpu.memory_space<vmem>>
      %dma_wait3A_104 = arith.constant 0 : i32
      %dma_wait3A_105 = arith.constant 0 : i32
      %dma_wait3A_106 = tpu.memref_slice %arg2[%dma_wait3A_104, %dma_wait3A_105] : memref<8192x128xf32, #tpu.memory_space<hbm>> -> memref<8192x128xf32, #tpu.memory_space<hbm>>
      tpu.wait_indirect_dma semaphore(%arg12 : memref<!tpu.dma_semaphore, #tpu.memory_space<semaphore_mem>>) src(%dma_wait3A_106 : memref<8192x128xf32, #tpu.memory_space<hbm>>) dst(%arg8 : memref<80x128xf32, #tpu.memory_space<vmem>>)
      %mul3A_107 = arith.constant 80 : i32
      %mul3A_108 = arith.muli %add3A_88, %mul3A_107 : i32
      %add3A_109 = arith.addi %mul3A_4, %mul3A_108 : i32
      %dma_start3A_110 = arith.constant 0 : i32
      %dma_start3A_111 = tpu.memref_slice %arg4[%add3A_109, %dma_start3A_110] : memref<163840x128xf32, #tpu.memory_space<hbm>> -> memref<80x128xf32, #tpu.memory_space<hbm>>
      %dma_start3A_112 = arith.constant 0 : i32
      %dma_start3A_113 = tpu.memref_slice %arg4[%add3A_109, %dma_start3A_112] : memref<163840x128xf32, #tpu.memory_space<hbm>> -> memref<80x128xf32, #tpu.memory_space<hbm>>
      tpu.enqueue_dma source(%arg8 : memref<80x128xf32, #tpu.memory_space<vmem>>) target(%dma_start3A_113 : memref<80x128xf32, #tpu.memory_space<hbm>>) target_semaphore(%arg14 : memref<!tpu.dma_semaphore, #tpu.memory_space<semaphore_mem>>)
      %mul3A_114 = arith.constant 4 : i32
      %mul3A_115 = arith.muli %scan3A_30, %mul3A_114 : i32
      %add3A_116 = arith.constant 3 : i32
      %add3A_117 = arith.addi %mul3A_115, %add3A_116 : i32
      %ge3A_118 = arith.constant 2 : i32
      %ge3A_119 = arith.cmpi sge, %add3A_117, %ge3A_118 : i32
      %convert_element_type3A_120 = arith.extui %ge3A_119 : i1 to i32
      %cond3A_121 = arith.constant 0 : i32
      %cond3A_122 = arith.cmpi ne, %convert_element_type3A_120, %cond3A_121 : i32
      scf.if %cond3A_122 {
        %sub3A = arith.constant 2 : i32
        %sub3A_143 = arith.subi %add3A_117, %sub3A : i32
        %mul3A_144 = arith.constant 80 : i32
        %mul3A_145 = arith.muli %sub3A_143, %mul3A_144 : i32
        %add3A_146 = arith.addi %mul3A_4, %mul3A_145 : i32
        %dma_wait3A_147 = arith.constant 0 : i32
        %dma_wait3A_148 = tpu.memref_slice %arg4[%add3A_146, %dma_wait3A_147] : memref<163840x128xf32, #tpu.memory_space<hbm>> -> memref<80x128xf32, #tpu.memory_space<hbm>>
        %dma_wait3A_149 = arith.constant 0 : i32
        %dma_wait3A_150 = tpu.memref_slice %arg4[%add3A_146, %dma_wait3A_149] : memref<163840x128xf32, #tpu.memory_space<hbm>> -> memref<80x128xf32, #tpu.memory_space<hbm>>
        tpu.wait_dma2 semaphore(%arg15 : memref<!tpu.dma_semaphore, #tpu.memory_space<semaphore_mem>>) src(%arg7 : memref<80x128xf32, #tpu.memory_space<vmem>>) dst(%dma_wait3A_150 : memref<80x128xf32, #tpu.memory_space<hbm>>)
      } else {
      }
      %add3A_123 = arith.constant 2 : i32
      %add3A_124 = arith.addi %add3A_117, %add3A_123 : i32
      %lt3A_125 = arith.constant 64 : i32
      %lt3A_126 = arith.cmpi slt, %add3A_124, %lt3A_125 : i32
      %convert_element_type3A_127 = arith.extui %lt3A_126 : i1 to i32
      %cond3A_128 = arith.constant 0 : i32
      %cond3A_129 = arith.cmpi ne, %convert_element_type3A_127, %cond3A_128 : i32
      scf.if %cond3A_129 {
        %add3A_143 = arith.constant 2 : i32
        %add3A_144 = arith.addi %add3A_117, %add3A_143 : i32
        %mul3A_145 = arith.constant 80 : i32
        %mul3A_146 = arith.muli %add3A_144, %mul3A_145 : i32
        %dma_start3A_147 = tpu.memref_slice %arg5[%mul3A_146] : memref<5120xi32, #tpu.memory_space<vmem>> -> memref<80xi32, #tpu.memory_space<vmem>>
        %dma_start3A_148 = arith.constant 0 : i32
        %dma_start3A_149 = arith.constant 0 : i32
        %dma_start3A_150 = tpu.memref_slice %arg2[%dma_start3A_148, %dma_start3A_149] : memref<8192x128xf32, #tpu.memory_space<hbm>> -> memref<8192x128xf32, #tpu.memory_space<hbm>>
        tpu.enqueue_indirect_dma source(%dma_start3A_150 : memref<8192x128xf32, #tpu.memory_space<hbm>>) target(%arg7 : memref<80x128xf32, #tpu.memory_space<vmem>>) offsets(%dma_start3A_147 : memref<80xi32, #tpu.memory_space<vmem>>) semaphore(%arg11 : memref<!tpu.dma_semaphore, #tpu.memory_space<semaphore_mem>>)
      } else {
      }
      %mul3A_130 = arith.constant 80 : i32
      %mul3A_131 = arith.muli %add3A_117, %mul3A_130 : i32
      %dma_wait3A_132 = tpu.memref_slice %arg5[%mul3A_131] : memref<5120xi32, #tpu.memory_space<vmem>> -> memref<80xi32, #tpu.memory_space<vmem>>
      %dma_wait3A_133 = arith.constant 0 : i32
      %dma_wait3A_134 = arith.constant 0 : i32
      %dma_wait3A_135 = tpu.memref_slice %arg2[%dma_wait3A_133, %dma_wait3A_134] : memref<8192x128xf32, #tpu.memory_space<hbm>> -> memref<8192x128xf32, #tpu.memory_space<hbm>>
      tpu.wait_indirect_dma semaphore(%arg13 : memref<!tpu.dma_semaphore, #tpu.memory_space<semaphore_mem>>) src(%dma_wait3A_135 : memref<8192x128xf32, #tpu.memory_space<hbm>>) dst(%arg9 : memref<80x128xf32, #tpu.memory_space<vmem>>)
      %mul3A_136 = arith.constant 80 : i32
      %mul3A_137 = arith.muli %add3A_117, %mul3A_136 : i32
      %add3A_138 = arith.addi %mul3A_4, %mul3A_137 : i32
      %dma_start3A_139 = arith.constant 0 : i32
      %dma_start3A_140 = tpu.memref_slice %arg4[%add3A_138, %dma_start3A_139] : memref<163840x128xf32, #tpu.memory_space<hbm>> -> memref<80x128xf32, #tpu.memory_space<hbm>>
      %dma_start3A_141 = arith.constant 0 : i32
      %dma_start3A_142 = tpu.memref_slice %arg4[%add3A_138, %dma_start3A_141] : memref<163840x128xf32, #tpu.memory_space<hbm>> -> memref<80x128xf32, #tpu.memory_space<hbm>>
      tpu.enqueue_dma source(%arg9 : memref<80x128xf32, #tpu.memory_space<vmem>>) target(%dma_start3A_142 : memref<80x128xf32, #tpu.memory_space<hbm>>) target_semaphore(%arg15 : memref<!tpu.dma_semaphore, #tpu.memory_space<semaphore_mem>>)
    }
    %scan3A_18 = arith.constant 16 : i32
    %add3A_19 = arith.constant 4960 : i32
    %add3A_20 = arith.addi %mul3A_4, %add3A_19 : i32
    %dma_wait3A = arith.constant 0 : i32
    %dma_wait3A_21 = tpu.memref_slice %arg4[%add3A_20, %dma_wait3A] : memref<163840x128xf32, #tpu.memory_space<hbm>> -> memref<80x128xf32, #tpu.memory_space<hbm>>
    %dma_wait3A_22 = arith.constant 0 : i32
    %dma_wait3A_23 = tpu.memref_slice %arg4[%add3A_20, %dma_wait3A_22] : memref<163840x128xf32, #tpu.memory_space<hbm>> -> memref<80x128xf32, #tpu.memory_space<hbm>>
    tpu.wait_dma2 semaphore(%arg14 : memref<!tpu.dma_semaphore, #tpu.memory_space<semaphore_mem>>) src(%arg8 : memref<80x128xf32, #tpu.memory_space<vmem>>) dst(%dma_wait3A_23 : memref<80x128xf32, #tpu.memory_space<hbm>>)
    %add3A_24 = arith.constant 5040 : i32
    %add3A_25 = arith.addi %mul3A_4, %add3A_24 : i32
    %dma_wait3A_26 = arith.constant 0 : i32
    %dma_wait3A_27 = tpu.memref_slice %arg4[%add3A_25, %dma_wait3A_26] : memref<163840x128xf32, #tpu.memory_space<hbm>> -> memref<80x128xf32, #tpu.memory_space<hbm>>
    %dma_wait3A_28 = arith.constant 0 : i32
    %dma_wait3A_29 = tpu.memref_slice %arg4[%add3A_25, %dma_wait3A_28] : memref<163840x128xf32, #tpu.memory_space<hbm>> -> memref<80x128xf32, #tpu.memory_space<hbm>>
    tpu.wait_dma2 semaphore(%arg15 : memref<!tpu.dma_semaphore, #tpu.memory_space<semaphore_mem>>) src(%arg9 : memref<80x128xf32, #tpu.memory_space<vmem>>) dst(%dma_wait3A_29 : memref<80x128xf32, #tpu.memory_space<hbm>>)
    return
  }
}

#map = affine_map<(d0, d1) -> (0, 0)>
module attributes {stable_mosaic.version = 14 : i64} {
  func.func @k(%arg0: i32, %arg1: i32, %arg2: memref<8192x128xf32, #tpu.memory_space<hbm>>, %arg3: memref<32x5120xi32, #tpu.memory_space<hbm>>, %arg4: memref<163840x128xf32, #tpu.memory_space<hbm>>, %arg5: memref<5120xi32, #tpu.memory_space<vmem>>, %arg6: memref<80x128xf32, #tpu.memory_space<vmem>>, %arg7: memref<80x128xf32, #tpu.memory_space<vmem>>, %arg8: memref<80x128xf32, #tpu.memory_space<vmem>>, %arg9: memref<80x128xf32, #tpu.memory_space<vmem>>, %arg10: memref<!tpu.dma_semaphore, #tpu.memory_space<semaphore_mem>>, %arg11: memref<!tpu.dma_semaphore, #tpu.memory_space<semaphore_mem>>, %arg12: memref<!tpu.dma_semaphore, #tpu.memory_space<semaphore_mem>>, %arg13: memref<!tpu.dma_semaphore, #tpu.memory_space<semaphore_mem>>, %arg14: memref<!tpu.dma_semaphore, #tpu.memory_space<semaphore_mem>>, %arg15: memref<!tpu.dma_semaphore, #tpu.memory_space<semaphore_mem>>) attributes {dimension_semantics = [#tpu.dimension_semantics<core_parallel>, #tpu.dimension_semantics<subcore_parallel>], iteration_bounds = array<i64: 2, 16>, scalar_prefetch = 0 : i64, scratch_operands = 11 : i64, tpu.core_type = #tpu.core_type<sc_vector_subcore>, window_params = [{transform_indices = #map}, {transform_indices = #map}, {transform_indices = #map}]} {
    %mul3A = arith.constant 2 : i32
    %mul3A_0 = arith.muli %arg1, %mul3A : i32
    %add3A = arith.addi %mul3A_0, %arg0 : i32
    %mul3A_1 = arith.constant 256 : i32
    %mul3A_2 = arith.muli %add3A, %mul3A_1 : i32
    %mul3A_3 = arith.constant 20 : i32
    %mul3A_4 = arith.muli %mul3A_2, %mul3A_3 : i32
    "tpu.region"() ({
      %run_scoped3A = tpu.sem_alloc : memref<!tpu.dma_semaphore, #tpu.memory_space<semaphore_mem>>
      %dma_start3A_30 = arith.constant 0 : i32
      %dma_start3A_31 = tpu.memref_slice %arg3[%add3A, %dma_start3A_30] : memref<32x5120xi32, #tpu.memory_space<hbm>> -> memref<1x5120xi32, #tpu.memory_space<hbm>>
      %dma_start3A_32 = tpu.memref_squeeze %dma_start3A_31 : memref<1x5120xi32, #tpu.memory_space<hbm>> -> memref<5120xi32, #tpu.memory_space<hbm>>
      %dma_start3A_33 = arith.constant 0 : i32
      %dma_start3A_34 = tpu.memref_slice %arg3[%add3A, %dma_start3A_33] : memref<32x5120xi32, #tpu.memory_space<hbm>> -> memref<1x5120xi32, #tpu.memory_space<hbm>>
      %dma_start3A_35 = tpu.memref_squeeze %dma_start3A_34 : memref<1x5120xi32, #tpu.memory_space<hbm>> -> memref<5120xi32, #tpu.memory_space<hbm>>
      tpu.enqueue_dma source(%dma_start3A_35 : memref<5120xi32, #tpu.memory_space<hbm>>) target(%arg5 : memref<5120xi32, #tpu.memory_space<vmem>>) target_semaphore(%run_scoped3A : memref<!tpu.dma_semaphore, #tpu.memory_space<semaphore_mem>>)
      %dma_wait3A_36 = arith.constant 0 : i32
      %dma_wait3A_37 = tpu.memref_slice %arg3[%add3A, %dma_wait3A_36] : memref<32x5120xi32, #tpu.memory_space<hbm>> -> memref<1x5120xi32, #tpu.memory_space<hbm>>
      %dma_wait3A_38 = tpu.memref_squeeze %dma_wait3A_37 : memref<1x5120xi32, #tpu.memory_space<hbm>> -> memref<5120xi32, #tpu.memory_space<hbm>>
      %dma_wait3A_39 = arith.constant 0 : i32
      %dma_wait3A_40 = tpu.memref_slice %arg3[%add3A, %dma_wait3A_39] : memref<32x5120xi32, #tpu.memory_space<hbm>> -> memref<1x5120xi32, #tpu.memory_space<hbm>>
      %dma_wait3A_41 = tpu.memref_squeeze %dma_wait3A_40 : memref<1x5120xi32, #tpu.memory_space<hbm>> -> memref<5120xi32, #tpu.memory_space<hbm>>
      tpu.wait_dma2 semaphore(%run_scoped3A : memref<!tpu.dma_semaphore, #tpu.memory_space<semaphore_mem>>) src(%dma_wait3A_41 : memref<5120xi32, #tpu.memory_space<hbm>>) dst(%arg5 : memref<5120xi32, #tpu.memory_space<vmem>>)
      tpu.yield
    }) : () -> ()
    %dma_start3A = arith.constant 0 : i32
    %dma_start3A_5 = tpu.memref_slice %arg5[%dma_start3A] : memref<5120xi32, #tpu.memory_space<vmem>> -> memref<80xi32, #tpu.memory_space<vmem>>
    %dma_start3A_6 = arith.constant 0 : i32
    %dma_start3A_7 = arith.constant 0 : i32
    %dma_start3A_8 = tpu.memref_slice %arg2[%dma_start3A_6, %dma_start3A_7] : memref<8192x128xf32, #tpu.memory_space<hbm>> -> memref<8192x128xf32, #tpu.memory_space<hbm>>
    tpu.enqueue_indirect_dma source(%dma_start3A_8 : memref<8192x128xf32, #tpu.memory_space<hbm>>) target(%arg6 : memref<80x128xf32, #tpu.memory_space<vmem>>) offsets(%dma_start3A_5 : memref<80xi32, #tpu.memory_space<vmem>>) semaphore(%arg10 : memref<!tpu.dma_semaphore, #tpu.memory_space<semaphore_mem>>)
    %dma_start3A_9 = arith.constant 80 : i32
    %dma_start3A_10 = tpu.memref_slice %arg5[%dma_start3A_9] : memref<5120xi32, #tpu.memory_space<vmem>> -> memref<80xi32, #tpu.memory_space<vmem>>
    %dma_start3A_11 = arith.constant 0 : i32
    %dma_start3A_12 = arith.constant 0 : i32
    %dma_start3A_13 = tpu.memref_slice %arg2[%dma_start3A_11, %dma_start3A_12] : memref<8192x128xf32, #tpu.memory_space<hbm>> -> memref<8192x128xf32, #tpu.memory_space<hbm>>
    tpu.enqueue_indirect_dma source(%dma_start3A_13 : memref<8192x128xf32, #tpu.memory_space<hbm>>) target(%arg7 : memref<80x128xf32, #tpu.memory_space<vmem>>) offsets(%dma_start3A_10 : memref<80xi32, #tpu.memory_space<vmem>>) semaphore(%arg11 : memref<!tpu.dma_semaphore, #tpu.memory_space<semaphore_mem>>)
    %scan3A = arith.constant 0 : i32
    %scan3A_14 = arith.constant 0 : i32
    %scan3A_15 = arith.constant 16 : i32
    %scan3A_16 = arith.addi %scan3A_14, %scan3A_15 : i32
    %scan3A_17 = arith.constant 1 : i32
    scf.for %scan3A_30 = %scan3A_14 to %scan3A_16 step %scan3A_17  : i32 {
      %mul3A_31 = arith.constant 4 : i32
      %mul3A_32 = arith.muli %scan3A_30, %mul3A_31 : i32
      %add3A_33 = arith.constant 0 : i32
      %add3A_34 = arith.addi %mul3A_32, %add3A_33 : i32
      %ge3A = arith.constant 2 : i32
      %ge3A_35 = arith.cmpi sge, %add3A_34, %ge3A : i32
      %convert_element_type3A = arith.extui %ge3A_35 : i1 to i32
      %cond3A = arith.constant 0 : i32
      %cond3A_36 = arith.cmpi ne, %convert_element_type3A, %cond3A : i32
      scf.if %cond3A_36 {
        %sub3A = arith.constant 2 : i32
        %sub3A_143 = arith.subi %add3A_34, %sub3A : i32
        %mul3A_144 = arith.constant 80 : i32
        %mul3A_145 = arith.muli %sub3A_143, %mul3A_144 : i32
        %add3A_146 = arith.addi %mul3A_4, %mul3A_145 : i32
        %dma_wait3A_147 = arith.constant 0 : i32
        %dma_wait3A_148 = tpu.memref_slice %arg4[%add3A_146, %dma_wait3A_147] : memref<163840x128xf32, #tpu.memory_space<hbm>> -> memref<80x128xf32, #tpu.memory_space<hbm>>
        %dma_wait3A_149 = arith.constant 0 : i32
        %dma_wait3A_150 = tpu.memref_slice %arg4[%add3A_146, %dma_wait3A_149] : memref<163840x128xf32, #tpu.memory_space<hbm>> -> memref<80x128xf32, #tpu.memory_space<hbm>>
        tpu.wait_dma2 semaphore(%arg14 : memref<!tpu.dma_semaphore, #tpu.memory_space<semaphore_mem>>) src(%arg8 : memref<80x128xf32, #tpu.memory_space<vmem>>) dst(%dma_wait3A_150 : memref<80x128xf32, #tpu.memory_space<hbm>>)
      } else {
      }
      %add3A_37 = arith.constant 2 : i32
      %add3A_38 = arith.addi %add3A_34, %add3A_37 : i32
      %lt3A = arith.constant 64 : i32
      %lt3A_39 = arith.cmpi slt, %add3A_38, %lt3A : i32
      %convert_element_type3A_40 = arith.extui %lt3A_39 : i1 to i32
      %cond3A_41 = arith.constant 0 : i32
      %cond3A_42 = arith.cmpi ne, %convert_element_type3A_40, %cond3A_41 : i32
      scf.if %cond3A_42 {
        %add3A_143 = arith.constant 2 : i32
        %add3A_144 = arith.addi %add3A_34, %add3A_143 : i32
        %mul3A_145 = arith.constant 80 : i32
        %mul3A_146 = arith.muli %add3A_144, %mul3A_145 : i32
        %dma_start3A_147 = tpu.memref_slice %arg5[%mul3A_146] : memref<5120xi32, #tpu.memory_space<vmem>> -> memref<80xi32, #tpu.memory_space<vmem>>
        %dma_start3A_148 = arith.constant 0 : i32
        %dma_start3A_149 = arith.constant 0 : i32
        %dma_start3A_150 = tpu.memref_slice %arg2[%dma_start3A_148, %dma_start3A_149] : memref<8192x128xf32, #tpu.memory_space<hbm>> -> memref<8192x128xf32, #tpu.memory_space<hbm>>
        tpu.enqueue_indirect_dma source(%dma_start3A_150 : memref<8192x128xf32, #tpu.memory_space<hbm>>) target(%arg8 : memref<80x128xf32, #tpu.memory_space<vmem>>) offsets(%dma_start3A_147 : memref<80xi32, #tpu.memory_space<vmem>>) semaphore(%arg12 : memref<!tpu.dma_semaphore, #tpu.memory_space<semaphore_mem>>)
      } else {
      }
      %mul3A_43 = arith.constant 80 : i32
      %mul3A_44 = arith.muli %add3A_34, %mul3A_43 : i32
      %dma_wait3A_45 = tpu.memref_slice %arg5[%mul3A_44] : memref<5120xi32, #tpu.memory_space<vmem>> -> memref<80xi32, #tpu.memory_space<vmem>>
      %dma_wait3A_46 = arith.constant 0 : i32
      %dma_wait3A_47 = arith.constant 0 : i32
      %dma_wait3A_48 = tpu.memref_slice %arg2[%dma_wait3A_46, %dma_wait3A_47] : memref<8192x128xf32, #tpu.memory_space<hbm>> -> memref<8192x128xf32, #tpu.memory_space<hbm>>
      tpu.wait_indirect_dma semaphore(%arg10 : memref<!tpu.dma_semaphore, #tpu.memory_space<semaphore_mem>>) src(%dma_wait3A_48 : memref<8192x128xf32, #tpu.memory_space<hbm>>) dst(%arg6 : memref<80x128xf32, #tpu.memory_space<vmem>>)
      %mul3A_49 = arith.constant 80 : i32
      %mul3A_50 = arith.muli %add3A_34, %mul3A_49 : i32
      %add3A_51 = arith.addi %mul3A_4, %mul3A_50 : i32
      %dma_start3A_52 = arith.constant 0 : i32
      %dma_start3A_53 = tpu.memref_slice %arg4[%add3A_51, %dma_start3A_52] : memref<163840x128xf32, #tpu.memory_space<hbm>> -> memref<80x128xf32, #tpu.memory_space<hbm>>
      %dma_start3A_54 = arith.constant 0 : i32
      %dma_start3A_55 = tpu.memref_slice %arg4[%add3A_51, %dma_start3A_54] : memref<163840x128xf32, #tpu.memory_space<hbm>> -> memref<80x128xf32, #tpu.memory_space<hbm>>
      tpu.enqueue_dma source(%arg6 : memref<80x128xf32, #tpu.memory_space<vmem>>) target(%dma_start3A_55 : memref<80x128xf32, #tpu.memory_space<hbm>>) target_semaphore(%arg14 : memref<!tpu.dma_semaphore, #tpu.memory_space<semaphore_mem>>)
      %mul3A_56 = arith.constant 4 : i32
      %mul3A_57 = arith.muli %scan3A_30, %mul3A_56 : i32
      %add3A_58 = arith.constant 1 : i32
      %add3A_59 = arith.addi %mul3A_57, %add3A_58 : i32
      %ge3A_60 = arith.constant 2 : i32
      %ge3A_61 = arith.cmpi sge, %add3A_59, %ge3A_60 : i32
      %convert_element_type3A_62 = arith.extui %ge3A_61 : i1 to i32
      %cond3A_63 = arith.constant 0 : i32
      %cond3A_64 = arith.cmpi ne, %convert_element_type3A_62, %cond3A_63 : i32
      scf.if %cond3A_64 {
        %sub3A = arith.constant 2 : i32
        %sub3A_143 = arith.subi %add3A_59, %sub3A : i32
        %mul3A_144 = arith.constant 80 : i32
        %mul3A_145 = arith.muli %sub3A_143, %mul3A_144 : i32
        %add3A_146 = arith.addi %mul3A_4, %mul3A_145 : i32
        %dma_wait3A_147 = arith.constant 0 : i32
        %dma_wait3A_148 = tpu.memref_slice %arg4[%add3A_146, %dma_wait3A_147] : memref<163840x128xf32, #tpu.memory_space<hbm>> -> memref<80x128xf32, #tpu.memory_space<hbm>>
        %dma_wait3A_149 = arith.constant 0 : i32
        %dma_wait3A_150 = tpu.memref_slice %arg4[%add3A_146, %dma_wait3A_149] : memref<163840x128xf32, #tpu.memory_space<hbm>> -> memref<80x128xf32, #tpu.memory_space<hbm>>
        tpu.wait_dma2 semaphore(%arg15 : memref<!tpu.dma_semaphore, #tpu.memory_space<semaphore_mem>>) src(%arg9 : memref<80x128xf32, #tpu.memory_space<vmem>>) dst(%dma_wait3A_150 : memref<80x128xf32, #tpu.memory_space<hbm>>)
      } else {
      }
      %add3A_65 = arith.constant 2 : i32
      %add3A_66 = arith.addi %add3A_59, %add3A_65 : i32
      %lt3A_67 = arith.constant 64 : i32
      %lt3A_68 = arith.cmpi slt, %add3A_66, %lt3A_67 : i32
      %convert_element_type3A_69 = arith.extui %lt3A_68 : i1 to i32
      %cond3A_70 = arith.constant 0 : i32
      %cond3A_71 = arith.cmpi ne, %convert_element_type3A_69, %cond3A_70 : i32
      scf.if %cond3A_71 {
        %add3A_143 = arith.constant 2 : i32
        %add3A_144 = arith.addi %add3A_59, %add3A_143 : i32
        %mul3A_145 = arith.constant 80 : i32
        %mul3A_146 = arith.muli %add3A_144, %mul3A_145 : i32
        %dma_start3A_147 = tpu.memref_slice %arg5[%mul3A_146] : memref<5120xi32, #tpu.memory_space<vmem>> -> memref<80xi32, #tpu.memory_space<vmem>>
        %dma_start3A_148 = arith.constant 0 : i32
        %dma_start3A_149 = arith.constant 0 : i32
        %dma_start3A_150 = tpu.memref_slice %arg2[%dma_start3A_148, %dma_start3A_149] : memref<8192x128xf32, #tpu.memory_space<hbm>> -> memref<8192x128xf32, #tpu.memory_space<hbm>>
        tpu.enqueue_indirect_dma source(%dma_start3A_150 : memref<8192x128xf32, #tpu.memory_space<hbm>>) target(%arg9 : memref<80x128xf32, #tpu.memory_space<vmem>>) offsets(%dma_start3A_147 : memref<80xi32, #tpu.memory_space<vmem>>) semaphore(%arg13 : memref<!tpu.dma_semaphore, #tpu.memory_space<semaphore_mem>>)
      } else {
      }
      %mul3A_72 = arith.constant 80 : i32
      %mul3A_73 = arith.muli %add3A_59, %mul3A_72 : i32
      %dma_wait3A_74 = tpu.memref_slice %arg5[%mul3A_73] : memref<5120xi32, #tpu.memory_space<vmem>> -> memref<80xi32, #tpu.memory_space<vmem>>
      %dma_wait3A_75 = arith.constant 0 : i32
      %dma_wait3A_76 = arith.constant 0 : i32
      %dma_wait3A_77 = tpu.memref_slice %arg2[%dma_wait3A_75, %dma_wait3A_76] : memref<8192x128xf32, #tpu.memory_space<hbm>> -> memref<8192x128xf32, #tpu.memory_space<hbm>>
      tpu.wait_indirect_dma semaphore(%arg11 : memref<!tpu.dma_semaphore, #tpu.memory_space<semaphore_mem>>) src(%dma_wait3A_77 : memref<8192x128xf32, #tpu.memory_space<hbm>>) dst(%arg7 : memref<80x128xf32, #tpu.memory_space<vmem>>)
      %mul3A_78 = arith.constant 80 : i32
      %mul3A_79 = arith.muli %add3A_59, %mul3A_78 : i32
      %add3A_80 = arith.addi %mul3A_4, %mul3A_79 : i32
      %dma_start3A_81 = arith.constant 0 : i32
      %dma_start3A_82 = tpu.memref_slice %arg4[%add3A_80, %dma_start3A_81] : memref<163840x128xf32, #tpu.memory_space<hbm>> -> memref<80x128xf32, #tpu.memory_space<hbm>>
      %dma_start3A_83 = arith.constant 0 : i32
      %dma_start3A_84 = tpu.memref_slice %arg4[%add3A_80, %dma_start3A_83] : memref<163840x128xf32, #tpu.memory_space<hbm>> -> memref<80x128xf32, #tpu.memory_space<hbm>>
      tpu.enqueue_dma source(%arg7 : memref<80x128xf32, #tpu.memory_space<vmem>>) target(%dma_start3A_84 : memref<80x128xf32, #tpu.memory_space<hbm>>) target_semaphore(%arg15 : memref<!tpu.dma_semaphore, #tpu.memory_space<semaphore_mem>>)
      %mul3A_85 = arith.constant 4 : i32
      %mul3A_86 = arith.muli %scan3A_30, %mul3A_85 : i32
      %add3A_87 = arith.constant 2 : i32
      %add3A_88 = arith.addi %mul3A_86, %add3A_87 : i32
      %ge3A_89 = arith.constant 2 : i32
      %ge3A_90 = arith.cmpi sge, %add3A_88, %ge3A_89 : i32
      %convert_element_type3A_91 = arith.extui %ge3A_90 : i1 to i32
      %cond3A_92 = arith.constant 0 : i32
      %cond3A_93 = arith.cmpi ne, %convert_element_type3A_91, %cond3A_92 : i32
      scf.if %cond3A_93 {
        %sub3A = arith.constant 2 : i32
        %sub3A_143 = arith.subi %add3A_88, %sub3A : i32
        %mul3A_144 = arith.constant 80 : i32
        %mul3A_145 = arith.muli %sub3A_143, %mul3A_144 : i32
        %add3A_146 = arith.addi %mul3A_4, %mul3A_145 : i32
        %dma_wait3A_147 = arith.constant 0 : i32
        %dma_wait3A_148 = tpu.memref_slice %arg4[%add3A_146, %dma_wait3A_147] : memref<163840x128xf32, #tpu.memory_space<hbm>> -> memref<80x128xf32, #tpu.memory_space<hbm>>
        %dma_wait3A_149 = arith.constant 0 : i32
        %dma_wait3A_150 = tpu.memref_slice %arg4[%add3A_146, %dma_wait3A_149] : memref<163840x128xf32, #tpu.memory_space<hbm>> -> memref<80x128xf32, #tpu.memory_space<hbm>>
        tpu.wait_dma2 semaphore(%arg14 : memref<!tpu.dma_semaphore, #tpu.memory_space<semaphore_mem>>) src(%arg6 : memref<80x128xf32, #tpu.memory_space<vmem>>) dst(%dma_wait3A_150 : memref<80x128xf32, #tpu.memory_space<hbm>>)
      } else {
      }
      %add3A_94 = arith.constant 2 : i32
      %add3A_95 = arith.addi %add3A_88, %add3A_94 : i32
      %lt3A_96 = arith.constant 64 : i32
      %lt3A_97 = arith.cmpi slt, %add3A_95, %lt3A_96 : i32
      %convert_element_type3A_98 = arith.extui %lt3A_97 : i1 to i32
      %cond3A_99 = arith.constant 0 : i32
      %cond3A_100 = arith.cmpi ne, %convert_element_type3A_98, %cond3A_99 : i32
      scf.if %cond3A_100 {
        %add3A_143 = arith.constant 2 : i32
        %add3A_144 = arith.addi %add3A_88, %add3A_143 : i32
        %mul3A_145 = arith.constant 80 : i32
        %mul3A_146 = arith.muli %add3A_144, %mul3A_145 : i32
        %dma_start3A_147 = tpu.memref_slice %arg5[%mul3A_146] : memref<5120xi32, #tpu.memory_space<vmem>> -> memref<80xi32, #tpu.memory_space<vmem>>
        %dma_start3A_148 = arith.constant 0 : i32
        %dma_start3A_149 = arith.constant 0 : i32
        %dma_start3A_150 = tpu.memref_slice %arg2[%dma_start3A_148, %dma_start3A_149] : memref<8192x128xf32, #tpu.memory_space<hbm>> -> memref<8192x128xf32, #tpu.memory_space<hbm>>
        tpu.enqueue_indirect_dma source(%dma_start3A_150 : memref<8192x128xf32, #tpu.memory_space<hbm>>) target(%arg6 : memref<80x128xf32, #tpu.memory_space<vmem>>) offsets(%dma_start3A_147 : memref<80xi32, #tpu.memory_space<vmem>>) semaphore(%arg10 : memref<!tpu.dma_semaphore, #tpu.memory_space<semaphore_mem>>)
      } else {
      }
      %mul3A_101 = arith.constant 80 : i32
      %mul3A_102 = arith.muli %add3A_88, %mul3A_101 : i32
      %dma_wait3A_103 = tpu.memref_slice %arg5[%mul3A_102] : memref<5120xi32, #tpu.memory_space<vmem>> -> memref<80xi32, #tpu.memory_space<vmem>>
      %dma_wait3A_104 = arith.constant 0 : i32
      %dma_wait3A_105 = arith.constant 0 : i32
      %dma_wait3A_106 = tpu.memref_slice %arg2[%dma_wait3A_104, %dma_wait3A_105] : memref<8192x128xf32, #tpu.memory_space<hbm>> -> memref<8192x128xf32, #tpu.memory_space<hbm>>
      tpu.wait_indirect_dma semaphore(%arg12 : memref<!tpu.dma_semaphore, #tpu.memory_space<semaphore_mem>>) src(%dma_wait3A_106 : memref<8192x128xf32, #tpu.memory_space<hbm>>) dst(%arg8 : memref<80x128xf32, #tpu.memory_space<vmem>>)
      %mul3A_107 = arith.constant 80 : i32
      %mul3A_108 = arith.muli %add3A_88, %mul3A_107 : i32
      %add3A_109 = arith.addi %mul3A_4, %mul3A_108 : i32
      %dma_start3A_110 = arith.constant 0 : i32
      %dma_start3A_111 = tpu.memref_slice %arg4[%add3A_109, %dma_start3A_110] : memref<163840x128xf32, #tpu.memory_space<hbm>> -> memref<80x128xf32, #tpu.memory_space<hbm>>
      %dma_start3A_112 = arith.constant 0 : i32
      %dma_start3A_113 = tpu.memref_slice %arg4[%add3A_109, %dma_start3A_112] : memref<163840x128xf32, #tpu.memory_space<hbm>> -> memref<80x128xf32, #tpu.memory_space<hbm>>
      tpu.enqueue_dma source(%arg8 : memref<80x128xf32, #tpu.memory_space<vmem>>) target(%dma_start3A_113 : memref<80x128xf32, #tpu.memory_space<hbm>>) target_semaphore(%arg14 : memref<!tpu.dma_semaphore, #tpu.memory_space<semaphore_mem>>)
      %mul3A_114 = arith.constant 4 : i32
      %mul3A_115 = arith.muli %scan3A_30, %mul3A_114 : i32
      %add3A_116 = arith.constant 3 : i32
      %add3A_117 = arith.addi %mul3A_115, %add3A_116 : i32
      %ge3A_118 = arith.constant 2 : i32
      %ge3A_119 = arith.cmpi sge, %add3A_117, %ge3A_118 : i32
      %convert_element_type3A_120 = arith.extui %ge3A_119 : i1 to i32
      %cond3A_121 = arith.constant 0 : i32
      %cond3A_122 = arith.cmpi ne, %convert_element_type3A_120, %cond3A_121 : i32
      scf.if %cond3A_122 {
        %sub3A = arith.constant 2 : i32
        %sub3A_143 = arith.subi %add3A_117, %sub3A : i32
        %mul3A_144 = arith.constant 80 : i32
        %mul3A_145 = arith.muli %sub3A_143, %mul3A_144 : i32
        %add3A_146 = arith.addi %mul3A_4, %mul3A_145 : i32
        %dma_wait3A_147 = arith.constant 0 : i32
        %dma_wait3A_148 = tpu.memref_slice %arg4[%add3A_146, %dma_wait3A_147] : memref<163840x128xf32, #tpu.memory_space<hbm>> -> memref<80x128xf32, #tpu.memory_space<hbm>>
        %dma_wait3A_149 = arith.constant 0 : i32
        %dma_wait3A_150 = tpu.memref_slice %arg4[%add3A_146, %dma_wait3A_149] : memref<163840x128xf32, #tpu.memory_space<hbm>> -> memref<80x128xf32, #tpu.memory_space<hbm>>
        tpu.wait_dma2 semaphore(%arg15 : memref<!tpu.dma_semaphore, #tpu.memory_space<semaphore_mem>>) src(%arg7 : memref<80x128xf32, #tpu.memory_space<vmem>>) dst(%dma_wait3A_150 : memref<80x128xf32, #tpu.memory_space<hbm>>)
      } else {
      }
      %add3A_123 = arith.constant 2 : i32
      %add3A_124 = arith.addi %add3A_117, %add3A_123 : i32
      %lt3A_125 = arith.constant 64 : i32
      %lt3A_126 = arith.cmpi slt, %add3A_124, %lt3A_125 : i32
      %convert_element_type3A_127 = arith.extui %lt3A_126 : i1 to i32
      %cond3A_128 = arith.constant 0 : i32
      %cond3A_129 = arith.cmpi ne, %convert_element_type3A_127, %cond3A_128 : i32
      scf.if %cond3A_129 {
        %add3A_143 = arith.constant 2 : i32
        %add3A_144 = arith.addi %add3A_117, %add3A_143 : i32
        %mul3A_145 = arith.constant 80 : i32
        %mul3A_146 = arith.muli %add3A_144, %mul3A_145 : i32
        %dma_start3A_147 = tpu.memref_slice %arg5[%mul3A_146] : memref<5120xi32, #tpu.memory_space<vmem>> -> memref<80xi32, #tpu.memory_space<vmem>>
        %dma_start3A_148 = arith.constant 0 : i32
        %dma_start3A_149 = arith.constant 0 : i32
        %dma_start3A_150 = tpu.memref_slice %arg2[%dma_start3A_148, %dma_start3A_149] : memref<8192x128xf32, #tpu.memory_space<hbm>> -> memref<8192x128xf32, #tpu.memory_space<hbm>>
        tpu.enqueue_indirect_dma source(%dma_start3A_150 : memref<8192x128xf32, #tpu.memory_space<hbm>>) target(%arg7 : memref<80x128xf32, #tpu.memory_space<vmem>>) offsets(%dma_start3A_147 : memref<80xi32, #tpu.memory_space<vmem>>) semaphore(%arg11 : memref<!tpu.dma_semaphore, #tpu.memory_space<semaphore_mem>>)
      } else {
      }
      %mul3A_130 = arith.constant 80 : i32
      %mul3A_131 = arith.muli %add3A_117, %mul3A_130 : i32
      %dma_wait3A_132 = tpu.memref_slice %arg5[%mul3A_131] : memref<5120xi32, #tpu.memory_space<vmem>> -> memref<80xi32, #tpu.memory_space<vmem>>
      %dma_wait3A_133 = arith.constant 0 : i32
      %dma_wait3A_134 = arith.constant 0 : i32
      %dma_wait3A_135 = tpu.memref_slice %arg2[%dma_wait3A_133, %dma_wait3A_134] : memref<8192x128xf32, #tpu.memory_space<hbm>> -> memref<8192x128xf32, #tpu.memory_space<hbm>>
      tpu.wait_indirect_dma semaphore(%arg13 : memref<!tpu.dma_semaphore, #tpu.memory_space<semaphore_mem>>) src(%dma_wait3A_135 : memref<8192x128xf32, #tpu.memory_space<hbm>>) dst(%arg9 : memref<80x128xf32, #tpu.memory_space<vmem>>)
      %mul3A_136 = arith.constant 80 : i32
      %mul3A_137 = arith.muli %add3A_117, %mul3A_136 : i32
      %add3A_138 = arith.addi %mul3A_4, %mul3A_137 : i32
      %dma_start3A_139 = arith.constant 0 : i32
      %dma_start3A_140 = tpu.memref_slice %arg4[%add3A_138, %dma_start3A_139] : memref<163840x128xf32, #tpu.memory_space<hbm>> -> memref<80x128xf32, #tpu.memory_space<hbm>>
      %dma_start3A_141 = arith.constant 0 : i32
      %dma_start3A_142 = tpu.memref_slice %arg4[%add3A_138, %dma_start3A_141] : memref<163840x128xf32, #tpu.memory_space<hbm>> -> memref<80x128xf32, #tpu.memory_space<hbm>>
      tpu.enqueue_dma source(%arg9 : memref<80x128xf32, #tpu.memory_space<vmem>>) target(%dma_start3A_142 : memref<80x128xf32, #tpu.memory_space<hbm>>) target_semaphore(%arg15 : memref<!tpu.dma_semaphore, #tpu.memory_space<semaphore_mem>>)
    }
    %scan3A_18 = arith.constant 16 : i32
    %add3A_19 = arith.constant 4960 : i32
    %add3A_20 = arith.addi %mul3A_4, %add3A_19 : i32
    %dma_wait3A = arith.constant 0 : i32
    %dma_wait3A_21 = tpu.memref_slice %arg4[%add3A_20, %dma_wait3A] : memref<163840x128xf32, #tpu.memory_space<hbm>> -> memref<80x128xf32, #tpu.memory_space<hbm>>
    %dma_wait3A_22 = arith.constant 0 : i32
    %dma_wait3A_23 = tpu.memref_slice %arg4[%add3A_20, %dma_wait3A_22] : memref<163840x128xf32, #tpu.memory_space<hbm>> -> memref<80x128xf32, #tpu.memory_space<hbm>>
    tpu.wait_dma2 semaphore(%arg14 : memref<!tpu.dma_semaphore, #tpu.memory_space<semaphore_mem>>) src(%arg8 : memref<80x128xf32, #tpu.memory_space<vmem>>) dst(%dma_wait3A_23 : memref<80x128xf32, #tpu.memory_space<hbm>>)
    %add3A_24 = arith.constant 5040 : i32
    %add3A_25 = arith.addi %mul3A_4, %add3A_24 : i32
    %dma_wait3A_26 = arith.constant 0 : i32
    %dma_wait3A_27 = tpu.memref_slice %arg4[%add3A_25, %dma_wait3A_26] : memref<163840x128xf32, #tpu.memory_space<hbm>> -> memref<80x128xf32, #tpu.memory_space<hbm>>
    %dma_wait3A_28 = arith.constant 0 : i32
    %dma_wait3A_29 = tpu.memref_slice %arg4[%add3A_25, %dma_wait3A_28] : memref<163840x128xf32, #tpu.memory_space<hbm>> -> memref<80x128xf32, #tpu.memory_space<hbm>>
    tpu.wait_dma2 semaphore(%arg15 : memref<!tpu.dma_semaphore, #tpu.memory_space<semaphore_mem>>) src(%arg9 : memref<80x128xf32, #tpu.memory_space<vmem>>) dst(%dma_wait3A_29 : memref<80x128xf32, #tpu.memory_space<hbm>>)
    return
  }
}

module attributes {stable_mosaic.version = 14 : i64} {
  func.func @_prep_topk_body(%arg0: i32, %arg1: i32, %arg2: memref<1x2048x8xf32, #tpu.memory_space<vmem>>, %arg3: memref<1x256x8xf32, #tpu.memory_space<vmem>>, %arg4: memref<1x256x20xi32, #tpu.memory_space<vmem>>, %arg5: memref<256x2048xf32, #tpu.memory_space<vmem>>) attributes {dimension_semantics = [#tpu.dimension_semantics<arbitrary>, #tpu.dimension_semantics<arbitrary>], iteration_bounds = array<i64: 4, 8>, scalar_prefetch = 0 : i64, scratch_operands = 1 : i64, tpu.core_type = #tpu.core_type<tc>, window_params = [{transform_indices = @transform_0, window_bounds = array<i64: 1, 2048, 8>}, {transform_indices = @transform_1, window_bounds = array<i64: 1, 256, 8>}, {transform_indices = @transform_2, window_bounds = array<i64: 1, 256, 20>}]} {
    %get3A = arith.constant 0 : index
    %get3A_0 = arith.constant 0 : index
    %get3A_1 = arith.constant 0 : index
    %get3A_2 = vector.load %arg2[%get3A, %get3A_0, %get3A_1] : memref<1x2048x8xf32, #tpu.memory_space<vmem>>, vector<1x2048x8xf32>
    %get3A_3 = vector.shape_cast %get3A_2 : vector<1x2048x8xf32> to vector<2048x8xf32>
    %get3A_4 = arith.constant 0 : index
    %get3A_5 = arith.constant 0 : index
    %get3A_6 = arith.constant 0 : index
    %get3A_7 = vector.load %arg3[%get3A_4, %get3A_5, %get3A_6] : memref<1x256x8xf32, #tpu.memory_space<vmem>>, vector<1x256x8xf32>
    %get3A_8 = vector.shape_cast %get3A_7 : vector<1x256x8xf32> to vector<256x8xf32>
    %mul3A = arith.mulf %get3A_3, %get3A_3 : vector<2048x8xf32>
    %reduce_sum3A = arith.constant dense<0.000000e+00> : vector<2048xf32>
    %reduce_sum3A_9 = vector.multi_reduction <add>, %mul3A, %reduce_sum3A [1] : vector<2048x8xf32> to vector<2048xf32>
    %mul3A_10 = arith.mulf %get3A_8, %get3A_8 : vector<256x8xf32>
    %reduce_sum3A_11 = arith.constant dense<0.000000e+00> : vector<256xf32>
    %reduce_sum3A_12 = vector.multi_reduction <add>, %mul3A_10, %reduce_sum3A_11 [1] : vector<256x8xf32> to vector<256xf32>
    %convert_element_type3A = arith.truncf %get3A_8 : vector<256x8xf32> to vector<256x8xbf16>
    %convert_element_type3A_13 = arith.truncf %get3A_3 : vector<2048x8xf32> to vector<2048x8xbf16>
    %dot_general3A = arith.constant dense<0.000000e+00> : vector<256x2048xf32>
    %dot_general3A_14 = tpu.matmul %convert_element_type3A, %convert_element_type3A_13, %dot_general3A {dimension_numbers = #tpu.dot_dimension_numbers<[1], [1], [0], [0], [0, 0, 1, 0], [], []>, transpose_lhs_hint = false} : vector<256x8xbf16>, vector<2048x8xbf16>, vector<256x2048xf32> -> vector<256x2048xf32>
    %mul3A_15 = arith.constant 2.000000e+00 : f32
    %mul3A_16 = vector.broadcast %mul3A_15 : f32 to vector<256x2048xf32>
    %mul3A_17 = arith.mulf %mul3A_16, %dot_general3A_14 : vector<256x2048xf32>
    %broadcast_in_dim3A = vector.shape_cast %reduce_sum3A_12 : vector<256xf32> to vector<256x1xf32>
    %sub3A = vector.broadcast %broadcast_in_dim3A : vector<256x1xf32> to vector<256x2048xf32>
    %sub3A_18 = arith.subf %mul3A_17, %sub3A : vector<256x2048xf32>
    %broadcast_in_dim3A_19 = vector.shape_cast %reduce_sum3A_9 : vector<2048xf32> to vector<1x2048xf32>
    %sub3A_20 = vector.broadcast %broadcast_in_dim3A_19 : vector<1x2048xf32> to vector<256x2048xf32>
    %sub3A_21 = arith.subf %sub3A_18, %sub3A_20 : vector<256x2048xf32>
    %swap3A = arith.constant 0 : index
    %swap3A_22 = arith.constant 0 : index
    %swap3A_23 = vector.load %arg5[%swap3A, %swap3A_22] : memref<256x2048xf32, #tpu.memory_space<vmem>>, vector<256x2048xf32>
    tpu.vector_store %arg5[%swap3A, %swap3A_22], %sub3A_21 {strides = array<i32>} : memref<256x2048xf32, #tpu.memory_space<vmem>>, vector<256x2048xf32>,
    %iota3A = tpu.iota {dimensions = array<i32: 1>} : vector<256x2048xi32>
    %reduce_max3A = arith.constant dense<0xFF800000> : vector<256xf32>
    %reduce_max3A_24 = vector.multi_reduction <maximumf>, %sub3A_21, %reduce_max3A [1] : vector<256x2048xf32> to vector<256xf32>
    %broadcast_in_dim3A_25 = vector.shape_cast %reduce_max3A_24 : vector<256xf32> to vector<256x1xf32>
    %get3A_26 = arith.constant 0 : index
    %get3A_27 = arith.constant 0 : index
    %get3A_28 = vector.load %arg5[%get3A_26, %get3A_27] : memref<256x2048xf32, #tpu.memory_space<vmem>>, vector<256x2048xf32>
    %eq3A = vector.broadcast %broadcast_in_dim3A_25 : vector<256x1xf32> to vector<256x2048xf32>
    %eq3A_29 = arith.cmpf oeq, %get3A_28, %eq3A : vector<256x2048xf32>
    %jit3A = arith.constant 2048 : i32
    %broadcast_in_dim3A_30 = vector.broadcast %jit3A : i32 to vector<256x2048xi32>
    %select_n3A = arith.select %eq3A_29, %iota3A, %broadcast_in_dim3A_30 : vector<256x2048xi1>, vector<256x2048xi32>
    %reduce_min3A = arith.constant dense<2147483647> : vector<256xi32>
    %reduce_min3A_31 = vector.multi_reduction <minsi>, %select_n3A, %reduce_min3A [1] : vector<256x2048xi32> to vector<256xi32>
    %broadcast_in_dim3A_32 = vector.shape_cast %reduce_min3A_31 : vector<256xi32> to vector<256x1xi32>
    %eq3A_33 = vector.broadcast %broadcast_in_dim3A_32 : vector<256x1xi32> to vector<256x2048xi32>
    %eq3A_34 = arith.cmpi eq, %iota3A, %eq3A_33 : vector<256x2048xi32>
    %jit3A_35 = arith.constant 0xFF800000 : f32
    %broadcast_in_dim3A_36 = vector.broadcast %jit3A_35 : f32 to vector<256x2048xf32>
    %select_n3A_37 = arith.select %eq3A_34, %broadcast_in_dim3A_36, %get3A_28 : vector<256x2048xi1>, vector<256x2048xf32>
    %swap3A_38 = arith.constant 0 : index
    %swap3A_39 = arith.constant 0 : index
    %swap3A_40 = vector.load %arg5[%swap3A_38, %swap3A_39] : memref<256x2048xf32, #tpu.memory_space<vmem>>, vector<256x2048xf32>
    tpu.vector_store %arg5[%swap3A_38, %swap3A_39], %select_n3A_37 {strides = array<i32>} : memref<256x2048xf32, #tpu.memory_space<vmem>>, vector<256x2048xf32>,
    %reduce_max3A_41 = arith.constant dense<0xFF800000> : vector<256xf32>
    %reduce_max3A_42 = vector.multi_reduction <maximumf>, %select_n3A_37, %reduce_max3A_41 [1] : vector<256x2048xf32> to vector<256xf32>
    %broadcast_in_dim3A_43 = vector.shape_cast %reduce_max3A_42 : vector<256xf32> to vector<256x1xf32>
    %get3A_44 = arith.constant 0 : index
    %get3A_45 = arith.constant 0 : index
    %get3A_46 = vector.load %arg5[%get3A_44, %get3A_45] : memref<256x2048xf32, #tpu.memory_space<vmem>>, vector<256x2048xf32>
    %eq3A_47 = vector.broadcast %broadcast_in_dim3A_43 : vector<256x1xf32> to vector<256x2048xf32>
    %eq3A_48 = arith.cmpf oeq, %get3A_46, %eq3A_47 : vector<256x2048xf32>
    %jit3A_49 = arith.constant 2048 : i32
    %broadcast_in_dim3A_50 = vector.broadcast %jit3A_49 : i32 to vector<256x2048xi32>
    %select_n3A_51 = arith.select %eq3A_48, %iota3A, %broadcast_in_dim3A_50 : vector<256x2048xi1>, vector<256x2048xi32>
    %reduce_min3A_52 = arith.constant dense<2147483647> : vector<256xi32>
    %reduce_min3A_53 = vector.multi_reduction <minsi>, %select_n3A_51, %reduce_min3A_52 [1] : vector<256x2048xi32> to vector<256xi32>
    %broadcast_in_dim3A_54 = vector.shape_cast %reduce_min3A_53 : vector<256xi32> to vector<256x1xi32>
    %eq3A_55 = vector.broadcast %broadcast_in_dim3A_54 : vector<256x1xi32> to vector<256x2048xi32>
    %eq3A_56 = arith.cmpi eq, %iota3A, %eq3A_55 : vector<256x2048xi32>
    %jit3A_57 = arith.constant 0xFF800000 : f32
    %broadcast_in_dim3A_58 = vector.broadcast %jit3A_57 : f32 to vector<256x2048xf32>
    %select_n3A_59 = arith.select %eq3A_56, %broadcast_in_dim3A_58, %get3A_46 : vector<256x2048xi1>, vector<256x2048xf32>
    %swap3A_60 = arith.constant 0 : index
    %swap3A_61 = arith.constant 0 : index
    %swap3A_62 = vector.load %arg5[%swap3A_60, %swap3A_61] : memref<256x2048xf32, #tpu.memory_space<vmem>>, vector<256x2048xf32>
    tpu.vector_store %arg5[%swap3A_60, %swap3A_61], %select_n3A_59 {strides = array<i32>} : memref<256x2048xf32, #tpu.memory_space<vmem>>, vector<256x2048xf32>,
    %reduce_max3A_63 = arith.constant dense<0xFF800000> : vector<256xf32>
    %reduce_max3A_64 = vector.multi_reduction <maximumf>, %select_n3A_59, %reduce_max3A_63 [1] : vector<256x2048xf32> to vector<256xf32>
    %broadcast_in_dim3A_65 = vector.shape_cast %reduce_max3A_64 : vector<256xf32> to vector<256x1xf32>
    %get3A_66 = arith.constant 0 : index
    %get3A_67 = arith.constant 0 : index
    %get3A_68 = vector.load %arg5[%get3A_66, %get3A_67] : memref<256x2048xf32, #tpu.memory_space<vmem>>, vector<256x2048xf32>
    %eq3A_69 = vector.broadcast %broadcast_in_dim3A_65 : vector<256x1xf32> to vector<256x2048xf32>
    %eq3A_70 = arith.cmpf oeq, %get3A_68, %eq3A_69 : vector<256x2048xf32>
    %jit3A_71 = arith.constant 2048 : i32
    %broadcast_in_dim3A_72 = vector.broadcast %jit3A_71 : i32 to vector<256x2048xi32>
    %select_n3A_73 = arith.select %eq3A_70, %iota3A, %broadcast_in_dim3A_72 : vector<256x2048xi1>, vector<256x2048xi32>
    %reduce_min3A_74 = arith.constant dense<2147483647> : vector<256xi32>
    %reduce_min3A_75 = vector.multi_reduction <minsi>, %select_n3A_73, %reduce_min3A_74 [1] : vector<256x2048xi32> to vector<256xi32>
    %broadcast_in_dim3A_76 = vector.shape_cast %reduce_min3A_75 : vector<256xi32> to vector<256x1xi32>
    %eq3A_77 = vector.broadcast %broadcast_in_dim3A_76 : vector<256x1xi32> to vector<256x2048xi32>
    %eq3A_78 = arith.cmpi eq, %iota3A, %eq3A_77 : vector<256x2048xi32>
    %jit3A_79 = arith.constant 0xFF800000 : f32
    %broadcast_in_dim3A_80 = vector.broadcast %jit3A_79 : f32 to vector<256x2048xf32>
    %select_n3A_81 = arith.select %eq3A_78, %broadcast_in_dim3A_80, %get3A_68 : vector<256x2048xi1>, vector<256x2048xf32>
    %swap3A_82 = arith.constant 0 : index
    %swap3A_83 = arith.constant 0 : index
    %swap3A_84 = vector.load %arg5[%swap3A_82, %swap3A_83] : memref<256x2048xf32, #tpu.memory_space<vmem>>, vector<256x2048xf32>
    tpu.vector_store %arg5[%swap3A_82, %swap3A_83], %select_n3A_81 {strides = array<i32>} : memref<256x2048xf32, #tpu.memory_space<vmem>>, vector<256x2048xf32>,
    %reduce_max3A_85 = arith.constant dense<0xFF800000> : vector<256xf32>
    %reduce_max3A_86 = vector.multi_reduction <maximumf>, %select_n3A_81, %reduce_max3A_85 [1] : vector<256x2048xf32> to vector<256xf32>
    %broadcast_in_dim3A_87 = vector.shape_cast %reduce_max3A_86 : vector<256xf32> to vector<256x1xf32>
    %get3A_88 = arith.constant 0 : index
    %get3A_89 = arith.constant 0 : index
    %get3A_90 = vector.load %arg5[%get3A_88, %get3A_89] : memref<256x2048xf32, #tpu.memory_space<vmem>>, vector<256x2048xf32>
    %eq3A_91 = vector.broadcast %broadcast_in_dim3A_87 : vector<256x1xf32> to vector<256x2048xf32>
    %eq3A_92 = arith.cmpf oeq, %get3A_90, %eq3A_91 : vector<256x2048xf32>
    %jit3A_93 = arith.constant 2048 : i32
    %broadcast_in_dim3A_94 = vector.broadcast %jit3A_93 : i32 to vector<256x2048xi32>
    %select_n3A_95 = arith.select %eq3A_92, %iota3A, %broadcast_in_dim3A_94 : vector<256x2048xi1>, vector<256x2048xi32>
    %reduce_min3A_96 = arith.constant dense<2147483647> : vector<256xi32>
    %reduce_min3A_97 = vector.multi_reduction <minsi>, %select_n3A_95, %reduce_min3A_96 [1] : vector<256x2048xi32> to vector<256xi32>
    %broadcast_in_dim3A_98 = vector.shape_cast %reduce_min3A_97 : vector<256xi32> to vector<256x1xi32>
    %eq3A_99 = vector.broadcast %broadcast_in_dim3A_98 : vector<256x1xi32> to vector<256x2048xi32>
    %eq3A_100 = arith.cmpi eq, %iota3A, %eq3A_99 : vector<256x2048xi32>
    %jit3A_101 = arith.constant 0xFF800000 : f32
    %broadcast_in_dim3A_102 = vector.broadcast %jit3A_101 : f32 to vector<256x2048xf32>
    %select_n3A_103 = arith.select %eq3A_100, %broadcast_in_dim3A_102, %get3A_90 : vector<256x2048xi1>, vector<256x2048xf32>
    %swap3A_104 = arith.constant 0 : index
    %swap3A_105 = arith.constant 0 : index
    %swap3A_106 = vector.load %arg5[%swap3A_104, %swap3A_105] : memref<256x2048xf32, #tpu.memory_space<vmem>>, vector<256x2048xf32>
    tpu.vector_store %arg5[%swap3A_104, %swap3A_105], %select_n3A_103 {strides = array<i32>} : memref<256x2048xf32, #tpu.memory_space<vmem>>, vector<256x2048xf32>,
    %reduce_max3A_107 = arith.constant dense<0xFF800000> : vector<256xf32>
    %reduce_max3A_108 = vector.multi_reduction <maximumf>, %select_n3A_103, %reduce_max3A_107 [1] : vector<256x2048xf32> to vector<256xf32>
    %broadcast_in_dim3A_109 = vector.shape_cast %reduce_max3A_108 : vector<256xf32> to vector<256x1xf32>
    %get3A_110 = arith.constant 0 : index
    %get3A_111 = arith.constant 0 : index
    %get3A_112 = vector.load %arg5[%get3A_110, %get3A_111] : memref<256x2048xf32, #tpu.memory_space<vmem>>, vector<256x2048xf32>
    %eq3A_113 = vector.broadcast %broadcast_in_dim3A_109 : vector<256x1xf32> to vector<256x2048xf32>
    %eq3A_114 = arith.cmpf oeq, %get3A_112, %eq3A_113 : vector<256x2048xf32>
    %jit3A_115 = arith.constant 2048 : i32
    %broadcast_in_dim3A_116 = vector.broadcast %jit3A_115 : i32 to vector<256x2048xi32>
    %select_n3A_117 = arith.select %eq3A_114, %iota3A, %broadcast_in_dim3A_116 : vector<256x2048xi1>, vector<256x2048xi32>
    %reduce_min3A_118 = arith.constant dense<2147483647> : vector<256xi32>
    %reduce_min3A_119 = vector.multi_reduction <minsi>, %select_n3A_117, %reduce_min3A_118 [1] : vector<256x2048xi32> to vector<256xi32>
    %broadcast_in_dim3A_120 = vector.shape_cast %reduce_min3A_119 : vector<256xi32> to vector<256x1xi32>
    %eq3A_121 = vector.broadcast %broadcast_in_dim3A_120 : vector<256x1xi32> to vector<256x2048xi32>
    %eq3A_122 = arith.cmpi eq, %iota3A, %eq3A_121 : vector<256x2048xi32>
    %jit3A_123 = arith.constant 0xFF800000 : f32
    %broadcast_in_dim3A_124 = vector.broadcast %jit3A_123 : f32 to vector<256x2048xf32>
    %select_n3A_125 = arith.select %eq3A_122, %broadcast_in_dim3A_124, %get3A_112 : vector<256x2048xi1>, vector<256x2048xf32>
    %swap3A_126 = arith.constant 0 : index
    %swap3A_127 = arith.constant 0 : index
    %swap3A_128 = vector.load %arg5[%swap3A_126, %swap3A_127] : memref<256x2048xf32, #tpu.memory_space<vmem>>, vector<256x2048xf32>
    tpu.vector_store %arg5[%swap3A_126, %swap3A_127], %select_n3A_125 {strides = array<i32>} : memref<256x2048xf32, #tpu.memory_space<vmem>>, vector<256x2048xf32>,
    %reduce_max3A_129 = arith.constant dense<0xFF800000> : vector<256xf32>
    %reduce_max3A_130 = vector.multi_reduction <maximumf>, %select_n3A_125, %reduce_max3A_129 [1] : vector<256x2048xf32> to vector<256xf32>
    %broadcast_in_dim3A_131 = vector.shape_cast %reduce_max3A_130 : vector<256xf32> to vector<256x1xf32>
    %get3A_132 = arith.constant 0 : index
    %get3A_133 = arith.constant 0 : index
    %get3A_134 = vector.load %arg5[%get3A_132, %get3A_133] : memref<256x2048xf32, #tpu.memory_space<vmem>>, vector<256x2048xf32>
    %eq3A_135 = vector.broadcast %broadcast_in_dim3A_131 : vector<256x1xf32> to vector<256x2048xf32>
    %eq3A_136 = arith.cmpf oeq, %get3A_134, %eq3A_135 : vector<256x2048xf32>
    %jit3A_137 = arith.constant 2048 : i32
    %broadcast_in_dim3A_138 = vector.broadcast %jit3A_137 : i32 to vector<256x2048xi32>
    %select_n3A_139 = arith.select %eq3A_136, %iota3A, %broadcast_in_dim3A_138 : vector<256x2048xi1>, vector<256x2048xi32>
    %reduce_min3A_140 = arith.constant dense<2147483647> : vector<256xi32>
    %reduce_min3A_141 = vector.multi_reduction <minsi>, %select_n3A_139, %reduce_min3A_140 [1] : vector<256x2048xi32> to vector<256xi32>
    %broadcast_in_dim3A_142 = vector.shape_cast %reduce_min3A_141 : vector<256xi32> to vector<256x1xi32>
    %eq3A_143 = vector.broadcast %broadcast_in_dim3A_142 : vector<256x1xi32> to vector<256x2048xi32>
    %eq3A_144 = arith.cmpi eq, %iota3A, %eq3A_143 : vector<256x2048xi32>
    %jit3A_145 = arith.constant 0xFF800000 : f32
    %broadcast_in_dim3A_146 = vector.broadcast %jit3A_145 : f32 to vector<256x2048xf32>
    %select_n3A_147 = arith.select %eq3A_144, %broadcast_in_dim3A_146, %get3A_134 : vector<256x2048xi1>, vector<256x2048xf32>
    %swap3A_148 = arith.constant 0 : index
    %swap3A_149 = arith.constant 0 : index
    %swap3A_150 = vector.load %arg5[%swap3A_148, %swap3A_149] : memref<256x2048xf32, #tpu.memory_space<vmem>>, vector<256x2048xf32>
    tpu.vector_store %arg5[%swap3A_148, %swap3A_149], %select_n3A_147 {strides = array<i32>} : memref<256x2048xf32, #tpu.memory_space<vmem>>, vector<256x2048xf32>,
    %reduce_max3A_151 = arith.constant dense<0xFF800000> : vector<256xf32>
    %reduce_max3A_152 = vector.multi_reduction <maximumf>, %select_n3A_147, %reduce_max3A_151 [1] : vector<256x2048xf32> to vector<256xf32>
    %broadcast_in_dim3A_153 = vector.shape_cast %reduce_max3A_152 : vector<256xf32> to vector<256x1xf32>
    %get3A_154 = arith.constant 0 : index
    %get3A_155 = arith.constant 0 : index
    %get3A_156 = vector.load %arg5[%get3A_154, %get3A_155] : memref<256x2048xf32, #tpu.memory_space<vmem>>, vector<256x2048xf32>
    %eq3A_157 = vector.broadcast %broadcast_in_dim3A_153 : vector<256x1xf32> to vector<256x2048xf32>
    %eq3A_158 = arith.cmpf oeq, %get3A_156, %eq3A_157 : vector<256x2048xf32>
    %jit3A_159 = arith.constant 2048 : i32
    %broadcast_in_dim3A_160 = vector.broadcast %jit3A_159 : i32 to vector<256x2048xi32>
    %select_n3A_161 = arith.select %eq3A_158, %iota3A, %broadcast_in_dim3A_160 : vector<256x2048xi1>, vector<256x2048xi32>
    %reduce_min3A_162 = arith.constant dense<2147483647> : vector<256xi32>
    %reduce_min3A_163 = vector.multi_reduction <minsi>, %select_n3A_161, %reduce_min3A_162 [1] : vector<256x2048xi32> to vector<256xi32>
    %broadcast_in_dim3A_164 = vector.shape_cast %reduce_min3A_163 : vector<256xi32> to vector<256x1xi32>
    %eq3A_165 = vector.broadcast %broadcast_in_dim3A_164 : vector<256x1xi32> to vector<256x2048xi32>
    %eq3A_166 = arith.cmpi eq, %iota3A, %eq3A_165 : vector<256x2048xi32>
    %jit3A_167 = arith.constant 0xFF800000 : f32
    %broadcast_in_dim3A_168 = vector.broadcast %jit3A_167 : f32 to vector<256x2048xf32>
    %select_n3A_169 = arith.select %eq3A_166, %broadcast_in_dim3A_168, %get3A_156 : vector<256x2048xi1>, vector<256x2048xf32>
    %swap3A_170 = arith.constant 0 : index
    %swap3A_171 = arith.constant 0 : index
    %swap3A_172 = vector.load %arg5[%swap3A_170, %swap3A_171] : memref<256x2048xf32, #tpu.memory_space<vmem>>, vector<256x2048xf32>
    tpu.vector_store %arg5[%swap3A_170, %swap3A_171], %select_n3A_169 {strides = array<i32>} : memref<256x2048xf32, #tpu.memory_space<vmem>>, vector<256x2048xf32>,
    %reduce_max3A_173 = arith.constant dense<0xFF800000> : vector<256xf32>
    %reduce_max3A_174 = vector.multi_reduction <maximumf>, %select_n3A_169, %reduce_max3A_173 [1] : vector<256x2048xf32> to vector<256xf32>
    %broadcast_in_dim3A_175 = vector.shape_cast %reduce_max3A_174 : vector<256xf32> to vector<256x1xf32>
    %get3A_176 = arith.constant 0 : index
    %get3A_177 = arith.constant 0 : index
    %get3A_178 = vector.load %arg5[%get3A_176, %get3A_177] : memref<256x2048xf32, #tpu.memory_space<vmem>>, vector<256x2048xf32>
    %eq3A_179 = vector.broadcast %broadcast_in_dim3A_175 : vector<256x1xf32> to vector<256x2048xf32>
    %eq3A_180 = arith.cmpf oeq, %get3A_178, %eq3A_179 : vector<256x2048xf32>
    %jit3A_181 = arith.constant 2048 : i32
    %broadcast_in_dim3A_182 = vector.broadcast %jit3A_181 : i32 to vector<256x2048xi32>
    %select_n3A_183 = arith.select %eq3A_180, %iota3A, %broadcast_in_dim3A_182 : vector<256x2048xi1>, vector<256x2048xi32>
    %reduce_min3A_184 = arith.constant dense<2147483647> : vector<256xi32>
    %reduce_min3A_185 = vector.multi_reduction <minsi>, %select_n3A_183, %reduce_min3A_184 [1] : vector<256x2048xi32> to vector<256xi32>
    %broadcast_in_dim3A_186 = vector.shape_cast %reduce_min3A_185 : vector<256xi32> to vector<256x1xi32>
    %eq3A_187 = vector.broadcast %broadcast_in_dim3A_186 : vector<256x1xi32> to vector<256x2048xi32>
    %eq3A_188 = arith.cmpi eq, %iota3A, %eq3A_187 : vector<256x2048xi32>
    %jit3A_189 = arith.constant 0xFF800000 : f32
    %broadcast_in_dim3A_190 = vector.broadcast %jit3A_189 : f32 to vector<256x2048xf32>
    %select_n3A_191 = arith.select %eq3A_188, %broadcast_in_dim3A_190, %get3A_178 : vector<256x2048xi1>, vector<256x2048xf32>
    %swap3A_192 = arith.constant 0 : index
    %swap3A_193 = arith.constant 0 : index
    %swap3A_194 = vector.load %arg5[%swap3A_192, %swap3A_193] : memref<256x2048xf32, #tpu.memory_space<vmem>>, vector<256x2048xf32>
    tpu.vector_store %arg5[%swap3A_192, %swap3A_193], %select_n3A_191 {strides = array<i32>} : memref<256x2048xf32, #tpu.memory_space<vmem>>, vector<256x2048xf32>,
    %reduce_max3A_195 = arith.constant dense<0xFF800000> : vector<256xf32>
    %reduce_max3A_196 = vector.multi_reduction <maximumf>, %select_n3A_191, %reduce_max3A_195 [1] : vector<256x2048xf32> to vector<256xf32>
    %broadcast_in_dim3A_197 = vector.shape_cast %reduce_max3A_196 : vector<256xf32> to vector<256x1xf32>
    %get3A_198 = arith.constant 0 : index
    %get3A_199 = arith.constant 0 : index
    %get3A_200 = vector.load %arg5[%get3A_198, %get3A_199] : memref<256x2048xf32, #tpu.memory_space<vmem>>, vector<256x2048xf32>
    %eq3A_201 = vector.broadcast %broadcast_in_dim3A_197 : vector<256x1xf32> to vector<256x2048xf32>
    %eq3A_202 = arith.cmpf oeq, %get3A_200, %eq3A_201 : vector<256x2048xf32>
    %jit3A_203 = arith.constant 2048 : i32
    %broadcast_in_dim3A_204 = vector.broadcast %jit3A_203 : i32 to vector<256x2048xi32>
    %select_n3A_205 = arith.select %eq3A_202, %iota3A, %broadcast_in_dim3A_204 : vector<256x2048xi1>, vector<256x2048xi32>
    %reduce_min3A_206 = arith.constant dense<2147483647> : vector<256xi32>
    %reduce_min3A_207 = vector.multi_reduction <minsi>, %select_n3A_205, %reduce_min3A_206 [1] : vector<256x2048xi32> to vector<256xi32>
    %broadcast_in_dim3A_208 = vector.shape_cast %reduce_min3A_207 : vector<256xi32> to vector<256x1xi32>
    %eq3A_209 = vector.broadcast %broadcast_in_dim3A_208 : vector<256x1xi32> to vector<256x2048xi32>
    %eq3A_210 = arith.cmpi eq, %iota3A, %eq3A_209 : vector<256x2048xi32>
    %jit3A_211 = arith.constant 0xFF800000 : f32
    %broadcast_in_dim3A_212 = vector.broadcast %jit3A_211 : f32 to vector<256x2048xf32>
    %select_n3A_213 = arith.select %eq3A_210, %broadcast_in_dim3A_212, %get3A_200 : vector<256x2048xi1>, vector<256x2048xf32>
    %swap3A_214 = arith.constant 0 : index
    %swap3A_215 = arith.constant 0 : index
    %swap3A_216 = vector.load %arg5[%swap3A_214, %swap3A_215] : memref<256x2048xf32, #tpu.memory_space<vmem>>, vector<256x2048xf32>
    tpu.vector_store %arg5[%swap3A_214, %swap3A_215], %select_n3A_213 {strides = array<i32>} : memref<256x2048xf32, #tpu.memory_space<vmem>>, vector<256x2048xf32>,
    %reduce_max3A_217 = arith.constant dense<0xFF800000> : vector<256xf32>
    %reduce_max3A_218 = vector.multi_reduction <maximumf>, %select_n3A_213, %reduce_max3A_217 [1] : vector<256x2048xf32> to vector<256xf32>
    %broadcast_in_dim3A_219 = vector.shape_cast %reduce_max3A_218 : vector<256xf32> to vector<256x1xf32>
    %get3A_220 = arith.constant 0 : index
    %get3A_221 = arith.constant 0 : index
    %get3A_222 = vector.load %arg5[%get3A_220, %get3A_221] : memref<256x2048xf32, #tpu.memory_space<vmem>>, vector<256x2048xf32>
    %eq3A_223 = vector.broadcast %broadcast_in_dim3A_219 : vector<256x1xf32> to vector<256x2048xf32>
    %eq3A_224 = arith.cmpf oeq, %get3A_222, %eq3A_223 : vector<256x2048xf32>
    %jit3A_225 = arith.constant 2048 : i32
    %broadcast_in_dim3A_226 = vector.broadcast %jit3A_225 : i32 to vector<256x2048xi32>
    %select_n3A_227 = arith.select %eq3A_224, %iota3A, %broadcast_in_dim3A_226 : vector<256x2048xi1>, vector<256x2048xi32>
    %reduce_min3A_228 = arith.constant dense<2147483647> : vector<256xi32>
    %reduce_min3A_229 = vector.multi_reduction <minsi>, %select_n3A_227, %reduce_min3A_228 [1] : vector<256x2048xi32> to vector<256xi32>
    %broadcast_in_dim3A_230 = vector.shape_cast %reduce_min3A_229 : vector<256xi32> to vector<256x1xi32>
    %eq3A_231 = vector.broadcast %broadcast_in_dim3A_230 : vector<256x1xi32> to vector<256x2048xi32>
    %eq3A_232 = arith.cmpi eq, %iota3A, %eq3A_231 : vector<256x2048xi32>
    %jit3A_233 = arith.constant 0xFF800000 : f32
    %broadcast_in_dim3A_234 = vector.broadcast %jit3A_233 : f32 to vector<256x2048xf32>
    %select_n3A_235 = arith.select %eq3A_232, %broadcast_in_dim3A_234, %get3A_222 : vector<256x2048xi1>, vector<256x2048xf32>
    %swap3A_236 = arith.constant 0 : index
    %swap3A_237 = arith.constant 0 : index
    %swap3A_238 = vector.load %arg5[%swap3A_236, %swap3A_237] : memref<256x2048xf32, #tpu.memory_space<vmem>>, vector<256x2048xf32>
    tpu.vector_store %arg5[%swap3A_236, %swap3A_237], %select_n3A_235 {strides = array<i32>} : memref<256x2048xf32, #tpu.memory_space<vmem>>, vector<256x2048xf32>,
    %reduce_max3A_239 = arith.constant dense<0xFF800000> : vector<256xf32>
    %reduce_max3A_240 = vector.multi_reduction <maximumf>, %select_n3A_235, %reduce_max3A_239 [1] : vector<256x2048xf32> to vector<256xf32>
    %broadcast_in_dim3A_241 = vector.shape_cast %reduce_max3A_240 : vector<256xf32> to vector<256x1xf32>
    %get3A_242 = arith.constant 0 : index
    %get3A_243 = arith.constant 0 : index
    %get3A_244 = vector.load %arg5[%get3A_242, %get3A_243] : memref<256x2048xf32, #tpu.memory_space<vmem>>, vector<256x2048xf32>
    %eq3A_245 = vector.broadcast %broadcast_in_dim3A_241 : vector<256x1xf32> to vector<256x2048xf32>
    %eq3A_246 = arith.cmpf oeq, %get3A_244, %eq3A_245 : vector<256x2048xf32>
    %jit3A_247 = arith.constant 2048 : i32
    %broadcast_in_dim3A_248 = vector.broadcast %jit3A_247 : i32 to vector<256x2048xi32>
    %select_n3A_249 = arith.select %eq3A_246, %iota3A, %broadcast_in_dim3A_248 : vector<256x2048xi1>, vector<256x2048xi32>
    %reduce_min3A_250 = arith.constant dense<2147483647> : vector<256xi32>
    %reduce_min3A_251 = vector.multi_reduction <minsi>, %select_n3A_249, %reduce_min3A_250 [1] : vector<256x2048xi32> to vector<256xi32>
    %broadcast_in_dim3A_252 = vector.shape_cast %reduce_min3A_251 : vector<256xi32> to vector<256x1xi32>
    %eq3A_253 = vector.broadcast %broadcast_in_dim3A_252 : vector<256x1xi32> to vector<256x2048xi32>
    %eq3A_254 = arith.cmpi eq, %iota3A, %eq3A_253 : vector<256x2048xi32>
    %jit3A_255 = arith.constant 0xFF800000 : f32
    %broadcast_in_dim3A_256 = vector.broadcast %jit3A_255 : f32 to vector<256x2048xf32>
    %select_n3A_257 = arith.select %eq3A_254, %broadcast_in_dim3A_256, %get3A_244 : vector<256x2048xi1>, vector<256x2048xf32>
    %swap3A_258 = arith.constant 0 : index
    %swap3A_259 = arith.constant 0 : index
    %swap3A_260 = vector.load %arg5[%swap3A_258, %swap3A_259] : memref<256x2048xf32, #tpu.memory_space<vmem>>, vector<256x2048xf32>
    tpu.vector_store %arg5[%swap3A_258, %swap3A_259], %select_n3A_257 {strides = array<i32>} : memref<256x2048xf32, #tpu.memory_space<vmem>>, vector<256x2048xf32>,
    %reduce_max3A_261 = arith.constant dense<0xFF800000> : vector<256xf32>
    %reduce_max3A_262 = vector.multi_reduction <maximumf>, %select_n3A_257, %reduce_max3A_261 [1] : vector<256x2048xf32> to vector<256xf32>
    %broadcast_in_dim3A_263 = vector.shape_cast %reduce_max3A_262 : vector<256xf32> to vector<256x1xf32>
    %get3A_264 = arith.constant 0 : index
    %get3A_265 = arith.constant 0 : index
    %get3A_266 = vector.load %arg5[%get3A_264, %get3A_265] : memref<256x2048xf32, #tpu.memory_space<vmem>>, vector<256x2048xf32>
    %eq3A_267 = vector.broadcast %broadcast_in_dim3A_263 : vector<256x1xf32> to vector<256x2048xf32>
    %eq3A_268 = arith.cmpf oeq, %get3A_266, %eq3A_267 : vector<256x2048xf32>
    %jit3A_269 = arith.constant 2048 : i32
    %broadcast_in_dim3A_270 = vector.broadcast %jit3A_269 : i32 to vector<256x2048xi32>
    %select_n3A_271 = arith.select %eq3A_268, %iota3A, %broadcast_in_dim3A_270 : vector<256x2048xi1>, vector<256x2048xi32>
    %reduce_min3A_272 = arith.constant dense<2147483647> : vector<256xi32>
    %reduce_min3A_273 = vector.multi_reduction <minsi>, %select_n3A_271, %reduce_min3A_272 [1] : vector<256x2048xi32> to vector<256xi32>
    %broadcast_in_dim3A_274 = vector.shape_cast %reduce_min3A_273 : vector<256xi32> to vector<256x1xi32>
    %eq3A_275 = vector.broadcast %broadcast_in_dim3A_274 : vector<256x1xi32> to vector<256x2048xi32>
    %eq3A_276 = arith.cmpi eq, %iota3A, %eq3A_275 : vector<256x2048xi32>
    %jit3A_277 = arith.constant 0xFF800000 : f32
    %broadcast_in_dim3A_278 = vector.broadcast %jit3A_277 : f32 to vector<256x2048xf32>
    %select_n3A_279 = arith.select %eq3A_276, %broadcast_in_dim3A_278, %get3A_266 : vector<256x2048xi1>, vector<256x2048xf32>
    %swap3A_280 = arith.constant 0 : index
    %swap3A_281 = arith.constant 0 : index
    %swap3A_282 = vector.load %arg5[%swap3A_280, %swap3A_281] : memref<256x2048xf32, #tpu.memory_space<vmem>>, vector<256x2048xf32>
    tpu.vector_store %arg5[%swap3A_280, %swap3A_281], %select_n3A_279 {strides = array<i32>} : memref<256x2048xf32, #tpu.memory_space<vmem>>, vector<256x2048xf32>,
    %reduce_max3A_283 = arith.constant dense<0xFF800000> : vector<256xf32>
    %reduce_max3A_284 = vector.multi_reduction <maximumf>, %select_n3A_279, %reduce_max3A_283 [1] : vector<256x2048xf32> to vector<256xf32>
    %broadcast_in_dim3A_285 = vector.shape_cast %reduce_max3A_284 : vector<256xf32> to vector<256x1xf32>
    %get3A_286 = arith.constant 0 : index
    %get3A_287 = arith.constant 0 : index
    %get3A_288 = vector.load %arg5[%get3A_286, %get3A_287] : memref<256x2048xf32, #tpu.memory_space<vmem>>, vector<256x2048xf32>
    %eq3A_289 = vector.broadcast %broadcast_in_dim3A_285 : vector<256x1xf32> to vector<256x2048xf32>
    %eq3A_290 = arith.cmpf oeq, %get3A_288, %eq3A_289 : vector<256x2048xf32>
    %jit3A_291 = arith.constant 2048 : i32
    %broadcast_in_dim3A_292 = vector.broadcast %jit3A_291 : i32 to vector<256x2048xi32>
    %select_n3A_293 = arith.select %eq3A_290, %iota3A, %broadcast_in_dim3A_292 : vector<256x2048xi1>, vector<256x2048xi32>
    %reduce_min3A_294 = arith.constant dense<2147483647> : vector<256xi32>
    %reduce_min3A_295 = vector.multi_reduction <minsi>, %select_n3A_293, %reduce_min3A_294 [1] : vector<256x2048xi32> to vector<256xi32>
    %broadcast_in_dim3A_296 = vector.shape_cast %reduce_min3A_295 : vector<256xi32> to vector<256x1xi32>
    %eq3A_297 = vector.broadcast %broadcast_in_dim3A_296 : vector<256x1xi32> to vector<256x2048xi32>
    %eq3A_298 = arith.cmpi eq, %iota3A, %eq3A_297 : vector<256x2048xi32>
    %jit3A_299 = arith.constant 0xFF800000 : f32
    %broadcast_in_dim3A_300 = vector.broadcast %jit3A_299 : f32 to vector<256x2048xf32>
    %select_n3A_301 = arith.select %eq3A_298, %broadcast_in_dim3A_300, %get3A_288 : vector<256x2048xi1>, vector<256x2048xf32>
    %swap3A_302 = arith.constant 0 : index
    %swap3A_303 = arith.constant 0 : index
    %swap3A_304 = vector.load %arg5[%swap3A_302, %swap3A_303] : memref<256x2048xf32, #tpu.memory_space<vmem>>, vector<256x2048xf32>
    tpu.vector_store %arg5[%swap3A_302, %swap3A_303], %select_n3A_301 {strides = array<i32>} : memref<256x2048xf32, #tpu.memory_space<vmem>>, vector<256x2048xf32>,
    %reduce_max3A_305 = arith.constant dense<0xFF800000> : vector<256xf32>
    %reduce_max3A_306 = vector.multi_reduction <maximumf>, %select_n3A_301, %reduce_max3A_305 [1] : vector<256x2048xf32> to vector<256xf32>
    %broadcast_in_dim3A_307 = vector.shape_cast %reduce_max3A_306 : vector<256xf32> to vector<256x1xf32>
    %get3A_308 = arith.constant 0 : index
    %get3A_309 = arith.constant 0 : index
    %get3A_310 = vector.load %arg5[%get3A_308, %get3A_309] : memref<256x2048xf32, #tpu.memory_space<vmem>>, vector<256x2048xf32>
    %eq3A_311 = vector.broadcast %broadcast_in_dim3A_307 : vector<256x1xf32> to vector<256x2048xf32>
    %eq3A_312 = arith.cmpf oeq, %get3A_310, %eq3A_311 : vector<256x2048xf32>
    %jit3A_313 = arith.constant 2048 : i32
    %broadcast_in_dim3A_314 = vector.broadcast %jit3A_313 : i32 to vector<256x2048xi32>
    %select_n3A_315 = arith.select %eq3A_312, %iota3A, %broadcast_in_dim3A_314 : vector<256x2048xi1>, vector<256x2048xi32>
    %reduce_min3A_316 = arith.constant dense<2147483647> : vector<256xi32>
    %reduce_min3A_317 = vector.multi_reduction <minsi>, %select_n3A_315, %reduce_min3A_316 [1] : vector<256x2048xi32> to vector<256xi32>
    %broadcast_in_dim3A_318 = vector.shape_cast %reduce_min3A_317 : vector<256xi32> to vector<256x1xi32>
    %eq3A_319 = vector.broadcast %broadcast_in_dim3A_318 : vector<256x1xi32> to vector<256x2048xi32>
    %eq3A_320 = arith.cmpi eq, %iota3A, %eq3A_319 : vector<256x2048xi32>
    %jit3A_321 = arith.constant 0xFF800000 : f32
    %broadcast_in_dim3A_322 = vector.broadcast %jit3A_321 : f32 to vector<256x2048xf32>
    %select_n3A_323 = arith.select %eq3A_320, %broadcast_in_dim3A_322, %get3A_310 : vector<256x2048xi1>, vector<256x2048xf32>
    %swap3A_324 = arith.constant 0 : index
    %swap3A_325 = arith.constant 0 : index
    %swap3A_326 = vector.load %arg5[%swap3A_324, %swap3A_325] : memref<256x2048xf32, #tpu.memory_space<vmem>>, vector<256x2048xf32>
    tpu.vector_store %arg5[%swap3A_324, %swap3A_325], %select_n3A_323 {strides = array<i32>} : memref<256x2048xf32, #tpu.memory_space<vmem>>, vector<256x2048xf32>,
    %reduce_max3A_327 = arith.constant dense<0xFF800000> : vector<256xf32>
    %reduce_max3A_328 = vector.multi_reduction <maximumf>, %select_n3A_323, %reduce_max3A_327 [1] : vector<256x2048xf32> to vector<256xf32>
    %broadcast_in_dim3A_329 = vector.shape_cast %reduce_max3A_328 : vector<256xf32> to vector<256x1xf32>
    %get3A_330 = arith.constant 0 : index
    %get3A_331 = arith.constant 0 : index
    %get3A_332 = vector.load %arg5[%get3A_330, %get3A_331] : memref<256x2048xf32, #tpu.memory_space<vmem>>, vector<256x2048xf32>
    %eq3A_333 = vector.broadcast %broadcast_in_dim3A_329 : vector<256x1xf32> to vector<256x2048xf32>
    %eq3A_334 = arith.cmpf oeq, %get3A_332, %eq3A_333 : vector<256x2048xf32>
    %jit3A_335 = arith.constant 2048 : i32
    %broadcast_in_dim3A_336 = vector.broadcast %jit3A_335 : i32 to vector<256x2048xi32>
    %select_n3A_337 = arith.select %eq3A_334, %iota3A, %broadcast_in_dim3A_336 : vector<256x2048xi1>, vector<256x2048xi32>
    %reduce_min3A_338 = arith.constant dense<2147483647> : vector<256xi32>
    %reduce_min3A_339 = vector.multi_reduction <minsi>, %select_n3A_337, %reduce_min3A_338 [1] : vector<256x2048xi32> to vector<256xi32>
    %broadcast_in_dim3A_340 = vector.shape_cast %reduce_min3A_339 : vector<256xi32> to vector<256x1xi32>
    %eq3A_341 = vector.broadcast %broadcast_in_dim3A_340 : vector<256x1xi32> to vector<256x2048xi32>
    %eq3A_342 = arith.cmpi eq, %iota3A, %eq3A_341 : vector<256x2048xi32>
    %jit3A_343 = arith.constant 0xFF800000 : f32
    %broadcast_in_dim3A_344 = vector.broadcast %jit3A_343 : f32 to vector<256x2048xf32>
    %select_n3A_345 = arith.select %eq3A_342, %broadcast_in_dim3A_344, %get3A_332 : vector<256x2048xi1>, vector<256x2048xf32>
    %swap3A_346 = arith.constant 0 : index
    %swap3A_347 = arith.constant 0 : index
    %swap3A_348 = vector.load %arg5[%swap3A_346, %swap3A_347] : memref<256x2048xf32, #tpu.memory_space<vmem>>, vector<256x2048xf32>
    tpu.vector_store %arg5[%swap3A_346, %swap3A_347], %select_n3A_345 {strides = array<i32>} : memref<256x2048xf32, #tpu.memory_space<vmem>>, vector<256x2048xf32>,
    %reduce_max3A_349 = arith.constant dense<0xFF800000> : vector<256xf32>
    %reduce_max3A_350 = vector.multi_reduction <maximumf>, %select_n3A_345, %reduce_max3A_349 [1] : vector<256x2048xf32> to vector<256xf32>
    %broadcast_in_dim3A_351 = vector.shape_cast %reduce_max3A_350 : vector<256xf32> to vector<256x1xf32>
    %get3A_352 = arith.constant 0 : index
    %get3A_353 = arith.constant 0 : index
    %get3A_354 = vector.load %arg5[%get3A_352, %get3A_353] : memref<256x2048xf32, #tpu.memory_space<vmem>>, vector<256x2048xf32>
    %eq3A_355 = vector.broadcast %broadcast_in_dim3A_351 : vector<256x1xf32> to vector<256x2048xf32>
    %eq3A_356 = arith.cmpf oeq, %get3A_354, %eq3A_355 : vector<256x2048xf32>
    %jit3A_357 = arith.constant 2048 : i32
    %broadcast_in_dim3A_358 = vector.broadcast %jit3A_357 : i32 to vector<256x2048xi32>
    %select_n3A_359 = arith.select %eq3A_356, %iota3A, %broadcast_in_dim3A_358 : vector<256x2048xi1>, vector<256x2048xi32>
    %reduce_min3A_360 = arith.constant dense<2147483647> : vector<256xi32>
    %reduce_min3A_361 = vector.multi_reduction <minsi>, %select_n3A_359, %reduce_min3A_360 [1] : vector<256x2048xi32> to vector<256xi32>
    %broadcast_in_dim3A_362 = vector.shape_cast %reduce_min3A_361 : vector<256xi32> to vector<256x1xi32>
    %eq3A_363 = vector.broadcast %broadcast_in_dim3A_362 : vector<256x1xi32> to vector<256x2048xi32>
    %eq3A_364 = arith.cmpi eq, %iota3A, %eq3A_363 : vector<256x2048xi32>
    %jit3A_365 = arith.constant 0xFF800000 : f32
    %broadcast_in_dim3A_366 = vector.broadcast %jit3A_365 : f32 to vector<256x2048xf32>
    %select_n3A_367 = arith.select %eq3A_364, %broadcast_in_dim3A_366, %get3A_354 : vector<256x2048xi1>, vector<256x2048xf32>
    %swap3A_368 = arith.constant 0 : index
    %swap3A_369 = arith.constant 0 : index
    %swap3A_370 = vector.load %arg5[%swap3A_368, %swap3A_369] : memref<256x2048xf32, #tpu.memory_space<vmem>>, vector<256x2048xf32>
    tpu.vector_store %arg5[%swap3A_368, %swap3A_369], %select_n3A_367 {strides = array<i32>} : memref<256x2048xf32, #tpu.memory_space<vmem>>, vector<256x2048xf32>,
    %reduce_max3A_371 = arith.constant dense<0xFF800000> : vector<256xf32>
    %reduce_max3A_372 = vector.multi_reduction <maximumf>, %select_n3A_367, %reduce_max3A_371 [1] : vector<256x2048xf32> to vector<256xf32>
    %broadcast_in_dim3A_373 = vector.shape_cast %reduce_max3A_372 : vector<256xf32> to vector<256x1xf32>
    %get3A_374 = arith.constant 0 : index
    %get3A_375 = arith.constant 0 : index
    %get3A_376 = vector.load %arg5[%get3A_374, %get3A_375] : memref<256x2048xf32, #tpu.memory_space<vmem>>, vector<256x2048xf32>
    %eq3A_377 = vector.broadcast %broadcast_in_dim3A_373 : vector<256x1xf32> to vector<256x2048xf32>
    %eq3A_378 = arith.cmpf oeq, %get3A_376, %eq3A_377 : vector<256x2048xf32>
    %jit3A_379 = arith.constant 2048 : i32
    %broadcast_in_dim3A_380 = vector.broadcast %jit3A_379 : i32 to vector<256x2048xi32>
    %select_n3A_381 = arith.select %eq3A_378, %iota3A, %broadcast_in_dim3A_380 : vector<256x2048xi1>, vector<256x2048xi32>
    %reduce_min3A_382 = arith.constant dense<2147483647> : vector<256xi32>
    %reduce_min3A_383 = vector.multi_reduction <minsi>, %select_n3A_381, %reduce_min3A_382 [1] : vector<256x2048xi32> to vector<256xi32>
    %broadcast_in_dim3A_384 = vector.shape_cast %reduce_min3A_383 : vector<256xi32> to vector<256x1xi32>
    %eq3A_385 = vector.broadcast %broadcast_in_dim3A_384 : vector<256x1xi32> to vector<256x2048xi32>
    %eq3A_386 = arith.cmpi eq, %iota3A, %eq3A_385 : vector<256x2048xi32>
    %jit3A_387 = arith.constant 0xFF800000 : f32
    %broadcast_in_dim3A_388 = vector.broadcast %jit3A_387 : f32 to vector<256x2048xf32>
    %select_n3A_389 = arith.select %eq3A_386, %broadcast_in_dim3A_388, %get3A_376 : vector<256x2048xi1>, vector<256x2048xf32>
    %swap3A_390 = arith.constant 0 : index
    %swap3A_391 = arith.constant 0 : index
    %swap3A_392 = vector.load %arg5[%swap3A_390, %swap3A_391] : memref<256x2048xf32, #tpu.memory_space<vmem>>, vector<256x2048xf32>
    tpu.vector_store %arg5[%swap3A_390, %swap3A_391], %select_n3A_389 {strides = array<i32>} : memref<256x2048xf32, #tpu.memory_space<vmem>>, vector<256x2048xf32>,
    %reduce_max3A_393 = arith.constant dense<0xFF800000> : vector<256xf32>
    %reduce_max3A_394 = vector.multi_reduction <maximumf>, %select_n3A_389, %reduce_max3A_393 [1] : vector<256x2048xf32> to vector<256xf32>
    %broadcast_in_dim3A_395 = vector.shape_cast %reduce_max3A_394 : vector<256xf32> to vector<256x1xf32>
    %get3A_396 = arith.constant 0 : index
    %get3A_397 = arith.constant 0 : index
    %get3A_398 = vector.load %arg5[%get3A_396, %get3A_397] : memref<256x2048xf32, #tpu.memory_space<vmem>>, vector<256x2048xf32>
    %eq3A_399 = vector.broadcast %broadcast_in_dim3A_395 : vector<256x1xf32> to vector<256x2048xf32>
    %eq3A_400 = arith.cmpf oeq, %get3A_398, %eq3A_399 : vector<256x2048xf32>
    %jit3A_401 = arith.constant 2048 : i32
    %broadcast_in_dim3A_402 = vector.broadcast %jit3A_401 : i32 to vector<256x2048xi32>
    %select_n3A_403 = arith.select %eq3A_400, %iota3A, %broadcast_in_dim3A_402 : vector<256x2048xi1>, vector<256x2048xi32>
    %reduce_min3A_404 = arith.constant dense<2147483647> : vector<256xi32>
    %reduce_min3A_405 = vector.multi_reduction <minsi>, %select_n3A_403, %reduce_min3A_404 [1] : vector<256x2048xi32> to vector<256xi32>
    %broadcast_in_dim3A_406 = vector.shape_cast %reduce_min3A_405 : vector<256xi32> to vector<256x1xi32>
    %eq3A_407 = vector.broadcast %broadcast_in_dim3A_406 : vector<256x1xi32> to vector<256x2048xi32>
    %eq3A_408 = arith.cmpi eq, %iota3A, %eq3A_407 : vector<256x2048xi32>
    %jit3A_409 = arith.constant 0xFF800000 : f32
    %broadcast_in_dim3A_410 = vector.broadcast %jit3A_409 : f32 to vector<256x2048xf32>
    %select_n3A_411 = arith.select %eq3A_408, %broadcast_in_dim3A_410, %get3A_398 : vector<256x2048xi1>, vector<256x2048xf32>
    %swap3A_412 = arith.constant 0 : index
    %swap3A_413 = arith.constant 0 : index
    %swap3A_414 = vector.load %arg5[%swap3A_412, %swap3A_413] : memref<256x2048xf32, #tpu.memory_space<vmem>>, vector<256x2048xf32>
    tpu.vector_store %arg5[%swap3A_412, %swap3A_413], %select_n3A_411 {strides = array<i32>} : memref<256x2048xf32, #tpu.memory_space<vmem>>, vector<256x2048xf32>,
    %reduce_max3A_415 = arith.constant dense<0xFF800000> : vector<256xf32>
    %reduce_max3A_416 = vector.multi_reduction <maximumf>, %select_n3A_411, %reduce_max3A_415 [1] : vector<256x2048xf32> to vector<256xf32>
    %broadcast_in_dim3A_417 = vector.shape_cast %reduce_max3A_416 : vector<256xf32> to vector<256x1xf32>
    %get3A_418 = arith.constant 0 : index
    %get3A_419 = arith.constant 0 : index
    %get3A_420 = vector.load %arg5[%get3A_418, %get3A_419] : memref<256x2048xf32, #tpu.memory_space<vmem>>, vector<256x2048xf32>
    %eq3A_421 = vector.broadcast %broadcast_in_dim3A_417 : vector<256x1xf32> to vector<256x2048xf32>
    %eq3A_422 = arith.cmpf oeq, %get3A_420, %eq3A_421 : vector<256x2048xf32>
    %jit3A_423 = arith.constant 2048 : i32
    %broadcast_in_dim3A_424 = vector.broadcast %jit3A_423 : i32 to vector<256x2048xi32>
    %select_n3A_425 = arith.select %eq3A_422, %iota3A, %broadcast_in_dim3A_424 : vector<256x2048xi1>, vector<256x2048xi32>
    %reduce_min3A_426 = arith.constant dense<2147483647> : vector<256xi32>
    %reduce_min3A_427 = vector.multi_reduction <minsi>, %select_n3A_425, %reduce_min3A_426 [1] : vector<256x2048xi32> to vector<256xi32>
    %broadcast_in_dim3A_428 = vector.shape_cast %reduce_min3A_427 : vector<256xi32> to vector<256x1xi32>
    %eq3A_429 = vector.broadcast %broadcast_in_dim3A_428 : vector<256x1xi32> to vector<256x2048xi32>
    %eq3A_430 = arith.cmpi eq, %iota3A, %eq3A_429 : vector<256x2048xi32>
    %jit3A_431 = arith.constant 0xFF800000 : f32
    %broadcast_in_dim3A_432 = vector.broadcast %jit3A_431 : f32 to vector<256x2048xf32>
    %select_n3A_433 = arith.select %eq3A_430, %broadcast_in_dim3A_432, %get3A_420 : vector<256x2048xi1>, vector<256x2048xf32>
    %swap3A_434 = arith.constant 0 : index
    %swap3A_435 = arith.constant 0 : index
    %swap3A_436 = vector.load %arg5[%swap3A_434, %swap3A_435] : memref<256x2048xf32, #tpu.memory_space<vmem>>, vector<256x2048xf32>
    tpu.vector_store %arg5[%swap3A_434, %swap3A_435], %select_n3A_433 {strides = array<i32>} : memref<256x2048xf32, #tpu.memory_space<vmem>>, vector<256x2048xf32>,
    %reduce_max3A_437 = arith.constant dense<0xFF800000> : vector<256xf32>
    %reduce_max3A_438 = vector.multi_reduction <maximumf>, %select_n3A_433, %reduce_max3A_437 [1] : vector<256x2048xf32> to vector<256xf32>
    %broadcast_in_dim3A_439 = vector.shape_cast %reduce_max3A_438 : vector<256xf32> to vector<256x1xf32>
    %get3A_440 = arith.constant 0 : index
    %get3A_441 = arith.constant 0 : index
    %get3A_442 = vector.load %arg5[%get3A_440, %get3A_441] : memref<256x2048xf32, #tpu.memory_space<vmem>>, vector<256x2048xf32>
    %eq3A_443 = vector.broadcast %broadcast_in_dim3A_439 : vector<256x1xf32> to vector<256x2048xf32>
    %eq3A_444 = arith.cmpf oeq, %get3A_442, %eq3A_443 : vector<256x2048xf32>
    %jit3A_445 = arith.constant 2048 : i32
    %broadcast_in_dim3A_446 = vector.broadcast %jit3A_445 : i32 to vector<256x2048xi32>
    %select_n3A_447 = arith.select %eq3A_444, %iota3A, %broadcast_in_dim3A_446 : vector<256x2048xi1>, vector<256x2048xi32>
    %reduce_min3A_448 = arith.constant dense<2147483647> : vector<256xi32>
    %reduce_min3A_449 = vector.multi_reduction <minsi>, %select_n3A_447, %reduce_min3A_448 [1] : vector<256x2048xi32> to vector<256xi32>
    %broadcast_in_dim3A_450 = vector.shape_cast %reduce_min3A_449 : vector<256xi32> to vector<256x1xi32>
    %concatenate3A = tpu.concatenate %broadcast_in_dim3A_32, %broadcast_in_dim3A_54, %broadcast_in_dim3A_76, %broadcast_in_dim3A_98, %broadcast_in_dim3A_120, %broadcast_in_dim3A_142, %broadcast_in_dim3A_164, %broadcast_in_dim3A_186, %broadcast_in_dim3A_208, %broadcast_in_dim3A_230, %broadcast_in_dim3A_252, %broadcast_in_dim3A_274, %broadcast_in_dim3A_296, %broadcast_in_dim3A_318, %broadcast_in_dim3A_340, %broadcast_in_dim3A_362, %broadcast_in_dim3A_384, %broadcast_in_dim3A_406, %broadcast_in_dim3A_428, %broadcast_in_dim3A_450 in 1 : vector<256x1xi32>, vector<256x1xi32>, vector<256x1xi32>, vector<256x1xi32>, vector<256x1xi32>, vector<256x1xi32>, vector<256x1xi32>, vector<256x1xi32>, vector<256x1xi32>, vector<256x1xi32>, vector<256x1xi32>, vector<256x1xi32>, vector<256x1xi32>, vector<256x1xi32>, vector<256x1xi32>, vector<256x1xi32>, vector<256x1xi32>, vector<256x1xi32>, vector<256x1xi32>, vector<256x1xi32> -> vector<256x20xi32>
    %mul3A_451 = arith.constant 2048 : i32
    %mul3A_452 = arith.muli %arg0, %mul3A_451 : i32
    %add3A = vector.broadcast %mul3A_452 : i32 to vector<256x20xi32>
    %add3A_453 = arith.addi %concatenate3A, %add3A : vector<256x20xi32>
    %swap3A_454 = arith.constant 0 : index
    %swap3A_455 = arith.constant 0 : index
    %swap3A_456 = arith.constant 0 : index
    %swap3A_457 = vector.load %arg4[%swap3A_454, %swap3A_455, %swap3A_456] : memref<1x256x20xi32, #tpu.memory_space<vmem>>, vector<1x256x20xi32>
    %swap3A_458 = vector.shape_cast %swap3A_457 : vector<1x256x20xi32> to vector<256x20xi32>
    %swap3A_459 = vector.shape_cast %add3A_453 : vector<256x20xi32> to vector<1x256x20xi32>
    tpu.vector_store %arg4[%swap3A_454, %swap3A_455, %swap3A_456], %swap3A_459 {strides = array<i32>} : memref<1x256x20xi32, #tpu.memory_space<vmem>>, vector<1x256x20xi32>,
    return
  }
  func.func @transform_0(%arg0: i32, %arg1: i32) -> (i32, i32, i32) {
    %c0_i32 = arith.constant 0 : i32
    %c0_i32_0 = arith.constant 0 : i32
    %c0_i32_1 = arith.constant 0 : i32
    return %arg0, %c0_i32, %c0_i32_0 : i32, i32, i32
  }
  func.func @transform_1(%arg0: i32, %arg1: i32) -> (i32, i32, i32) {
    %c0_i32 = arith.constant 0 : i32
    %c0_i32_0 = arith.constant 0 : i32
    return %arg0, %arg1, %c0_i32 : i32, i32, i32
  }
  func.func @transform_2(%arg0: i32, %arg1: i32) -> (i32, i32, i32) {
    %c0_i32 = arith.constant 0 : i32
    %c0_i32_0 = arith.constant 0 : i32
    return %arg0, %arg1, %c0_i32 : i32, i32, i32
  }
}

module attributes {stable_mosaic.version = 14 : i64} {
  func.func @_econv_body(%arg0: i32, %arg1: memref<2560x128xf32, #tpu.memory_space<vmem>>, %arg2: memref<128x128xf32, #tpu.memory_space<vmem>>, %arg3: memref<128x128xf32, #tpu.memory_space<vmem>>, %arg4: memref<128x128xf32, #tpu.memory_space<vmem>>, %arg5: memref<1x128xf32, #tpu.memory_space<vmem>>, %arg6: memref<1x128xf32, #tpu.memory_space<vmem>>, %arg7: memref<1x128xf32, #tpu.memory_space<vmem>>, %arg8: memref<128x128xf32, #tpu.memory_space<vmem>>, %arg9: memref<1x128xf32, #tpu.memory_space<vmem>>, %arg10: memref<1x128xf32, #tpu.memory_space<vmem>>, %arg11: memref<1x128xf32, #tpu.memory_space<vmem>>, %arg12: memref<1x128xf32, #tpu.memory_space<vmem>>) attributes {dimension_semantics = [#tpu.dimension_semantics<arbitrary>], iteration_bounds = array<i64: 64>, scalar_prefetch = 0 : i64, scratch_operands = 2 : i64, tpu.core_type = #tpu.core_type<tc>, window_params = [{transform_indices = @transform_0, window_bounds = array<i64: 2560, 128>}, {transform_indices = @transform_1, window_bounds = array<i64: 128, 128>}, {pipeline_mode = #tpu.pipeline_mode<synchronous>, transform_indices = @transform_2, window_bounds = array<i64: 128, 128>}, {pipeline_mode = #tpu.pipeline_mode<synchronous>, transform_indices = @transform_3, window_bounds = array<i64: 128, 128>}, {pipeline_mode = #tpu.pipeline_mode<synchronous>, transform_indices = @transform_4, window_bounds = array<i64: 1, 128>}, {pipeline_mode = #tpu.pipeline_mode<synchronous>, transform_indices = @transform_5, window_bounds = array<i64: 1, 128>}, {pipeline_mode = #tpu.pipeline_mode<synchronous>, transform_indices = @transform_6, window_bounds = array<i64: 1, 128>}, {transform_indices = @transform_7, window_bounds = array<i64: 128, 128>}, {pipeline_mode = #tpu.pipeline_mode<synchronous>, transform_indices = @transform_8, window_bounds = array<i64: 1, 128>}, {pipeline_mode = #tpu.pipeline_mode<synchronous>, transform_indices = @transform_9, window_bounds = array<i64: 1, 128>}]} {
    %eq3A = arith.constant 0 : i32
    %eq3A_0 = arith.cmpi eq, %arg0, %eq3A : i32
    %convert_element_type3A = arith.extui %eq3A_0 : i1 to i32
    %cond3A = arith.constant 0 : i32
    %cond3A_1 = arith.cmpi ne, %convert_element_type3A, %cond3A : i32
    scf.if %cond3A_1 {
      %broadcast_in_dim3A_77 = arith.constant 0.000000e+00 : f32
      %broadcast_in_dim3A_78 = vector.broadcast %broadcast_in_dim3A_77 : f32 to vector<1x128xf32>
      %swap3A_79 = arith.constant 0 : index
      %swap3A_80 = arith.constant 0 : index
      %swap3A_81 = vector.load %arg11[%swap3A_79, %swap3A_80] : memref<1x128xf32, #tpu.memory_space<vmem>>, vector<1x128xf32>
      tpu.vector_store %arg11[%swap3A_79, %swap3A_80], %broadcast_in_dim3A_78 {strides = array<i32>} : memref<1x128xf32, #tpu.memory_space<vmem>>, vector<1x128xf32>,
      %broadcast_in_dim3A_82 = arith.constant 0.000000e+00 : f32
      %broadcast_in_dim3A_83 = vector.broadcast %broadcast_in_dim3A_82 : f32 to vector<1x128xf32>
      %swap3A_84 = arith.constant 0 : index
      %swap3A_85 = arith.constant 0 : index
      %swap3A_86 = vector.load %arg12[%swap3A_84, %swap3A_85] : memref<1x128xf32, #tpu.memory_space<vmem>>, vector<1x128xf32>
      tpu.vector_store %arg12[%swap3A_84, %swap3A_85], %broadcast_in_dim3A_83 {strides = array<i32>} : memref<1x128xf32, #tpu.memory_space<vmem>>, vector<1x128xf32>,
    } else {
    }
    %get3A = arith.constant 0 : index
    %get3A_2 = arith.constant 0 : index
    %get3A_3 = vector.load %arg2[%get3A, %get3A_2] : memref<128x128xf32, #tpu.memory_space<vmem>>, vector<128x128xf32>
    %broadcast_in_dim3A = vector.shape_cast %get3A_3 : vector<128x128xf32> to vector<128x1x128xf32>
    %broadcast_in_dim3A_4 = vector.shape_cast %broadcast_in_dim3A : vector<128x1x128xf32> to vector<128x1x128xf32>
    %broadcast_in_dim3A_5 = vector.broadcast %broadcast_in_dim3A_4 : vector<128x1x128xf32> to vector<128x20x128xf32>
    %reshape3A = vector.shape_cast %broadcast_in_dim3A_5 : vector<128x20x128xf32> to vector<2560x128xf32>
    %get3A_6 = arith.constant 0 : index
    %get3A_7 = arith.constant 0 : index
    %get3A_8 = vector.load %arg1[%get3A_6, %get3A_7] : memref<2560x128xf32, #tpu.memory_space<vmem>>, vector<2560x128xf32>
    %sub3A = arith.subf %get3A_8, %reshape3A : vector<2560x128xf32>
    %convert_element_type3A_9 = arith.truncf %sub3A : vector<2560x128xf32> to vector<2560x128xbf16>
    %get3A_10 = arith.constant 0 : index
    %get3A_11 = arith.constant 0 : index
    %get3A_12 = vector.load %arg3[%get3A_10, %get3A_11] : memref<128x128xf32, #tpu.memory_space<vmem>>, vector<128x128xf32>
    %convert_element_type3A_13 = arith.truncf %get3A_12 : vector<128x128xf32> to vector<128x128xbf16>
    %dot_general3A = arith.constant dense<0.000000e+00> : vector<2560x128xf32>
    %dot_general3A_14 = tpu.matmul %convert_element_type3A_9, %convert_element_type3A_13, %dot_general3A {dimension_numbers = #tpu.dot_dimension_numbers<[1], [0], [0], [1], [0, 0, 1, 1], [], []>, transpose_lhs_hint = false} : vector<2560x128xbf16>, vector<128x128xbf16>, vector<2560x128xf32> -> vector<2560x128xf32>
    %convert_element_type3A_15 = arith.truncf %get3A_3 : vector<128x128xf32> to vector<128x128xbf16>
    %get3A_16 = arith.constant 0 : index
    %get3A_17 = arith.constant 0 : index
    %get3A_18 = vector.load %arg4[%get3A_16, %get3A_17] : memref<128x128xf32, #tpu.memory_space<vmem>>, vector<128x128xf32>
    %convert_element_type3A_19 = arith.truncf %get3A_18 : vector<128x128xf32> to vector<128x128xbf16>
    %dot_general3A_20 = arith.constant dense<0.000000e+00> : vector<128x128xf32>
    %dot_general3A_21 = tpu.matmul %convert_element_type3A_15, %convert_element_type3A_19, %dot_general3A_20 {dimension_numbers = #tpu.dot_dimension_numbers<[1], [0], [0], [1], [0, 0, 1, 1], [], []>, transpose_lhs_hint = false} : vector<128x128xbf16>, vector<128x128xbf16>, vector<128x128xf32> -> vector<128x128xf32>
    %get3A_22 = arith.constant 0 : index
    %get3A_23 = arith.constant 0 : index
    %get3A_24 = vector.load %arg5[%get3A_22, %get3A_23] : memref<1x128xf32, #tpu.memory_space<vmem>>, vector<1x128xf32>
    %add3A = vector.broadcast %get3A_24 : vector<1x128xf32> to vector<128x128xf32>
    %add3A_25 = arith.addf %dot_general3A_21, %add3A : vector<128x128xf32>
    %reshape3A_26 = vector.shape_cast %dot_general3A_14 : vector<2560x128xf32> to vector<128x20x128xf32>
    %reduce_sum3A = arith.constant dense<0.000000e+00> : vector<128x128xf32>
    %reduce_sum3A_27 = vector.multi_reduction <add>, %reshape3A_26, %reduce_sum3A [1] : vector<128x20x128xf32> to vector<128x128xf32>
    %reduce_max3A = arith.constant dense<0xFF800000> : vector<128x128xf32>
    %reduce_max3A_28 = vector.multi_reduction <maximumf>, %reshape3A_26, %reduce_max3A [1] : vector<128x20x128xf32> to vector<128x128xf32>
    %add3A_29 = arith.addf %reduce_max3A_28, %add3A_25 : vector<128x128xf32>
    %swap3A = arith.constant 0 : index
    %swap3A_30 = arith.constant 0 : index
    %swap3A_31 = vector.load %arg8[%swap3A, %swap3A_30] : memref<128x128xf32, #tpu.memory_space<vmem>>, vector<128x128xf32>
    tpu.vector_store %arg8[%swap3A, %swap3A_30], %add3A_29 {strides = array<i32>} : memref<128x128xf32, #tpu.memory_space<vmem>>, vector<128x128xf32>,
    %get3A_32 = arith.constant 0 : index
    %get3A_33 = arith.constant 0 : index
    %get3A_34 = vector.load %arg11[%get3A_32, %get3A_33] : memref<1x128xf32, #tpu.memory_space<vmem>>, vector<1x128xf32>
    %reduce_sum3A_35 = arith.constant dense<0.000000e+00> : vector<128xf32>
    %reduce_sum3A_36 = vector.multi_reduction <add>, %reduce_sum3A_27, %reduce_sum3A_35 [0] : vector<128x128xf32> to vector<128xf32>
    %broadcast_in_dim3A_37 = vector.shape_cast %reduce_sum3A_36 : vector<128xf32> to vector<1x128xf32>
    %reduce_sum3A_38 = arith.constant dense<0.000000e+00> : vector<128xf32>
    %reduce_sum3A_39 = vector.multi_reduction <add>, %add3A_25, %reduce_sum3A_38 [0] : vector<128x128xf32> to vector<128xf32>
    %broadcast_in_dim3A_40 = vector.shape_cast %reduce_sum3A_39 : vector<128xf32> to vector<1x128xf32>
    %mul3A = arith.constant 2.000000e+01 : f32
    %mul3A_41 = vector.broadcast %mul3A : f32 to vector<1x128xf32>
    %mul3A_42 = arith.mulf %mul3A_41, %broadcast_in_dim3A_40 : vector<1x128xf32>
    %add3A_43 = arith.addf %broadcast_in_dim3A_37, %mul3A_42 : vector<1x128xf32>
    %add3A_44 = arith.addf %get3A_34, %add3A_43 : vector<1x128xf32>
    %swap3A_45 = arith.constant 0 : index
    %swap3A_46 = arith.constant 0 : index
    %swap3A_47 = vector.load %arg11[%swap3A_45, %swap3A_46] : memref<1x128xf32, #tpu.memory_space<vmem>>, vector<1x128xf32>
    tpu.vector_store %arg11[%swap3A_45, %swap3A_46], %add3A_44 {strides = array<i32>} : memref<1x128xf32, #tpu.memory_space<vmem>>, vector<1x128xf32>,
    %get3A_48 = arith.constant 0 : index
    %get3A_49 = arith.constant 0 : index
    %get3A_50 = vector.load %arg12[%get3A_48, %get3A_49] : memref<1x128xf32, #tpu.memory_space<vmem>>, vector<1x128xf32>
    %mul3A_51 = arith.mulf %dot_general3A_14, %dot_general3A_14 : vector<2560x128xf32>
    %reduce_sum3A_52 = arith.constant dense<0.000000e+00> : vector<128xf32>
    %reduce_sum3A_53 = vector.multi_reduction <add>, %mul3A_51, %reduce_sum3A_52 [0] : vector<2560x128xf32> to vector<128xf32>
    %broadcast_in_dim3A_54 = vector.shape_cast %reduce_sum3A_53 : vector<128xf32> to vector<1x128xf32>
    %mul3A_55 = arith.constant 2.000000e+00 : f32
    %mul3A_56 = vector.broadcast %mul3A_55 : f32 to vector<128x128xf32>
    %mul3A_57 = arith.mulf %mul3A_56, %reduce_sum3A_27 : vector<128x128xf32>
    %mul3A_58 = arith.mulf %mul3A_57, %add3A_25 : vector<128x128xf32>
    %mul3A_59 = arith.mulf %add3A_25, %add3A_25 : vector<128x128xf32>
    %mul3A_60 = arith.constant 2.000000e+01 : f32
    %mul3A_61 = vector.broadcast %mul3A_60 : f32 to vector<128x128xf32>
    %mul3A_62 = arith.mulf %mul3A_61, %mul3A_59 : vector<128x128xf32>
    %add3A_63 = arith.addf %mul3A_58, %mul3A_62 : vector<128x128xf32>
    %reduce_sum3A_64 = arith.constant dense<0.000000e+00> : vector<128xf32>
    %reduce_sum3A_65 = vector.multi_reduction <add>, %add3A_63, %reduce_sum3A_64 [0] : vector<128x128xf32> to vector<128xf32>
    %broadcast_in_dim3A_66 = vector.shape_cast %reduce_sum3A_65 : vector<128xf32> to vector<1x128xf32>
    %add3A_67 = arith.addf %broadcast_in_dim3A_54, %broadcast_in_dim3A_66 : vector<1x128xf32>
    %add3A_68 = arith.addf %get3A_50, %add3A_67 : vector<1x128xf32>
    %swap3A_69 = arith.constant 0 : index
    %swap3A_70 = arith.constant 0 : index
    %swap3A_71 = vector.load %arg12[%swap3A_69, %swap3A_70] : memref<1x128xf32, #tpu.memory_space<vmem>>, vector<1x128xf32>
    tpu.vector_store %arg12[%swap3A_69, %swap3A_70], %add3A_68 {strides = array<i32>} : memref<1x128xf32, #tpu.memory_space<vmem>>, vector<1x128xf32>,
    %eq3A_72 = arith.constant 63 : i32
    %eq3A_73 = arith.cmpi eq, %arg0, %eq3A_72 : i32
    %convert_element_type3A_74 = arith.extui %eq3A_73 : i1 to i32
    %cond3A_75 = arith.constant 0 : i32
    %cond3A_76 = arith.cmpi ne, %convert_element_type3A_74, %cond3A_75 : i32
    scf.if %cond3A_76 {
      %get3A_77 = arith.constant 0 : index
      %get3A_78 = arith.constant 0 : index
      %get3A_79 = vector.load %arg11[%get3A_77, %get3A_78] : memref<1x128xf32, #tpu.memory_space<vmem>>, vector<1x128xf32>
      %div3A = arith.constant 1.638400e+05 : f32
      %div3A_80 = vector.broadcast %div3A : f32 to vector<1x128xf32>
      %div3A_81 = arith.divf %get3A_79, %div3A_80 : vector<1x128xf32>
      %get3A_82 = arith.constant 0 : index
      %get3A_83 = arith.constant 0 : index
      %get3A_84 = vector.load %arg12[%get3A_82, %get3A_83] : memref<1x128xf32, #tpu.memory_space<vmem>>, vector<1x128xf32>
      %div3A_85 = arith.constant 1.638400e+05 : f32
      %div3A_86 = vector.broadcast %div3A_85 : f32 to vector<1x128xf32>
      %div3A_87 = arith.divf %get3A_84, %div3A_86 : vector<1x128xf32>
      %mul3A_88 = arith.mulf %div3A_81, %div3A_81 : vector<1x128xf32>
      %sub3A_89 = arith.subf %div3A_87, %mul3A_88 : vector<1x128xf32>
      %get3A_90 = arith.constant 0 : index
      %get3A_91 = arith.constant 0 : index
      %get3A_92 = vector.load %arg6[%get3A_90, %get3A_91] : memref<1x128xf32, #tpu.memory_space<vmem>>, vector<1x128xf32>
      %add3A_93 = arith.constant 9.99999974E-6 : f32
      %add3A_94 = vector.broadcast %add3A_93 : f32 to vector<1x128xf32>
      %add3A_95 = arith.addf %sub3A_89, %add3A_94 : vector<1x128xf32>
      %rsqrt3A = math.rsqrt %add3A_95 : vector<1x128xf32>
      %mul3A_96 = arith.mulf %get3A_92, %rsqrt3A : vector<1x128xf32>
      %swap3A_97 = arith.constant 0 : index
      %swap3A_98 = arith.constant 0 : index
      %swap3A_99 = vector.load %arg9[%swap3A_97, %swap3A_98] : memref<1x128xf32, #tpu.memory_space<vmem>>, vector<1x128xf32>
      tpu.vector_store %arg9[%swap3A_97, %swap3A_98], %mul3A_96 {strides = array<i32>} : memref<1x128xf32, #tpu.memory_space<vmem>>, vector<1x128xf32>,
      %get3A_100 = arith.constant 0 : index
      %get3A_101 = arith.constant 0 : index
      %get3A_102 = vector.load %arg7[%get3A_100, %get3A_101] : memref<1x128xf32, #tpu.memory_space<vmem>>, vector<1x128xf32>
      %mul3A_103 = arith.mulf %div3A_81, %mul3A_96 : vector<1x128xf32>
      %sub3A_104 = arith.subf %get3A_102, %mul3A_103 : vector<1x128xf32>
      %swap3A_105 = arith.constant 0 : index
      %swap3A_106 = arith.constant 0 : index
      %swap3A_107 = vector.load %arg10[%swap3A_105, %swap3A_106] : memref<1x128xf32, #tpu.memory_space<vmem>>, vector<1x128xf32>
      tpu.vector_store %arg10[%swap3A_105, %swap3A_106], %sub3A_104 {strides = array<i32>} : memref<1x128xf32, #tpu.memory_space<vmem>>, vector<1x128xf32>,
    } else {
    }
    return
  }
  func.func @transform_0(%arg0: i32) -> (i32, i32) {
    %c0_i32 = arith.constant 0 : i32
    %c0_i32_0 = arith.constant 0 : i32
    return %arg0, %c0_i32 : i32, i32
  }
  func.func @transform_1(%arg0: i32) -> (i32, i32) {
    %c0_i32 = arith.constant 0 : i32
    %c0_i32_0 = arith.constant 0 : i32
    return %arg0, %c0_i32 : i32, i32
  }
  func.func @transform_2(%arg0: i32) -> (i32, i32) {
    %c0_i32 = arith.constant 0 : i32
    %c0_i32_0 = arith.constant 0 : i32
    %c0_i32_1 = arith.constant 0 : i32
    return %c0_i32, %c0_i32_0 : i32, i32
  }
  func.func @transform_3(%arg0: i32) -> (i32, i32) {
    %c0_i32 = arith.constant 0 : i32
    %c0_i32_0 = arith.constant 0 : i32
    %c0_i32_1 = arith.constant 0 : i32
    return %c0_i32, %c0_i32_0 : i32, i32
  }
  func.func @transform_4(%arg0: i32) -> (i32, i32) {
    %c0_i32 = arith.constant 0 : i32
    %c0_i32_0 = arith.constant 0 : i32
    %c0_i32_1 = arith.constant 0 : i32
    return %c0_i32, %c0_i32_0 : i32, i32
  }
  func.func @transform_5(%arg0: i32) -> (i32, i32) {
    %c0_i32 = arith.constant 0 : i32
    %c0_i32_0 = arith.constant 0 : i32
    %c0_i32_1 = arith.constant 0 : i32
    return %c0_i32, %c0_i32_0 : i32, i32
  }
  func.func @transform_6(%arg0: i32) -> (i32, i32) {
    %c0_i32 = arith.constant 0 : i32
    %c0_i32_0 = arith.constant 0 : i32
    %c0_i32_1 = arith.constant 0 : i32
    return %c0_i32, %c0_i32_0 : i32, i32
  }
  func.func @transform_7(%arg0: i32) -> (i32, i32) {
    %c0_i32 = arith.constant 0 : i32
    %c0_i32_0 = arith.constant 0 : i32
    return %arg0, %c0_i32 : i32, i32
  }
  func.func @transform_8(%arg0: i32) -> (i32, i32) {
    %c0_i32 = arith.constant 0 : i32
    %c0_i32_0 = arith.constant 0 : i32
    %c0_i32_1 = arith.constant 0 : i32
    return %c0_i32, %c0_i32_0 : i32, i32
  }
  func.func @transform_9(%arg0: i32) -> (i32, i32) {
    %c0_i32 = arith.constant 0 : i32
    %c0_i32_0 = arith.constant 0 : i32
    %c0_i32_1 = arith.constant 0 : i32
    return %c0_i32, %c0_i32_0 : i32, i32
  }
}

module attributes {stable_mosaic.version = 14 : i64} {
  func.func @_normalize_body(%arg0: i32, %arg1: memref<1024x128xf32, #tpu.memory_space<vmem>>, %arg2: memref<1x128xf32, #tpu.memory_space<vmem>>, %arg3: memref<1x128xf32, #tpu.memory_space<vmem>>, %arg4: memref<1024x128xf32, #tpu.memory_space<vmem>>) attributes {dimension_semantics = [#tpu.dimension_semantics<arbitrary>], iteration_bounds = array<i64: 8>, scalar_prefetch = 0 : i64, scratch_operands = 0 : i64, tpu.core_type = #tpu.core_type<tc>, window_params = [{transform_indices = @transform_0, window_bounds = array<i64: 1024, 128>}, {pipeline_mode = #tpu.pipeline_mode<synchronous>, transform_indices = @transform_1, window_bounds = array<i64: 1, 128>}, {pipeline_mode = #tpu.pipeline_mode<synchronous>, transform_indices = @transform_2, window_bounds = array<i64: 1, 128>}, {transform_indices = @transform_3, window_bounds = array<i64: 1024, 128>}]} {
    %get3A = arith.constant 0 : index
    %get3A_0 = arith.constant 0 : index
    %get3A_1 = vector.load %arg1[%get3A, %get3A_0] : memref<1024x128xf32, #tpu.memory_space<vmem>>, vector<1024x128xf32>
    %get3A_2 = arith.constant 0 : index
    %get3A_3 = arith.constant 0 : index
    %get3A_4 = vector.load %arg2[%get3A_2, %get3A_3] : memref<1x128xf32, #tpu.memory_space<vmem>>, vector<1x128xf32>
    %mul3A = vector.broadcast %get3A_4 : vector<1x128xf32> to vector<1024x128xf32>
    %mul3A_5 = arith.mulf %get3A_1, %mul3A : vector<1024x128xf32>
    %get3A_6 = arith.constant 0 : index
    %get3A_7 = arith.constant 0 : index
    %get3A_8 = vector.load %arg3[%get3A_6, %get3A_7] : memref<1x128xf32, #tpu.memory_space<vmem>>, vector<1x128xf32>
    %add3A = vector.broadcast %get3A_8 : vector<1x128xf32> to vector<1024x128xf32>
    %add3A_9 = arith.addf %mul3A_5, %add3A : vector<1024x128xf32>
    %max3A = arith.constant 0.000000e+00 : f32
    %max3A_10 = vector.broadcast %max3A : f32 to vector<1024x128xf32>
    %max3A_11 = arith.maximumf %add3A_9, %max3A_10 : vector<1024x128xf32>
    %swap3A = arith.constant 0 : index
    %swap3A_12 = arith.constant 0 : index
    %swap3A_13 = vector.load %arg4[%swap3A, %swap3A_12] : memref<1024x128xf32, #tpu.memory_space<vmem>>, vector<1024x128xf32>
    tpu.vector_store %arg4[%swap3A, %swap3A_12], %max3A_11 {strides = array<i32>} : memref<1024x128xf32, #tpu.memory_space<vmem>>, vector<1024x128xf32>,
    return
  }
  func.func @transform_0(%arg0: i32) -> (i32, i32) {
    %c0_i32 = arith.constant 0 : i32
    %c0_i32_0 = arith.constant 0 : i32
    return %arg0, %c0_i32 : i32, i32
  }
  func.func @transform_1(%arg0: i32) -> (i32, i32) {
    %c0_i32 = arith.constant 0 : i32
    %c0_i32_0 = arith.constant 0 : i32
    %c0_i32_1 = arith.constant 0 : i32
    return %c0_i32, %c0_i32_0 : i32, i32
  }
  func.func @transform_2(%arg0: i32) -> (i32, i32) {
    %c0_i32 = arith.constant 0 : i32
    %c0_i32_0 = arith.constant 0 : i32
    %c0_i32_1 = arith.constant 0 : i32
    return %c0_i32, %c0_i32_0 : i32, i32
  }
  func.func @transform_3(%arg0: i32) -> (i32, i32) {
    %c0_i32 = arith.constant 0 : i32
    %c0_i32_0 = arith.constant 0 : i32
    return %arg0, %c0_i32 : i32, i32
  }
}

module attributes {stable_mosaic.version = 14 : i64} {
  func.func @_prep_topk_body(%arg0: i32, %arg1: i32, %arg2: memref<1x2048x128xf32, #tpu.memory_space<vmem>>, %arg3: memref<1x256x128xf32, #tpu.memory_space<vmem>>, %arg4: memref<1x256x20xi32, #tpu.memory_space<vmem>>, %arg5: memref<256x2048xf32, #tpu.memory_space<vmem>>) attributes {dimension_semantics = [#tpu.dimension_semantics<arbitrary>, #tpu.dimension_semantics<arbitrary>], iteration_bounds = array<i64: 4, 8>, scalar_prefetch = 0 : i64, scratch_operands = 1 : i64, tpu.core_type = #tpu.core_type<tc>, window_params = [{transform_indices = @transform_0, window_bounds = array<i64: 1, 2048, 128>}, {transform_indices = @transform_1, window_bounds = array<i64: 1, 256, 128>}, {transform_indices = @transform_2, window_bounds = array<i64: 1, 256, 20>}]} {
    %get3A = arith.constant 0 : index
    %get3A_0 = arith.constant 0 : index
    %get3A_1 = arith.constant 0 : index
    %get3A_2 = vector.load %arg2[%get3A, %get3A_0, %get3A_1] : memref<1x2048x128xf32, #tpu.memory_space<vmem>>, vector<1x2048x128xf32>
    %get3A_3 = vector.shape_cast %get3A_2 : vector<1x2048x128xf32> to vector<2048x128xf32>
    %get3A_4 = arith.constant 0 : index
    %get3A_5 = arith.constant 0 : index
    %get3A_6 = arith.constant 0 : index
    %get3A_7 = vector.load %arg3[%get3A_4, %get3A_5, %get3A_6] : memref<1x256x128xf32, #tpu.memory_space<vmem>>, vector<1x256x128xf32>
    %get3A_8 = vector.shape_cast %get3A_7 : vector<1x256x128xf32> to vector<256x128xf32>
    %mul3A = arith.mulf %get3A_3, %get3A_3 : vector<2048x128xf32>
    %reduce_sum3A = arith.constant dense<0.000000e+00> : vector<2048xf32>
    %reduce_sum3A_9 = vector.multi_reduction <add>, %mul3A, %reduce_sum3A [1] : vector<2048x128xf32> to vector<2048xf32>
    %mul3A_10 = arith.mulf %get3A_8, %get3A_8 : vector<256x128xf32>
    %reduce_sum3A_11 = arith.constant dense<0.000000e+00> : vector<256xf32>
    %reduce_sum3A_12 = vector.multi_reduction <add>, %mul3A_10, %reduce_sum3A_11 [1] : vector<256x128xf32> to vector<256xf32>
    %convert_element_type3A = arith.truncf %get3A_8 : vector<256x128xf32> to vector<256x128xbf16>
    %convert_element_type3A_13 = arith.truncf %get3A_3 : vector<2048x128xf32> to vector<2048x128xbf16>
    %dot_general3A = arith.constant dense<0.000000e+00> : vector<256x2048xf32>
    %dot_general3A_14 = tpu.matmul %convert_element_type3A, %convert_element_type3A_13, %dot_general3A {dimension_numbers = #tpu.dot_dimension_numbers<[1], [1], [0], [0], [0, 0, 1, 0], [], []>, transpose_lhs_hint = false} : vector<256x128xbf16>, vector<2048x128xbf16>, vector<256x2048xf32> -> vector<256x2048xf32>
    %mul3A_15 = arith.constant 2.000000e+00 : f32
    %mul3A_16 = vector.broadcast %mul3A_15 : f32 to vector<256x2048xf32>
    %mul3A_17 = arith.mulf %mul3A_16, %dot_general3A_14 : vector<256x2048xf32>
    %broadcast_in_dim3A = vector.shape_cast %reduce_sum3A_12 : vector<256xf32> to vector<256x1xf32>
    %sub3A = vector.broadcast %broadcast_in_dim3A : vector<256x1xf32> to vector<256x2048xf32>
    %sub3A_18 = arith.subf %mul3A_17, %sub3A : vector<256x2048xf32>
    %broadcast_in_dim3A_19 = vector.shape_cast %reduce_sum3A_9 : vector<2048xf32> to vector<1x2048xf32>
    %sub3A_20 = vector.broadcast %broadcast_in_dim3A_19 : vector<1x2048xf32> to vector<256x2048xf32>
    %sub3A_21 = arith.subf %sub3A_18, %sub3A_20 : vector<256x2048xf32>
    %swap3A = arith.constant 0 : index
    %swap3A_22 = arith.constant 0 : index
    %swap3A_23 = vector.load %arg5[%swap3A, %swap3A_22] : memref<256x2048xf32, #tpu.memory_space<vmem>>, vector<256x2048xf32>
    tpu.vector_store %arg5[%swap3A, %swap3A_22], %sub3A_21 {strides = array<i32>} : memref<256x2048xf32, #tpu.memory_space<vmem>>, vector<256x2048xf32>,
    %iota3A = tpu.iota {dimensions = array<i32: 1>} : vector<256x2048xi32>
    %reduce_max3A = arith.constant dense<0xFF800000> : vector<256xf32>
    %reduce_max3A_24 = vector.multi_reduction <maximumf>, %sub3A_21, %reduce_max3A [1] : vector<256x2048xf32> to vector<256xf32>
    %broadcast_in_dim3A_25 = vector.shape_cast %reduce_max3A_24 : vector<256xf32> to vector<256x1xf32>
    %get3A_26 = arith.constant 0 : index
    %get3A_27 = arith.constant 0 : index
    %get3A_28 = vector.load %arg5[%get3A_26, %get3A_27] : memref<256x2048xf32, #tpu.memory_space<vmem>>, vector<256x2048xf32>
    %eq3A = vector.broadcast %broadcast_in_dim3A_25 : vector<256x1xf32> to vector<256x2048xf32>
    %eq3A_29 = arith.cmpf oeq, %get3A_28, %eq3A : vector<256x2048xf32>
    %jit3A = arith.constant 2048 : i32
    %broadcast_in_dim3A_30 = vector.broadcast %jit3A : i32 to vector<256x2048xi32>
    %select_n3A = arith.select %eq3A_29, %iota3A, %broadcast_in_dim3A_30 : vector<256x2048xi1>, vector<256x2048xi32>
    %reduce_min3A = arith.constant dense<2147483647> : vector<256xi32>
    %reduce_min3A_31 = vector.multi_reduction <minsi>, %select_n3A, %reduce_min3A [1] : vector<256x2048xi32> to vector<256xi32>
    %broadcast_in_dim3A_32 = vector.shape_cast %reduce_min3A_31 : vector<256xi32> to vector<256x1xi32>
    %eq3A_33 = vector.broadcast %broadcast_in_dim3A_32 : vector<256x1xi32> to vector<256x2048xi32>
    %eq3A_34 = arith.cmpi eq, %iota3A, %eq3A_33 : vector<256x2048xi32>
    %jit3A_35 = arith.constant 0xFF800000 : f32
    %broadcast_in_dim3A_36 = vector.broadcast %jit3A_35 : f32 to vector<256x2048xf32>
    %select_n3A_37 = arith.select %eq3A_34, %broadcast_in_dim3A_36, %get3A_28 : vector<256x2048xi1>, vector<256x2048xf32>
    %swap3A_38 = arith.constant 0 : index
    %swap3A_39 = arith.constant 0 : index
    %swap3A_40 = vector.load %arg5[%swap3A_38, %swap3A_39] : memref<256x2048xf32, #tpu.memory_space<vmem>>, vector<256x2048xf32>
    tpu.vector_store %arg5[%swap3A_38, %swap3A_39], %select_n3A_37 {strides = array<i32>} : memref<256x2048xf32, #tpu.memory_space<vmem>>, vector<256x2048xf32>,
    %reduce_max3A_41 = arith.constant dense<0xFF800000> : vector<256xf32>
    %reduce_max3A_42 = vector.multi_reduction <maximumf>, %select_n3A_37, %reduce_max3A_41 [1] : vector<256x2048xf32> to vector<256xf32>
    %broadcast_in_dim3A_43 = vector.shape_cast %reduce_max3A_42 : vector<256xf32> to vector<256x1xf32>
    %get3A_44 = arith.constant 0 : index
    %get3A_45 = arith.constant 0 : index
    %get3A_46 = vector.load %arg5[%get3A_44, %get3A_45] : memref<256x2048xf32, #tpu.memory_space<vmem>>, vector<256x2048xf32>
    %eq3A_47 = vector.broadcast %broadcast_in_dim3A_43 : vector<256x1xf32> to vector<256x2048xf32>
    %eq3A_48 = arith.cmpf oeq, %get3A_46, %eq3A_47 : vector<256x2048xf32>
    %jit3A_49 = arith.constant 2048 : i32
    %broadcast_in_dim3A_50 = vector.broadcast %jit3A_49 : i32 to vector<256x2048xi32>
    %select_n3A_51 = arith.select %eq3A_48, %iota3A, %broadcast_in_dim3A_50 : vector<256x2048xi1>, vector<256x2048xi32>
    %reduce_min3A_52 = arith.constant dense<2147483647> : vector<256xi32>
    %reduce_min3A_53 = vector.multi_reduction <minsi>, %select_n3A_51, %reduce_min3A_52 [1] : vector<256x2048xi32> to vector<256xi32>
    %broadcast_in_dim3A_54 = vector.shape_cast %reduce_min3A_53 : vector<256xi32> to vector<256x1xi32>
    %eq3A_55 = vector.broadcast %broadcast_in_dim3A_54 : vector<256x1xi32> to vector<256x2048xi32>
    %eq3A_56 = arith.cmpi eq, %iota3A, %eq3A_55 : vector<256x2048xi32>
    %jit3A_57 = arith.constant 0xFF800000 : f32
    %broadcast_in_dim3A_58 = vector.broadcast %jit3A_57 : f32 to vector<256x2048xf32>
    %select_n3A_59 = arith.select %eq3A_56, %broadcast_in_dim3A_58, %get3A_46 : vector<256x2048xi1>, vector<256x2048xf32>
    %swap3A_60 = arith.constant 0 : index
    %swap3A_61 = arith.constant 0 : index
    %swap3A_62 = vector.load %arg5[%swap3A_60, %swap3A_61] : memref<256x2048xf32, #tpu.memory_space<vmem>>, vector<256x2048xf32>
    tpu.vector_store %arg5[%swap3A_60, %swap3A_61], %select_n3A_59 {strides = array<i32>} : memref<256x2048xf32, #tpu.memory_space<vmem>>, vector<256x2048xf32>,
    %reduce_max3A_63 = arith.constant dense<0xFF800000> : vector<256xf32>
    %reduce_max3A_64 = vector.multi_reduction <maximumf>, %select_n3A_59, %reduce_max3A_63 [1] : vector<256x2048xf32> to vector<256xf32>
    %broadcast_in_dim3A_65 = vector.shape_cast %reduce_max3A_64 : vector<256xf32> to vector<256x1xf32>
    %get3A_66 = arith.constant 0 : index
    %get3A_67 = arith.constant 0 : index
    %get3A_68 = vector.load %arg5[%get3A_66, %get3A_67] : memref<256x2048xf32, #tpu.memory_space<vmem>>, vector<256x2048xf32>
    %eq3A_69 = vector.broadcast %broadcast_in_dim3A_65 : vector<256x1xf32> to vector<256x2048xf32>
    %eq3A_70 = arith.cmpf oeq, %get3A_68, %eq3A_69 : vector<256x2048xf32>
    %jit3A_71 = arith.constant 2048 : i32
    %broadcast_in_dim3A_72 = vector.broadcast %jit3A_71 : i32 to vector<256x2048xi32>
    %select_n3A_73 = arith.select %eq3A_70, %iota3A, %broadcast_in_dim3A_72 : vector<256x2048xi1>, vector<256x2048xi32>
    %reduce_min3A_74 = arith.constant dense<2147483647> : vector<256xi32>
    %reduce_min3A_75 = vector.multi_reduction <minsi>, %select_n3A_73, %reduce_min3A_74 [1] : vector<256x2048xi32> to vector<256xi32>
    %broadcast_in_dim3A_76 = vector.shape_cast %reduce_min3A_75 : vector<256xi32> to vector<256x1xi32>
    %eq3A_77 = vector.broadcast %broadcast_in_dim3A_76 : vector<256x1xi32> to vector<256x2048xi32>
    %eq3A_78 = arith.cmpi eq, %iota3A, %eq3A_77 : vector<256x2048xi32>
    %jit3A_79 = arith.constant 0xFF800000 : f32
    %broadcast_in_dim3A_80 = vector.broadcast %jit3A_79 : f32 to vector<256x2048xf32>
    %select_n3A_81 = arith.select %eq3A_78, %broadcast_in_dim3A_80, %get3A_68 : vector<256x2048xi1>, vector<256x2048xf32>
    %swap3A_82 = arith.constant 0 : index
    %swap3A_83 = arith.constant 0 : index
    %swap3A_84 = vector.load %arg5[%swap3A_82, %swap3A_83] : memref<256x2048xf32, #tpu.memory_space<vmem>>, vector<256x2048xf32>
    tpu.vector_store %arg5[%swap3A_82, %swap3A_83], %select_n3A_81 {strides = array<i32>} : memref<256x2048xf32, #tpu.memory_space<vmem>>, vector<256x2048xf32>,
    %reduce_max3A_85 = arith.constant dense<0xFF800000> : vector<256xf32>
    %reduce_max3A_86 = vector.multi_reduction <maximumf>, %select_n3A_81, %reduce_max3A_85 [1] : vector<256x2048xf32> to vector<256xf32>
    %broadcast_in_dim3A_87 = vector.shape_cast %reduce_max3A_86 : vector<256xf32> to vector<256x1xf32>
    %get3A_88 = arith.constant 0 : index
    %get3A_89 = arith.constant 0 : index
    %get3A_90 = vector.load %arg5[%get3A_88, %get3A_89] : memref<256x2048xf32, #tpu.memory_space<vmem>>, vector<256x2048xf32>
    %eq3A_91 = vector.broadcast %broadcast_in_dim3A_87 : vector<256x1xf32> to vector<256x2048xf32>
    %eq3A_92 = arith.cmpf oeq, %get3A_90, %eq3A_91 : vector<256x2048xf32>
    %jit3A_93 = arith.constant 2048 : i32
    %broadcast_in_dim3A_94 = vector.broadcast %jit3A_93 : i32 to vector<256x2048xi32>
    %select_n3A_95 = arith.select %eq3A_92, %iota3A, %broadcast_in_dim3A_94 : vector<256x2048xi1>, vector<256x2048xi32>
    %reduce_min3A_96 = arith.constant dense<2147483647> : vector<256xi32>
    %reduce_min3A_97 = vector.multi_reduction <minsi>, %select_n3A_95, %reduce_min3A_96 [1] : vector<256x2048xi32> to vector<256xi32>
    %broadcast_in_dim3A_98 = vector.shape_cast %reduce_min3A_97 : vector<256xi32> to vector<256x1xi32>
    %eq3A_99 = vector.broadcast %broadcast_in_dim3A_98 : vector<256x1xi32> to vector<256x2048xi32>
    %eq3A_100 = arith.cmpi eq, %iota3A, %eq3A_99 : vector<256x2048xi32>
    %jit3A_101 = arith.constant 0xFF800000 : f32
    %broadcast_in_dim3A_102 = vector.broadcast %jit3A_101 : f32 to vector<256x2048xf32>
    %select_n3A_103 = arith.select %eq3A_100, %broadcast_in_dim3A_102, %get3A_90 : vector<256x2048xi1>, vector<256x2048xf32>
    %swap3A_104 = arith.constant 0 : index
    %swap3A_105 = arith.constant 0 : index
    %swap3A_106 = vector.load %arg5[%swap3A_104, %swap3A_105] : memref<256x2048xf32, #tpu.memory_space<vmem>>, vector<256x2048xf32>
    tpu.vector_store %arg5[%swap3A_104, %swap3A_105], %select_n3A_103 {strides = array<i32>} : memref<256x2048xf32, #tpu.memory_space<vmem>>, vector<256x2048xf32>,
    %reduce_max3A_107 = arith.constant dense<0xFF800000> : vector<256xf32>
    %reduce_max3A_108 = vector.multi_reduction <maximumf>, %select_n3A_103, %reduce_max3A_107 [1] : vector<256x2048xf32> to vector<256xf32>
    %broadcast_in_dim3A_109 = vector.shape_cast %reduce_max3A_108 : vector<256xf32> to vector<256x1xf32>
    %get3A_110 = arith.constant 0 : index
    %get3A_111 = arith.constant 0 : index
    %get3A_112 = vector.load %arg5[%get3A_110, %get3A_111] : memref<256x2048xf32, #tpu.memory_space<vmem>>, vector<256x2048xf32>
    %eq3A_113 = vector.broadcast %broadcast_in_dim3A_109 : vector<256x1xf32> to vector<256x2048xf32>
    %eq3A_114 = arith.cmpf oeq, %get3A_112, %eq3A_113 : vector<256x2048xf32>
    %jit3A_115 = arith.constant 2048 : i32
    %broadcast_in_dim3A_116 = vector.broadcast %jit3A_115 : i32 to vector<256x2048xi32>
    %select_n3A_117 = arith.select %eq3A_114, %iota3A, %broadcast_in_dim3A_116 : vector<256x2048xi1>, vector<256x2048xi32>
    %reduce_min3A_118 = arith.constant dense<2147483647> : vector<256xi32>
    %reduce_min3A_119 = vector.multi_reduction <minsi>, %select_n3A_117, %reduce_min3A_118 [1] : vector<256x2048xi32> to vector<256xi32>
    %broadcast_in_dim3A_120 = vector.shape_cast %reduce_min3A_119 : vector<256xi32> to vector<256x1xi32>
    %eq3A_121 = vector.broadcast %broadcast_in_dim3A_120 : vector<256x1xi32> to vector<256x2048xi32>
    %eq3A_122 = arith.cmpi eq, %iota3A, %eq3A_121 : vector<256x2048xi32>
    %jit3A_123 = arith.constant 0xFF800000 : f32
    %broadcast_in_dim3A_124 = vector.broadcast %jit3A_123 : f32 to vector<256x2048xf32>
    %select_n3A_125 = arith.select %eq3A_122, %broadcast_in_dim3A_124, %get3A_112 : vector<256x2048xi1>, vector<256x2048xf32>
    %swap3A_126 = arith.constant 0 : index
    %swap3A_127 = arith.constant 0 : index
    %swap3A_128 = vector.load %arg5[%swap3A_126, %swap3A_127] : memref<256x2048xf32, #tpu.memory_space<vmem>>, vector<256x2048xf32>
    tpu.vector_store %arg5[%swap3A_126, %swap3A_127], %select_n3A_125 {strides = array<i32>} : memref<256x2048xf32, #tpu.memory_space<vmem>>, vector<256x2048xf32>,
    %reduce_max3A_129 = arith.constant dense<0xFF800000> : vector<256xf32>
    %reduce_max3A_130 = vector.multi_reduction <maximumf>, %select_n3A_125, %reduce_max3A_129 [1] : vector<256x2048xf32> to vector<256xf32>
    %broadcast_in_dim3A_131 = vector.shape_cast %reduce_max3A_130 : vector<256xf32> to vector<256x1xf32>
    %get3A_132 = arith.constant 0 : index
    %get3A_133 = arith.constant 0 : index
    %get3A_134 = vector.load %arg5[%get3A_132, %get3A_133] : memref<256x2048xf32, #tpu.memory_space<vmem>>, vector<256x2048xf32>
    %eq3A_135 = vector.broadcast %broadcast_in_dim3A_131 : vector<256x1xf32> to vector<256x2048xf32>
    %eq3A_136 = arith.cmpf oeq, %get3A_134, %eq3A_135 : vector<256x2048xf32>
    %jit3A_137 = arith.constant 2048 : i32
    %broadcast_in_dim3A_138 = vector.broadcast %jit3A_137 : i32 to vector<256x2048xi32>
    %select_n3A_139 = arith.select %eq3A_136, %iota3A, %broadcast_in_dim3A_138 : vector<256x2048xi1>, vector<256x2048xi32>
    %reduce_min3A_140 = arith.constant dense<2147483647> : vector<256xi32>
    %reduce_min3A_141 = vector.multi_reduction <minsi>, %select_n3A_139, %reduce_min3A_140 [1] : vector<256x2048xi32> to vector<256xi32>
    %broadcast_in_dim3A_142 = vector.shape_cast %reduce_min3A_141 : vector<256xi32> to vector<256x1xi32>
    %eq3A_143 = vector.broadcast %broadcast_in_dim3A_142 : vector<256x1xi32> to vector<256x2048xi32>
    %eq3A_144 = arith.cmpi eq, %iota3A, %eq3A_143 : vector<256x2048xi32>
    %jit3A_145 = arith.constant 0xFF800000 : f32
    %broadcast_in_dim3A_146 = vector.broadcast %jit3A_145 : f32 to vector<256x2048xf32>
    %select_n3A_147 = arith.select %eq3A_144, %broadcast_in_dim3A_146, %get3A_134 : vector<256x2048xi1>, vector<256x2048xf32>
    %swap3A_148 = arith.constant 0 : index
    %swap3A_149 = arith.constant 0 : index
    %swap3A_150 = vector.load %arg5[%swap3A_148, %swap3A_149] : memref<256x2048xf32, #tpu.memory_space<vmem>>, vector<256x2048xf32>
    tpu.vector_store %arg5[%swap3A_148, %swap3A_149], %select_n3A_147 {strides = array<i32>} : memref<256x2048xf32, #tpu.memory_space<vmem>>, vector<256x2048xf32>,
    %reduce_max3A_151 = arith.constant dense<0xFF800000> : vector<256xf32>
    %reduce_max3A_152 = vector.multi_reduction <maximumf>, %select_n3A_147, %reduce_max3A_151 [1] : vector<256x2048xf32> to vector<256xf32>
    %broadcast_in_dim3A_153 = vector.shape_cast %reduce_max3A_152 : vector<256xf32> to vector<256x1xf32>
    %get3A_154 = arith.constant 0 : index
    %get3A_155 = arith.constant 0 : index
    %get3A_156 = vector.load %arg5[%get3A_154, %get3A_155] : memref<256x2048xf32, #tpu.memory_space<vmem>>, vector<256x2048xf32>
    %eq3A_157 = vector.broadcast %broadcast_in_dim3A_153 : vector<256x1xf32> to vector<256x2048xf32>
    %eq3A_158 = arith.cmpf oeq, %get3A_156, %eq3A_157 : vector<256x2048xf32>
    %jit3A_159 = arith.constant 2048 : i32
    %broadcast_in_dim3A_160 = vector.broadcast %jit3A_159 : i32 to vector<256x2048xi32>
    %select_n3A_161 = arith.select %eq3A_158, %iota3A, %broadcast_in_dim3A_160 : vector<256x2048xi1>, vector<256x2048xi32>
    %reduce_min3A_162 = arith.constant dense<2147483647> : vector<256xi32>
    %reduce_min3A_163 = vector.multi_reduction <minsi>, %select_n3A_161, %reduce_min3A_162 [1] : vector<256x2048xi32> to vector<256xi32>
    %broadcast_in_dim3A_164 = vector.shape_cast %reduce_min3A_163 : vector<256xi32> to vector<256x1xi32>
    %eq3A_165 = vector.broadcast %broadcast_in_dim3A_164 : vector<256x1xi32> to vector<256x2048xi32>
    %eq3A_166 = arith.cmpi eq, %iota3A, %eq3A_165 : vector<256x2048xi32>
    %jit3A_167 = arith.constant 0xFF800000 : f32
    %broadcast_in_dim3A_168 = vector.broadcast %jit3A_167 : f32 to vector<256x2048xf32>
    %select_n3A_169 = arith.select %eq3A_166, %broadcast_in_dim3A_168, %get3A_156 : vector<256x2048xi1>, vector<256x2048xf32>
    %swap3A_170 = arith.constant 0 : index
    %swap3A_171 = arith.constant 0 : index
    %swap3A_172 = vector.load %arg5[%swap3A_170, %swap3A_171] : memref<256x2048xf32, #tpu.memory_space<vmem>>, vector<256x2048xf32>
    tpu.vector_store %arg5[%swap3A_170, %swap3A_171], %select_n3A_169 {strides = array<i32>} : memref<256x2048xf32, #tpu.memory_space<vmem>>, vector<256x2048xf32>,
    %reduce_max3A_173 = arith.constant dense<0xFF800000> : vector<256xf32>
    %reduce_max3A_174 = vector.multi_reduction <maximumf>, %select_n3A_169, %reduce_max3A_173 [1] : vector<256x2048xf32> to vector<256xf32>
    %broadcast_in_dim3A_175 = vector.shape_cast %reduce_max3A_174 : vector<256xf32> to vector<256x1xf32>
    %get3A_176 = arith.constant 0 : index
    %get3A_177 = arith.constant 0 : index
    %get3A_178 = vector.load %arg5[%get3A_176, %get3A_177] : memref<256x2048xf32, #tpu.memory_space<vmem>>, vector<256x2048xf32>
    %eq3A_179 = vector.broadcast %broadcast_in_dim3A_175 : vector<256x1xf32> to vector<256x2048xf32>
    %eq3A_180 = arith.cmpf oeq, %get3A_178, %eq3A_179 : vector<256x2048xf32>
    %jit3A_181 = arith.constant 2048 : i32
    %broadcast_in_dim3A_182 = vector.broadcast %jit3A_181 : i32 to vector<256x2048xi32>
    %select_n3A_183 = arith.select %eq3A_180, %iota3A, %broadcast_in_dim3A_182 : vector<256x2048xi1>, vector<256x2048xi32>
    %reduce_min3A_184 = arith.constant dense<2147483647> : vector<256xi32>
    %reduce_min3A_185 = vector.multi_reduction <minsi>, %select_n3A_183, %reduce_min3A_184 [1] : vector<256x2048xi32> to vector<256xi32>
    %broadcast_in_dim3A_186 = vector.shape_cast %reduce_min3A_185 : vector<256xi32> to vector<256x1xi32>
    %eq3A_187 = vector.broadcast %broadcast_in_dim3A_186 : vector<256x1xi32> to vector<256x2048xi32>
    %eq3A_188 = arith.cmpi eq, %iota3A, %eq3A_187 : vector<256x2048xi32>
    %jit3A_189 = arith.constant 0xFF800000 : f32
    %broadcast_in_dim3A_190 = vector.broadcast %jit3A_189 : f32 to vector<256x2048xf32>
    %select_n3A_191 = arith.select %eq3A_188, %broadcast_in_dim3A_190, %get3A_178 : vector<256x2048xi1>, vector<256x2048xf32>
    %swap3A_192 = arith.constant 0 : index
    %swap3A_193 = arith.constant 0 : index
    %swap3A_194 = vector.load %arg5[%swap3A_192, %swap3A_193] : memref<256x2048xf32, #tpu.memory_space<vmem>>, vector<256x2048xf32>
    tpu.vector_store %arg5[%swap3A_192, %swap3A_193], %select_n3A_191 {strides = array<i32>} : memref<256x2048xf32, #tpu.memory_space<vmem>>, vector<256x2048xf32>,
    %reduce_max3A_195 = arith.constant dense<0xFF800000> : vector<256xf32>
    %reduce_max3A_196 = vector.multi_reduction <maximumf>, %select_n3A_191, %reduce_max3A_195 [1] : vector<256x2048xf32> to vector<256xf32>
    %broadcast_in_dim3A_197 = vector.shape_cast %reduce_max3A_196 : vector<256xf32> to vector<256x1xf32>
    %get3A_198 = arith.constant 0 : index
    %get3A_199 = arith.constant 0 : index
    %get3A_200 = vector.load %arg5[%get3A_198, %get3A_199] : memref<256x2048xf32, #tpu.memory_space<vmem>>, vector<256x2048xf32>
    %eq3A_201 = vector.broadcast %broadcast_in_dim3A_197 : vector<256x1xf32> to vector<256x2048xf32>
    %eq3A_202 = arith.cmpf oeq, %get3A_200, %eq3A_201 : vector<256x2048xf32>
    %jit3A_203 = arith.constant 2048 : i32
    %broadcast_in_dim3A_204 = vector.broadcast %jit3A_203 : i32 to vector<256x2048xi32>
    %select_n3A_205 = arith.select %eq3A_202, %iota3A, %broadcast_in_dim3A_204 : vector<256x2048xi1>, vector<256x2048xi32>
    %reduce_min3A_206 = arith.constant dense<2147483647> : vector<256xi32>
    %reduce_min3A_207 = vector.multi_reduction <minsi>, %select_n3A_205, %reduce_min3A_206 [1] : vector<256x2048xi32> to vector<256xi32>
    %broadcast_in_dim3A_208 = vector.shape_cast %reduce_min3A_207 : vector<256xi32> to vector<256x1xi32>
    %eq3A_209 = vector.broadcast %broadcast_in_dim3A_208 : vector<256x1xi32> to vector<256x2048xi32>
    %eq3A_210 = arith.cmpi eq, %iota3A, %eq3A_209 : vector<256x2048xi32>
    %jit3A_211 = arith.constant 0xFF800000 : f32
    %broadcast_in_dim3A_212 = vector.broadcast %jit3A_211 : f32 to vector<256x2048xf32>
    %select_n3A_213 = arith.select %eq3A_210, %broadcast_in_dim3A_212, %get3A_200 : vector<256x2048xi1>, vector<256x2048xf32>
    %swap3A_214 = arith.constant 0 : index
    %swap3A_215 = arith.constant 0 : index
    %swap3A_216 = vector.load %arg5[%swap3A_214, %swap3A_215] : memref<256x2048xf32, #tpu.memory_space<vmem>>, vector<256x2048xf32>
    tpu.vector_store %arg5[%swap3A_214, %swap3A_215], %select_n3A_213 {strides = array<i32>} : memref<256x2048xf32, #tpu.memory_space<vmem>>, vector<256x2048xf32>,
    %reduce_max3A_217 = arith.constant dense<0xFF800000> : vector<256xf32>
    %reduce_max3A_218 = vector.multi_reduction <maximumf>, %select_n3A_213, %reduce_max3A_217 [1] : vector<256x2048xf32> to vector<256xf32>
    %broadcast_in_dim3A_219 = vector.shape_cast %reduce_max3A_218 : vector<256xf32> to vector<256x1xf32>
    %get3A_220 = arith.constant 0 : index
    %get3A_221 = arith.constant 0 : index
    %get3A_222 = vector.load %arg5[%get3A_220, %get3A_221] : memref<256x2048xf32, #tpu.memory_space<vmem>>, vector<256x2048xf32>
    %eq3A_223 = vector.broadcast %broadcast_in_dim3A_219 : vector<256x1xf32> to vector<256x2048xf32>
    %eq3A_224 = arith.cmpf oeq, %get3A_222, %eq3A_223 : vector<256x2048xf32>
    %jit3A_225 = arith.constant 2048 : i32
    %broadcast_in_dim3A_226 = vector.broadcast %jit3A_225 : i32 to vector<256x2048xi32>
    %select_n3A_227 = arith.select %eq3A_224, %iota3A, %broadcast_in_dim3A_226 : vector<256x2048xi1>, vector<256x2048xi32>
    %reduce_min3A_228 = arith.constant dense<2147483647> : vector<256xi32>
    %reduce_min3A_229 = vector.multi_reduction <minsi>, %select_n3A_227, %reduce_min3A_228 [1] : vector<256x2048xi32> to vector<256xi32>
    %broadcast_in_dim3A_230 = vector.shape_cast %reduce_min3A_229 : vector<256xi32> to vector<256x1xi32>
    %eq3A_231 = vector.broadcast %broadcast_in_dim3A_230 : vector<256x1xi32> to vector<256x2048xi32>
    %eq3A_232 = arith.cmpi eq, %iota3A, %eq3A_231 : vector<256x2048xi32>
    %jit3A_233 = arith.constant 0xFF800000 : f32
    %broadcast_in_dim3A_234 = vector.broadcast %jit3A_233 : f32 to vector<256x2048xf32>
    %select_n3A_235 = arith.select %eq3A_232, %broadcast_in_dim3A_234, %get3A_222 : vector<256x2048xi1>, vector<256x2048xf32>
    %swap3A_236 = arith.constant 0 : index
    %swap3A_237 = arith.constant 0 : index
    %swap3A_238 = vector.load %arg5[%swap3A_236, %swap3A_237] : memref<256x2048xf32, #tpu.memory_space<vmem>>, vector<256x2048xf32>
    tpu.vector_store %arg5[%swap3A_236, %swap3A_237], %select_n3A_235 {strides = array<i32>} : memref<256x2048xf32, #tpu.memory_space<vmem>>, vector<256x2048xf32>,
    %reduce_max3A_239 = arith.constant dense<0xFF800000> : vector<256xf32>
    %reduce_max3A_240 = vector.multi_reduction <maximumf>, %select_n3A_235, %reduce_max3A_239 [1] : vector<256x2048xf32> to vector<256xf32>
    %broadcast_in_dim3A_241 = vector.shape_cast %reduce_max3A_240 : vector<256xf32> to vector<256x1xf32>
    %get3A_242 = arith.constant 0 : index
    %get3A_243 = arith.constant 0 : index
    %get3A_244 = vector.load %arg5[%get3A_242, %get3A_243] : memref<256x2048xf32, #tpu.memory_space<vmem>>, vector<256x2048xf32>
    %eq3A_245 = vector.broadcast %broadcast_in_dim3A_241 : vector<256x1xf32> to vector<256x2048xf32>
    %eq3A_246 = arith.cmpf oeq, %get3A_244, %eq3A_245 : vector<256x2048xf32>
    %jit3A_247 = arith.constant 2048 : i32
    %broadcast_in_dim3A_248 = vector.broadcast %jit3A_247 : i32 to vector<256x2048xi32>
    %select_n3A_249 = arith.select %eq3A_246, %iota3A, %broadcast_in_dim3A_248 : vector<256x2048xi1>, vector<256x2048xi32>
    %reduce_min3A_250 = arith.constant dense<2147483647> : vector<256xi32>
    %reduce_min3A_251 = vector.multi_reduction <minsi>, %select_n3A_249, %reduce_min3A_250 [1] : vector<256x2048xi32> to vector<256xi32>
    %broadcast_in_dim3A_252 = vector.shape_cast %reduce_min3A_251 : vector<256xi32> to vector<256x1xi32>
    %eq3A_253 = vector.broadcast %broadcast_in_dim3A_252 : vector<256x1xi32> to vector<256x2048xi32>
    %eq3A_254 = arith.cmpi eq, %iota3A, %eq3A_253 : vector<256x2048xi32>
    %jit3A_255 = arith.constant 0xFF800000 : f32
    %broadcast_in_dim3A_256 = vector.broadcast %jit3A_255 : f32 to vector<256x2048xf32>
    %select_n3A_257 = arith.select %eq3A_254, %broadcast_in_dim3A_256, %get3A_244 : vector<256x2048xi1>, vector<256x2048xf32>
    %swap3A_258 = arith.constant 0 : index
    %swap3A_259 = arith.constant 0 : index
    %swap3A_260 = vector.load %arg5[%swap3A_258, %swap3A_259] : memref<256x2048xf32, #tpu.memory_space<vmem>>, vector<256x2048xf32>
    tpu.vector_store %arg5[%swap3A_258, %swap3A_259], %select_n3A_257 {strides = array<i32>} : memref<256x2048xf32, #tpu.memory_space<vmem>>, vector<256x2048xf32>,
    %reduce_max3A_261 = arith.constant dense<0xFF800000> : vector<256xf32>
    %reduce_max3A_262 = vector.multi_reduction <maximumf>, %select_n3A_257, %reduce_max3A_261 [1] : vector<256x2048xf32> to vector<256xf32>
    %broadcast_in_dim3A_263 = vector.shape_cast %reduce_max3A_262 : vector<256xf32> to vector<256x1xf32>
    %get3A_264 = arith.constant 0 : index
    %get3A_265 = arith.constant 0 : index
    %get3A_266 = vector.load %arg5[%get3A_264, %get3A_265] : memref<256x2048xf32, #tpu.memory_space<vmem>>, vector<256x2048xf32>
    %eq3A_267 = vector.broadcast %broadcast_in_dim3A_263 : vector<256x1xf32> to vector<256x2048xf32>
    %eq3A_268 = arith.cmpf oeq, %get3A_266, %eq3A_267 : vector<256x2048xf32>
    %jit3A_269 = arith.constant 2048 : i32
    %broadcast_in_dim3A_270 = vector.broadcast %jit3A_269 : i32 to vector<256x2048xi32>
    %select_n3A_271 = arith.select %eq3A_268, %iota3A, %broadcast_in_dim3A_270 : vector<256x2048xi1>, vector<256x2048xi32>
    %reduce_min3A_272 = arith.constant dense<2147483647> : vector<256xi32>
    %reduce_min3A_273 = vector.multi_reduction <minsi>, %select_n3A_271, %reduce_min3A_272 [1] : vector<256x2048xi32> to vector<256xi32>
    %broadcast_in_dim3A_274 = vector.shape_cast %reduce_min3A_273 : vector<256xi32> to vector<256x1xi32>
    %eq3A_275 = vector.broadcast %broadcast_in_dim3A_274 : vector<256x1xi32> to vector<256x2048xi32>
    %eq3A_276 = arith.cmpi eq, %iota3A, %eq3A_275 : vector<256x2048xi32>
    %jit3A_277 = arith.constant 0xFF800000 : f32
    %broadcast_in_dim3A_278 = vector.broadcast %jit3A_277 : f32 to vector<256x2048xf32>
    %select_n3A_279 = arith.select %eq3A_276, %broadcast_in_dim3A_278, %get3A_266 : vector<256x2048xi1>, vector<256x2048xf32>
    %swap3A_280 = arith.constant 0 : index
    %swap3A_281 = arith.constant 0 : index
    %swap3A_282 = vector.load %arg5[%swap3A_280, %swap3A_281] : memref<256x2048xf32, #tpu.memory_space<vmem>>, vector<256x2048xf32>
    tpu.vector_store %arg5[%swap3A_280, %swap3A_281], %select_n3A_279 {strides = array<i32>} : memref<256x2048xf32, #tpu.memory_space<vmem>>, vector<256x2048xf32>,
    %reduce_max3A_283 = arith.constant dense<0xFF800000> : vector<256xf32>
    %reduce_max3A_284 = vector.multi_reduction <maximumf>, %select_n3A_279, %reduce_max3A_283 [1] : vector<256x2048xf32> to vector<256xf32>
    %broadcast_in_dim3A_285 = vector.shape_cast %reduce_max3A_284 : vector<256xf32> to vector<256x1xf32>
    %get3A_286 = arith.constant 0 : index
    %get3A_287 = arith.constant 0 : index
    %get3A_288 = vector.load %arg5[%get3A_286, %get3A_287] : memref<256x2048xf32, #tpu.memory_space<vmem>>, vector<256x2048xf32>
    %eq3A_289 = vector.broadcast %broadcast_in_dim3A_285 : vector<256x1xf32> to vector<256x2048xf32>
    %eq3A_290 = arith.cmpf oeq, %get3A_288, %eq3A_289 : vector<256x2048xf32>
    %jit3A_291 = arith.constant 2048 : i32
    %broadcast_in_dim3A_292 = vector.broadcast %jit3A_291 : i32 to vector<256x2048xi32>
    %select_n3A_293 = arith.select %eq3A_290, %iota3A, %broadcast_in_dim3A_292 : vector<256x2048xi1>, vector<256x2048xi32>
    %reduce_min3A_294 = arith.constant dense<2147483647> : vector<256xi32>
    %reduce_min3A_295 = vector.multi_reduction <minsi>, %select_n3A_293, %reduce_min3A_294 [1] : vector<256x2048xi32> to vector<256xi32>
    %broadcast_in_dim3A_296 = vector.shape_cast %reduce_min3A_295 : vector<256xi32> to vector<256x1xi32>
    %eq3A_297 = vector.broadcast %broadcast_in_dim3A_296 : vector<256x1xi32> to vector<256x2048xi32>
    %eq3A_298 = arith.cmpi eq, %iota3A, %eq3A_297 : vector<256x2048xi32>
    %jit3A_299 = arith.constant 0xFF800000 : f32
    %broadcast_in_dim3A_300 = vector.broadcast %jit3A_299 : f32 to vector<256x2048xf32>
    %select_n3A_301 = arith.select %eq3A_298, %broadcast_in_dim3A_300, %get3A_288 : vector<256x2048xi1>, vector<256x2048xf32>
    %swap3A_302 = arith.constant 0 : index
    %swap3A_303 = arith.constant 0 : index
    %swap3A_304 = vector.load %arg5[%swap3A_302, %swap3A_303] : memref<256x2048xf32, #tpu.memory_space<vmem>>, vector<256x2048xf32>
    tpu.vector_store %arg5[%swap3A_302, %swap3A_303], %select_n3A_301 {strides = array<i32>} : memref<256x2048xf32, #tpu.memory_space<vmem>>, vector<256x2048xf32>,
    %reduce_max3A_305 = arith.constant dense<0xFF800000> : vector<256xf32>
    %reduce_max3A_306 = vector.multi_reduction <maximumf>, %select_n3A_301, %reduce_max3A_305 [1] : vector<256x2048xf32> to vector<256xf32>
    %broadcast_in_dim3A_307 = vector.shape_cast %reduce_max3A_306 : vector<256xf32> to vector<256x1xf32>
    %get3A_308 = arith.constant 0 : index
    %get3A_309 = arith.constant 0 : index
    %get3A_310 = vector.load %arg5[%get3A_308, %get3A_309] : memref<256x2048xf32, #tpu.memory_space<vmem>>, vector<256x2048xf32>
    %eq3A_311 = vector.broadcast %broadcast_in_dim3A_307 : vector<256x1xf32> to vector<256x2048xf32>
    %eq3A_312 = arith.cmpf oeq, %get3A_310, %eq3A_311 : vector<256x2048xf32>
    %jit3A_313 = arith.constant 2048 : i32
    %broadcast_in_dim3A_314 = vector.broadcast %jit3A_313 : i32 to vector<256x2048xi32>
    %select_n3A_315 = arith.select %eq3A_312, %iota3A, %broadcast_in_dim3A_314 : vector<256x2048xi1>, vector<256x2048xi32>
    %reduce_min3A_316 = arith.constant dense<2147483647> : vector<256xi32>
    %reduce_min3A_317 = vector.multi_reduction <minsi>, %select_n3A_315, %reduce_min3A_316 [1] : vector<256x2048xi32> to vector<256xi32>
    %broadcast_in_dim3A_318 = vector.shape_cast %reduce_min3A_317 : vector<256xi32> to vector<256x1xi32>
    %eq3A_319 = vector.broadcast %broadcast_in_dim3A_318 : vector<256x1xi32> to vector<256x2048xi32>
    %eq3A_320 = arith.cmpi eq, %iota3A, %eq3A_319 : vector<256x2048xi32>
    %jit3A_321 = arith.constant 0xFF800000 : f32
    %broadcast_in_dim3A_322 = vector.broadcast %jit3A_321 : f32 to vector<256x2048xf32>
    %select_n3A_323 = arith.select %eq3A_320, %broadcast_in_dim3A_322, %get3A_310 : vector<256x2048xi1>, vector<256x2048xf32>
    %swap3A_324 = arith.constant 0 : index
    %swap3A_325 = arith.constant 0 : index
    %swap3A_326 = vector.load %arg5[%swap3A_324, %swap3A_325] : memref<256x2048xf32, #tpu.memory_space<vmem>>, vector<256x2048xf32>
    tpu.vector_store %arg5[%swap3A_324, %swap3A_325], %select_n3A_323 {strides = array<i32>} : memref<256x2048xf32, #tpu.memory_space<vmem>>, vector<256x2048xf32>,
    %reduce_max3A_327 = arith.constant dense<0xFF800000> : vector<256xf32>
    %reduce_max3A_328 = vector.multi_reduction <maximumf>, %select_n3A_323, %reduce_max3A_327 [1] : vector<256x2048xf32> to vector<256xf32>
    %broadcast_in_dim3A_329 = vector.shape_cast %reduce_max3A_328 : vector<256xf32> to vector<256x1xf32>
    %get3A_330 = arith.constant 0 : index
    %get3A_331 = arith.constant 0 : index
    %get3A_332 = vector.load %arg5[%get3A_330, %get3A_331] : memref<256x2048xf32, #tpu.memory_space<vmem>>, vector<256x2048xf32>
    %eq3A_333 = vector.broadcast %broadcast_in_dim3A_329 : vector<256x1xf32> to vector<256x2048xf32>
    %eq3A_334 = arith.cmpf oeq, %get3A_332, %eq3A_333 : vector<256x2048xf32>
    %jit3A_335 = arith.constant 2048 : i32
    %broadcast_in_dim3A_336 = vector.broadcast %jit3A_335 : i32 to vector<256x2048xi32>
    %select_n3A_337 = arith.select %eq3A_334, %iota3A, %broadcast_in_dim3A_336 : vector<256x2048xi1>, vector<256x2048xi32>
    %reduce_min3A_338 = arith.constant dense<2147483647> : vector<256xi32>
    %reduce_min3A_339 = vector.multi_reduction <minsi>, %select_n3A_337, %reduce_min3A_338 [1] : vector<256x2048xi32> to vector<256xi32>
    %broadcast_in_dim3A_340 = vector.shape_cast %reduce_min3A_339 : vector<256xi32> to vector<256x1xi32>
    %eq3A_341 = vector.broadcast %broadcast_in_dim3A_340 : vector<256x1xi32> to vector<256x2048xi32>
    %eq3A_342 = arith.cmpi eq, %iota3A, %eq3A_341 : vector<256x2048xi32>
    %jit3A_343 = arith.constant 0xFF800000 : f32
    %broadcast_in_dim3A_344 = vector.broadcast %jit3A_343 : f32 to vector<256x2048xf32>
    %select_n3A_345 = arith.select %eq3A_342, %broadcast_in_dim3A_344, %get3A_332 : vector<256x2048xi1>, vector<256x2048xf32>
    %swap3A_346 = arith.constant 0 : index
    %swap3A_347 = arith.constant 0 : index
    %swap3A_348 = vector.load %arg5[%swap3A_346, %swap3A_347] : memref<256x2048xf32, #tpu.memory_space<vmem>>, vector<256x2048xf32>
    tpu.vector_store %arg5[%swap3A_346, %swap3A_347], %select_n3A_345 {strides = array<i32>} : memref<256x2048xf32, #tpu.memory_space<vmem>>, vector<256x2048xf32>,
    %reduce_max3A_349 = arith.constant dense<0xFF800000> : vector<256xf32>
    %reduce_max3A_350 = vector.multi_reduction <maximumf>, %select_n3A_345, %reduce_max3A_349 [1] : vector<256x2048xf32> to vector<256xf32>
    %broadcast_in_dim3A_351 = vector.shape_cast %reduce_max3A_350 : vector<256xf32> to vector<256x1xf32>
    %get3A_352 = arith.constant 0 : index
    %get3A_353 = arith.constant 0 : index
    %get3A_354 = vector.load %arg5[%get3A_352, %get3A_353] : memref<256x2048xf32, #tpu.memory_space<vmem>>, vector<256x2048xf32>
    %eq3A_355 = vector.broadcast %broadcast_in_dim3A_351 : vector<256x1xf32> to vector<256x2048xf32>
    %eq3A_356 = arith.cmpf oeq, %get3A_354, %eq3A_355 : vector<256x2048xf32>
    %jit3A_357 = arith.constant 2048 : i32
    %broadcast_in_dim3A_358 = vector.broadcast %jit3A_357 : i32 to vector<256x2048xi32>
    %select_n3A_359 = arith.select %eq3A_356, %iota3A, %broadcast_in_dim3A_358 : vector<256x2048xi1>, vector<256x2048xi32>
    %reduce_min3A_360 = arith.constant dense<2147483647> : vector<256xi32>
    %reduce_min3A_361 = vector.multi_reduction <minsi>, %select_n3A_359, %reduce_min3A_360 [1] : vector<256x2048xi32> to vector<256xi32>
    %broadcast_in_dim3A_362 = vector.shape_cast %reduce_min3A_361 : vector<256xi32> to vector<256x1xi32>
    %eq3A_363 = vector.broadcast %broadcast_in_dim3A_362 : vector<256x1xi32> to vector<256x2048xi32>
    %eq3A_364 = arith.cmpi eq, %iota3A, %eq3A_363 : vector<256x2048xi32>
    %jit3A_365 = arith.constant 0xFF800000 : f32
    %broadcast_in_dim3A_366 = vector.broadcast %jit3A_365 : f32 to vector<256x2048xf32>
    %select_n3A_367 = arith.select %eq3A_364, %broadcast_in_dim3A_366, %get3A_354 : vector<256x2048xi1>, vector<256x2048xf32>
    %swap3A_368 = arith.constant 0 : index
    %swap3A_369 = arith.constant 0 : index
    %swap3A_370 = vector.load %arg5[%swap3A_368, %swap3A_369] : memref<256x2048xf32, #tpu.memory_space<vmem>>, vector<256x2048xf32>
    tpu.vector_store %arg5[%swap3A_368, %swap3A_369], %select_n3A_367 {strides = array<i32>} : memref<256x2048xf32, #tpu.memory_space<vmem>>, vector<256x2048xf32>,
    %reduce_max3A_371 = arith.constant dense<0xFF800000> : vector<256xf32>
    %reduce_max3A_372 = vector.multi_reduction <maximumf>, %select_n3A_367, %reduce_max3A_371 [1] : vector<256x2048xf32> to vector<256xf32>
    %broadcast_in_dim3A_373 = vector.shape_cast %reduce_max3A_372 : vector<256xf32> to vector<256x1xf32>
    %get3A_374 = arith.constant 0 : index
    %get3A_375 = arith.constant 0 : index
    %get3A_376 = vector.load %arg5[%get3A_374, %get3A_375] : memref<256x2048xf32, #tpu.memory_space<vmem>>, vector<256x2048xf32>
    %eq3A_377 = vector.broadcast %broadcast_in_dim3A_373 : vector<256x1xf32> to vector<256x2048xf32>
    %eq3A_378 = arith.cmpf oeq, %get3A_376, %eq3A_377 : vector<256x2048xf32>
    %jit3A_379 = arith.constant 2048 : i32
    %broadcast_in_dim3A_380 = vector.broadcast %jit3A_379 : i32 to vector<256x2048xi32>
    %select_n3A_381 = arith.select %eq3A_378, %iota3A, %broadcast_in_dim3A_380 : vector<256x2048xi1>, vector<256x2048xi32>
    %reduce_min3A_382 = arith.constant dense<2147483647> : vector<256xi32>
    %reduce_min3A_383 = vector.multi_reduction <minsi>, %select_n3A_381, %reduce_min3A_382 [1] : vector<256x2048xi32> to vector<256xi32>
    %broadcast_in_dim3A_384 = vector.shape_cast %reduce_min3A_383 : vector<256xi32> to vector<256x1xi32>
    %eq3A_385 = vector.broadcast %broadcast_in_dim3A_384 : vector<256x1xi32> to vector<256x2048xi32>
    %eq3A_386 = arith.cmpi eq, %iota3A, %eq3A_385 : vector<256x2048xi32>
    %jit3A_387 = arith.constant 0xFF800000 : f32
    %broadcast_in_dim3A_388 = vector.broadcast %jit3A_387 : f32 to vector<256x2048xf32>
    %select_n3A_389 = arith.select %eq3A_386, %broadcast_in_dim3A_388, %get3A_376 : vector<256x2048xi1>, vector<256x2048xf32>
    %swap3A_390 = arith.constant 0 : index
    %swap3A_391 = arith.constant 0 : index
    %swap3A_392 = vector.load %arg5[%swap3A_390, %swap3A_391] : memref<256x2048xf32, #tpu.memory_space<vmem>>, vector<256x2048xf32>
    tpu.vector_store %arg5[%swap3A_390, %swap3A_391], %select_n3A_389 {strides = array<i32>} : memref<256x2048xf32, #tpu.memory_space<vmem>>, vector<256x2048xf32>,
    %reduce_max3A_393 = arith.constant dense<0xFF800000> : vector<256xf32>
    %reduce_max3A_394 = vector.multi_reduction <maximumf>, %select_n3A_389, %reduce_max3A_393 [1] : vector<256x2048xf32> to vector<256xf32>
    %broadcast_in_dim3A_395 = vector.shape_cast %reduce_max3A_394 : vector<256xf32> to vector<256x1xf32>
    %get3A_396 = arith.constant 0 : index
    %get3A_397 = arith.constant 0 : index
    %get3A_398 = vector.load %arg5[%get3A_396, %get3A_397] : memref<256x2048xf32, #tpu.memory_space<vmem>>, vector<256x2048xf32>
    %eq3A_399 = vector.broadcast %broadcast_in_dim3A_395 : vector<256x1xf32> to vector<256x2048xf32>
    %eq3A_400 = arith.cmpf oeq, %get3A_398, %eq3A_399 : vector<256x2048xf32>
    %jit3A_401 = arith.constant 2048 : i32
    %broadcast_in_dim3A_402 = vector.broadcast %jit3A_401 : i32 to vector<256x2048xi32>
    %select_n3A_403 = arith.select %eq3A_400, %iota3A, %broadcast_in_dim3A_402 : vector<256x2048xi1>, vector<256x2048xi32>
    %reduce_min3A_404 = arith.constant dense<2147483647> : vector<256xi32>
    %reduce_min3A_405 = vector.multi_reduction <minsi>, %select_n3A_403, %reduce_min3A_404 [1] : vector<256x2048xi32> to vector<256xi32>
    %broadcast_in_dim3A_406 = vector.shape_cast %reduce_min3A_405 : vector<256xi32> to vector<256x1xi32>
    %eq3A_407 = vector.broadcast %broadcast_in_dim3A_406 : vector<256x1xi32> to vector<256x2048xi32>
    %eq3A_408 = arith.cmpi eq, %iota3A, %eq3A_407 : vector<256x2048xi32>
    %jit3A_409 = arith.constant 0xFF800000 : f32
    %broadcast_in_dim3A_410 = vector.broadcast %jit3A_409 : f32 to vector<256x2048xf32>
    %select_n3A_411 = arith.select %eq3A_408, %broadcast_in_dim3A_410, %get3A_398 : vector<256x2048xi1>, vector<256x2048xf32>
    %swap3A_412 = arith.constant 0 : index
    %swap3A_413 = arith.constant 0 : index
    %swap3A_414 = vector.load %arg5[%swap3A_412, %swap3A_413] : memref<256x2048xf32, #tpu.memory_space<vmem>>, vector<256x2048xf32>
    tpu.vector_store %arg5[%swap3A_412, %swap3A_413], %select_n3A_411 {strides = array<i32>} : memref<256x2048xf32, #tpu.memory_space<vmem>>, vector<256x2048xf32>,
    %reduce_max3A_415 = arith.constant dense<0xFF800000> : vector<256xf32>
    %reduce_max3A_416 = vector.multi_reduction <maximumf>, %select_n3A_411, %reduce_max3A_415 [1] : vector<256x2048xf32> to vector<256xf32>
    %broadcast_in_dim3A_417 = vector.shape_cast %reduce_max3A_416 : vector<256xf32> to vector<256x1xf32>
    %get3A_418 = arith.constant 0 : index
    %get3A_419 = arith.constant 0 : index
    %get3A_420 = vector.load %arg5[%get3A_418, %get3A_419] : memref<256x2048xf32, #tpu.memory_space<vmem>>, vector<256x2048xf32>
    %eq3A_421 = vector.broadcast %broadcast_in_dim3A_417 : vector<256x1xf32> to vector<256x2048xf32>
    %eq3A_422 = arith.cmpf oeq, %get3A_420, %eq3A_421 : vector<256x2048xf32>
    %jit3A_423 = arith.constant 2048 : i32
    %broadcast_in_dim3A_424 = vector.broadcast %jit3A_423 : i32 to vector<256x2048xi32>
    %select_n3A_425 = arith.select %eq3A_422, %iota3A, %broadcast_in_dim3A_424 : vector<256x2048xi1>, vector<256x2048xi32>
    %reduce_min3A_426 = arith.constant dense<2147483647> : vector<256xi32>
    %reduce_min3A_427 = vector.multi_reduction <minsi>, %select_n3A_425, %reduce_min3A_426 [1] : vector<256x2048xi32> to vector<256xi32>
    %broadcast_in_dim3A_428 = vector.shape_cast %reduce_min3A_427 : vector<256xi32> to vector<256x1xi32>
    %eq3A_429 = vector.broadcast %broadcast_in_dim3A_428 : vector<256x1xi32> to vector<256x2048xi32>
    %eq3A_430 = arith.cmpi eq, %iota3A, %eq3A_429 : vector<256x2048xi32>
    %jit3A_431 = arith.constant 0xFF800000 : f32
    %broadcast_in_dim3A_432 = vector.broadcast %jit3A_431 : f32 to vector<256x2048xf32>
    %select_n3A_433 = arith.select %eq3A_430, %broadcast_in_dim3A_432, %get3A_420 : vector<256x2048xi1>, vector<256x2048xf32>
    %swap3A_434 = arith.constant 0 : index
    %swap3A_435 = arith.constant 0 : index
    %swap3A_436 = vector.load %arg5[%swap3A_434, %swap3A_435] : memref<256x2048xf32, #tpu.memory_space<vmem>>, vector<256x2048xf32>
    tpu.vector_store %arg5[%swap3A_434, %swap3A_435], %select_n3A_433 {strides = array<i32>} : memref<256x2048xf32, #tpu.memory_space<vmem>>, vector<256x2048xf32>,
    %reduce_max3A_437 = arith.constant dense<0xFF800000> : vector<256xf32>
    %reduce_max3A_438 = vector.multi_reduction <maximumf>, %select_n3A_433, %reduce_max3A_437 [1] : vector<256x2048xf32> to vector<256xf32>
    %broadcast_in_dim3A_439 = vector.shape_cast %reduce_max3A_438 : vector<256xf32> to vector<256x1xf32>
    %get3A_440 = arith.constant 0 : index
    %get3A_441 = arith.constant 0 : index
    %get3A_442 = vector.load %arg5[%get3A_440, %get3A_441] : memref<256x2048xf32, #tpu.memory_space<vmem>>, vector<256x2048xf32>
    %eq3A_443 = vector.broadcast %broadcast_in_dim3A_439 : vector<256x1xf32> to vector<256x2048xf32>
    %eq3A_444 = arith.cmpf oeq, %get3A_442, %eq3A_443 : vector<256x2048xf32>
    %jit3A_445 = arith.constant 2048 : i32
    %broadcast_in_dim3A_446 = vector.broadcast %jit3A_445 : i32 to vector<256x2048xi32>
    %select_n3A_447 = arith.select %eq3A_444, %iota3A, %broadcast_in_dim3A_446 : vector<256x2048xi1>, vector<256x2048xi32>
    %reduce_min3A_448 = arith.constant dense<2147483647> : vector<256xi32>
    %reduce_min3A_449 = vector.multi_reduction <minsi>, %select_n3A_447, %reduce_min3A_448 [1] : vector<256x2048xi32> to vector<256xi32>
    %broadcast_in_dim3A_450 = vector.shape_cast %reduce_min3A_449 : vector<256xi32> to vector<256x1xi32>
    %concatenate3A = tpu.concatenate %broadcast_in_dim3A_32, %broadcast_in_dim3A_54, %broadcast_in_dim3A_76, %broadcast_in_dim3A_98, %broadcast_in_dim3A_120, %broadcast_in_dim3A_142, %broadcast_in_dim3A_164, %broadcast_in_dim3A_186, %broadcast_in_dim3A_208, %broadcast_in_dim3A_230, %broadcast_in_dim3A_252, %broadcast_in_dim3A_274, %broadcast_in_dim3A_296, %broadcast_in_dim3A_318, %broadcast_in_dim3A_340, %broadcast_in_dim3A_362, %broadcast_in_dim3A_384, %broadcast_in_dim3A_406, %broadcast_in_dim3A_428, %broadcast_in_dim3A_450 in 1 : vector<256x1xi32>, vector<256x1xi32>, vector<256x1xi32>, vector<256x1xi32>, vector<256x1xi32>, vector<256x1xi32>, vector<256x1xi32>, vector<256x1xi32>, vector<256x1xi32>, vector<256x1xi32>, vector<256x1xi32>, vector<256x1xi32>, vector<256x1xi32>, vector<256x1xi32>, vector<256x1xi32>, vector<256x1xi32>, vector<256x1xi32>, vector<256x1xi32>, vector<256x1xi32>, vector<256x1xi32> -> vector<256x20xi32>
    %mul3A_451 = arith.constant 2048 : i32
    %mul3A_452 = arith.muli %arg0, %mul3A_451 : i32
    %add3A = vector.broadcast %mul3A_452 : i32 to vector<256x20xi32>
    %add3A_453 = arith.addi %concatenate3A, %add3A : vector<256x20xi32>
    %swap3A_454 = arith.constant 0 : index
    %swap3A_455 = arith.constant 0 : index
    %swap3A_456 = arith.constant 0 : index
    %swap3A_457 = vector.load %arg4[%swap3A_454, %swap3A_455, %swap3A_456] : memref<1x256x20xi32, #tpu.memory_space<vmem>>, vector<1x256x20xi32>
    %swap3A_458 = vector.shape_cast %swap3A_457 : vector<1x256x20xi32> to vector<256x20xi32>
    %swap3A_459 = vector.shape_cast %add3A_453 : vector<256x20xi32> to vector<1x256x20xi32>
    tpu.vector_store %arg4[%swap3A_454, %swap3A_455, %swap3A_456], %swap3A_459 {strides = array<i32>} : memref<1x256x20xi32, #tpu.memory_space<vmem>>, vector<1x256x20xi32>,
    return
  }
  func.func @transform_0(%arg0: i32, %arg1: i32) -> (i32, i32, i32) {
    %c0_i32 = arith.constant 0 : i32
    %c0_i32_0 = arith.constant 0 : i32
    %c0_i32_1 = arith.constant 0 : i32
    return %arg0, %c0_i32, %c0_i32_0 : i32, i32, i32
  }
  func.func @transform_1(%arg0: i32, %arg1: i32) -> (i32, i32, i32) {
    %c0_i32 = arith.constant 0 : i32
    %c0_i32_0 = arith.constant 0 : i32
    return %arg0, %arg1, %c0_i32 : i32, i32, i32
  }
  func.func @transform_2(%arg0: i32, %arg1: i32) -> (i32, i32, i32) {
    %c0_i32 = arith.constant 0 : i32
    %c0_i32_0 = arith.constant 0 : i32
    return %arg0, %arg1, %c0_i32 : i32, i32, i32
  }
}

module attributes {stable_mosaic.version = 14 : i64} {
  func.func @_econv_body(%arg0: i32, %arg1: memref<2560x128xf32, #tpu.memory_space<vmem>>, %arg2: memref<128x128xf32, #tpu.memory_space<vmem>>, %arg3: memref<128x256xf32, #tpu.memory_space<vmem>>, %arg4: memref<128x256xf32, #tpu.memory_space<vmem>>, %arg5: memref<1x256xf32, #tpu.memory_space<vmem>>, %arg6: memref<1x256xf32, #tpu.memory_space<vmem>>, %arg7: memref<1x256xf32, #tpu.memory_space<vmem>>, %arg8: memref<128x256xf32, #tpu.memory_space<vmem>>, %arg9: memref<1x256xf32, #tpu.memory_space<vmem>>, %arg10: memref<1x256xf32, #tpu.memory_space<vmem>>, %arg11: memref<1x256xf32, #tpu.memory_space<vmem>>, %arg12: memref<1x256xf32, #tpu.memory_space<vmem>>) attributes {dimension_semantics = [#tpu.dimension_semantics<arbitrary>], iteration_bounds = array<i64: 64>, scalar_prefetch = 0 : i64, scratch_operands = 2 : i64, tpu.core_type = #tpu.core_type<tc>, window_params = [{transform_indices = @transform_0, window_bounds = array<i64: 2560, 128>}, {transform_indices = @transform_1, window_bounds = array<i64: 128, 128>}, {pipeline_mode = #tpu.pipeline_mode<synchronous>, transform_indices = @transform_2, window_bounds = array<i64: 128, 256>}, {pipeline_mode = #tpu.pipeline_mode<synchronous>, transform_indices = @transform_3, window_bounds = array<i64: 128, 256>}, {pipeline_mode = #tpu.pipeline_mode<synchronous>, transform_indices = @transform_4, window_bounds = array<i64: 1, 256>}, {pipeline_mode = #tpu.pipeline_mode<synchronous>, transform_indices = @transform_5, window_bounds = array<i64: 1, 256>}, {pipeline_mode = #tpu.pipeline_mode<synchronous>, transform_indices = @transform_6, window_bounds = array<i64: 1, 256>}, {transform_indices = @transform_7, window_bounds = array<i64: 128, 256>}, {pipeline_mode = #tpu.pipeline_mode<synchronous>, transform_indices = @transform_8, window_bounds = array<i64: 1, 256>}, {pipeline_mode = #tpu.pipeline_mode<synchronous>, transform_indices = @transform_9, window_bounds = array<i64: 1, 256>}]} {
    %eq3A = arith.constant 0 : i32
    %eq3A_0 = arith.cmpi eq, %arg0, %eq3A : i32
    %convert_element_type3A = arith.extui %eq3A_0 : i1 to i32
    %cond3A = arith.constant 0 : i32
    %cond3A_1 = arith.cmpi ne, %convert_element_type3A, %cond3A : i32
    scf.if %cond3A_1 {
      %broadcast_in_dim3A_77 = arith.constant 0.000000e+00 : f32
      %broadcast_in_dim3A_78 = vector.broadcast %broadcast_in_dim3A_77 : f32 to vector<1x256xf32>
      %swap3A_79 = arith.constant 0 : index
      %swap3A_80 = arith.constant 0 : index
      %swap3A_81 = vector.load %arg11[%swap3A_79, %swap3A_80] : memref<1x256xf32, #tpu.memory_space<vmem>>, vector<1x256xf32>
      tpu.vector_store %arg11[%swap3A_79, %swap3A_80], %broadcast_in_dim3A_78 {strides = array<i32>} : memref<1x256xf32, #tpu.memory_space<vmem>>, vector<1x256xf32>,
      %broadcast_in_dim3A_82 = arith.constant 0.000000e+00 : f32
      %broadcast_in_dim3A_83 = vector.broadcast %broadcast_in_dim3A_82 : f32 to vector<1x256xf32>
      %swap3A_84 = arith.constant 0 : index
      %swap3A_85 = arith.constant 0 : index
      %swap3A_86 = vector.load %arg12[%swap3A_84, %swap3A_85] : memref<1x256xf32, #tpu.memory_space<vmem>>, vector<1x256xf32>
      tpu.vector_store %arg12[%swap3A_84, %swap3A_85], %broadcast_in_dim3A_83 {strides = array<i32>} : memref<1x256xf32, #tpu.memory_space<vmem>>, vector<1x256xf32>,
    } else {
    }
    %get3A = arith.constant 0 : index
    %get3A_2 = arith.constant 0 : index
    %get3A_3 = vector.load %arg2[%get3A, %get3A_2] : memref<128x128xf32, #tpu.memory_space<vmem>>, vector<128x128xf32>
    %broadcast_in_dim3A = vector.shape_cast %get3A_3 : vector<128x128xf32> to vector<128x1x128xf32>
    %broadcast_in_dim3A_4 = vector.shape_cast %broadcast_in_dim3A : vector<128x1x128xf32> to vector<128x1x128xf32>
    %broadcast_in_dim3A_5 = vector.broadcast %broadcast_in_dim3A_4 : vector<128x1x128xf32> to vector<128x20x128xf32>
    %reshape3A = vector.shape_cast %broadcast_in_dim3A_5 : vector<128x20x128xf32> to vector<2560x128xf32>
    %get3A_6 = arith.constant 0 : index
    %get3A_7 = arith.constant 0 : index
    %get3A_8 = vector.load %arg1[%get3A_6, %get3A_7] : memref<2560x128xf32, #tpu.memory_space<vmem>>, vector<2560x128xf32>
    %sub3A = arith.subf %get3A_8, %reshape3A : vector<2560x128xf32>
    %convert_element_type3A_9 = arith.truncf %sub3A : vector<2560x128xf32> to vector<2560x128xbf16>
    %get3A_10 = arith.constant 0 : index
    %get3A_11 = arith.constant 0 : index
    %get3A_12 = vector.load %arg3[%get3A_10, %get3A_11] : memref<128x256xf32, #tpu.memory_space<vmem>>, vector<128x256xf32>
    %convert_element_type3A_13 = arith.truncf %get3A_12 : vector<128x256xf32> to vector<128x256xbf16>
    %dot_general3A = arith.constant dense<0.000000e+00> : vector<2560x256xf32>
    %dot_general3A_14 = tpu.matmul %convert_element_type3A_9, %convert_element_type3A_13, %dot_general3A {dimension_numbers = #tpu.dot_dimension_numbers<[1], [0], [0], [1], [0, 0, 1, 1], [], []>, transpose_lhs_hint = false} : vector<2560x128xbf16>, vector<128x256xbf16>, vector<2560x256xf32> -> vector<2560x256xf32>
    %convert_element_type3A_15 = arith.truncf %get3A_3 : vector<128x128xf32> to vector<128x128xbf16>
    %get3A_16 = arith.constant 0 : index
    %get3A_17 = arith.constant 0 : index
    %get3A_18 = vector.load %arg4[%get3A_16, %get3A_17] : memref<128x256xf32, #tpu.memory_space<vmem>>, vector<128x256xf32>
    %convert_element_type3A_19 = arith.truncf %get3A_18 : vector<128x256xf32> to vector<128x256xbf16>
    %dot_general3A_20 = arith.constant dense<0.000000e+00> : vector<128x256xf32>
    %dot_general3A_21 = tpu.matmul %convert_element_type3A_15, %convert_element_type3A_19, %dot_general3A_20 {dimension_numbers = #tpu.dot_dimension_numbers<[1], [0], [0], [1], [0, 0, 1, 1], [], []>, transpose_lhs_hint = false} : vector<128x128xbf16>, vector<128x256xbf16>, vector<128x256xf32> -> vector<128x256xf32>
    %get3A_22 = arith.constant 0 : index
    %get3A_23 = arith.constant 0 : index
    %get3A_24 = vector.load %arg5[%get3A_22, %get3A_23] : memref<1x256xf32, #tpu.memory_space<vmem>>, vector<1x256xf32>
    %add3A = vector.broadcast %get3A_24 : vector<1x256xf32> to vector<128x256xf32>
    %add3A_25 = arith.addf %dot_general3A_21, %add3A : vector<128x256xf32>
    %reshape3A_26 = vector.shape_cast %dot_general3A_14 : vector<2560x256xf32> to vector<128x20x256xf32>
    %reduce_sum3A = arith.constant dense<0.000000e+00> : vector<128x256xf32>
    %reduce_sum3A_27 = vector.multi_reduction <add>, %reshape3A_26, %reduce_sum3A [1] : vector<128x20x256xf32> to vector<128x256xf32>
    %reduce_max3A = arith.constant dense<0xFF800000> : vector<128x256xf32>
    %reduce_max3A_28 = vector.multi_reduction <maximumf>, %reshape3A_26, %reduce_max3A [1] : vector<128x20x256xf32> to vector<128x256xf32>
    %add3A_29 = arith.addf %reduce_max3A_28, %add3A_25 : vector<128x256xf32>
    %swap3A = arith.constant 0 : index
    %swap3A_30 = arith.constant 0 : index
    %swap3A_31 = vector.load %arg8[%swap3A, %swap3A_30] : memref<128x256xf32, #tpu.memory_space<vmem>>, vector<128x256xf32>
    tpu.vector_store %arg8[%swap3A, %swap3A_30], %add3A_29 {strides = array<i32>} : memref<128x256xf32, #tpu.memory_space<vmem>>, vector<128x256xf32>,
    %get3A_32 = arith.constant 0 : index
    %get3A_33 = arith.constant 0 : index
    %get3A_34 = vector.load %arg11[%get3A_32, %get3A_33] : memref<1x256xf32, #tpu.memory_space<vmem>>, vector<1x256xf32>
    %reduce_sum3A_35 = arith.constant dense<0.000000e+00> : vector<256xf32>
    %reduce_sum3A_36 = vector.multi_reduction <add>, %reduce_sum3A_27, %reduce_sum3A_35 [0] : vector<128x256xf32> to vector<256xf32>
    %broadcast_in_dim3A_37 = vector.shape_cast %reduce_sum3A_36 : vector<256xf32> to vector<1x256xf32>
    %reduce_sum3A_38 = arith.constant dense<0.000000e+00> : vector<256xf32>
    %reduce_sum3A_39 = vector.multi_reduction <add>, %add3A_25, %reduce_sum3A_38 [0] : vector<128x256xf32> to vector<256xf32>
    %broadcast_in_dim3A_40 = vector.shape_cast %reduce_sum3A_39 : vector<256xf32> to vector<1x256xf32>
    %mul3A = arith.constant 2.000000e+01 : f32
    %mul3A_41 = vector.broadcast %mul3A : f32 to vector<1x256xf32>
    %mul3A_42 = arith.mulf %mul3A_41, %broadcast_in_dim3A_40 : vector<1x256xf32>
    %add3A_43 = arith.addf %broadcast_in_dim3A_37, %mul3A_42 : vector<1x256xf32>
    %add3A_44 = arith.addf %get3A_34, %add3A_43 : vector<1x256xf32>
    %swap3A_45 = arith.constant 0 : index
    %swap3A_46 = arith.constant 0 : index
    %swap3A_47 = vector.load %arg11[%swap3A_45, %swap3A_46] : memref<1x256xf32, #tpu.memory_space<vmem>>, vector<1x256xf32>
    tpu.vector_store %arg11[%swap3A_45, %swap3A_46], %add3A_44 {strides = array<i32>} : memref<1x256xf32, #tpu.memory_space<vmem>>, vector<1x256xf32>,
    %get3A_48 = arith.constant 0 : index
    %get3A_49 = arith.constant 0 : index
    %get3A_50 = vector.load %arg12[%get3A_48, %get3A_49] : memref<1x256xf32, #tpu.memory_space<vmem>>, vector<1x256xf32>
    %mul3A_51 = arith.mulf %dot_general3A_14, %dot_general3A_14 : vector<2560x256xf32>
    %reduce_sum3A_52 = arith.constant dense<0.000000e+00> : vector<256xf32>
    %reduce_sum3A_53 = vector.multi_reduction <add>, %mul3A_51, %reduce_sum3A_52 [0] : vector<2560x256xf32> to vector<256xf32>
    %broadcast_in_dim3A_54 = vector.shape_cast %reduce_sum3A_53 : vector<256xf32> to vector<1x256xf32>
    %mul3A_55 = arith.constant 2.000000e+00 : f32
    %mul3A_56 = vector.broadcast %mul3A_55 : f32 to vector<128x256xf32>
    %mul3A_57 = arith.mulf %mul3A_56, %reduce_sum3A_27 : vector<128x256xf32>
    %mul3A_58 = arith.mulf %mul3A_57, %add3A_25 : vector<128x256xf32>
    %mul3A_59 = arith.mulf %add3A_25, %add3A_25 : vector<128x256xf32>
    %mul3A_60 = arith.constant 2.000000e+01 : f32
    %mul3A_61 = vector.broadcast %mul3A_60 : f32 to vector<128x256xf32>
    %mul3A_62 = arith.mulf %mul3A_61, %mul3A_59 : vector<128x256xf32>
    %add3A_63 = arith.addf %mul3A_58, %mul3A_62 : vector<128x256xf32>
    %reduce_sum3A_64 = arith.constant dense<0.000000e+00> : vector<256xf32>
    %reduce_sum3A_65 = vector.multi_reduction <add>, %add3A_63, %reduce_sum3A_64 [0] : vector<128x256xf32> to vector<256xf32>
    %broadcast_in_dim3A_66 = vector.shape_cast %reduce_sum3A_65 : vector<256xf32> to vector<1x256xf32>
    %add3A_67 = arith.addf %broadcast_in_dim3A_54, %broadcast_in_dim3A_66 : vector<1x256xf32>
    %add3A_68 = arith.addf %get3A_50, %add3A_67 : vector<1x256xf32>
    %swap3A_69 = arith.constant 0 : index
    %swap3A_70 = arith.constant 0 : index
    %swap3A_71 = vector.load %arg12[%swap3A_69, %swap3A_70] : memref<1x256xf32, #tpu.memory_space<vmem>>, vector<1x256xf32>
    tpu.vector_store %arg12[%swap3A_69, %swap3A_70], %add3A_68 {strides = array<i32>} : memref<1x256xf32, #tpu.memory_space<vmem>>, vector<1x256xf32>,
    %eq3A_72 = arith.constant 63 : i32
    %eq3A_73 = arith.cmpi eq, %arg0, %eq3A_72 : i32
    %convert_element_type3A_74 = arith.extui %eq3A_73 : i1 to i32
    %cond3A_75 = arith.constant 0 : i32
    %cond3A_76 = arith.cmpi ne, %convert_element_type3A_74, %cond3A_75 : i32
    scf.if %cond3A_76 {
      %get3A_77 = arith.constant 0 : index
      %get3A_78 = arith.constant 0 : index
      %get3A_79 = vector.load %arg11[%get3A_77, %get3A_78] : memref<1x256xf32, #tpu.memory_space<vmem>>, vector<1x256xf32>
      %div3A = arith.constant 1.638400e+05 : f32
      %div3A_80 = vector.broadcast %div3A : f32 to vector<1x256xf32>
      %div3A_81 = arith.divf %get3A_79, %div3A_80 : vector<1x256xf32>
      %get3A_82 = arith.constant 0 : index
      %get3A_83 = arith.constant 0 : index
      %get3A_84 = vector.load %arg12[%get3A_82, %get3A_83] : memref<1x256xf32, #tpu.memory_space<vmem>>, vector<1x256xf32>
      %div3A_85 = arith.constant 1.638400e+05 : f32
      %div3A_86 = vector.broadcast %div3A_85 : f32 to vector<1x256xf32>
      %div3A_87 = arith.divf %get3A_84, %div3A_86 : vector<1x256xf32>
      %mul3A_88 = arith.mulf %div3A_81, %div3A_81 : vector<1x256xf32>
      %sub3A_89 = arith.subf %div3A_87, %mul3A_88 : vector<1x256xf32>
      %get3A_90 = arith.constant 0 : index
      %get3A_91 = arith.constant 0 : index
      %get3A_92 = vector.load %arg6[%get3A_90, %get3A_91] : memref<1x256xf32, #tpu.memory_space<vmem>>, vector<1x256xf32>
      %add3A_93 = arith.constant 9.99999974E-6 : f32
      %add3A_94 = vector.broadcast %add3A_93 : f32 to vector<1x256xf32>
      %add3A_95 = arith.addf %sub3A_89, %add3A_94 : vector<1x256xf32>
      %rsqrt3A = math.rsqrt %add3A_95 : vector<1x256xf32>
      %mul3A_96 = arith.mulf %get3A_92, %rsqrt3A : vector<1x256xf32>
      %swap3A_97 = arith.constant 0 : index
      %swap3A_98 = arith.constant 0 : index
      %swap3A_99 = vector.load %arg9[%swap3A_97, %swap3A_98] : memref<1x256xf32, #tpu.memory_space<vmem>>, vector<1x256xf32>
      tpu.vector_store %arg9[%swap3A_97, %swap3A_98], %mul3A_96 {strides = array<i32>} : memref<1x256xf32, #tpu.memory_space<vmem>>, vector<1x256xf32>,
      %get3A_100 = arith.constant 0 : index
      %get3A_101 = arith.constant 0 : index
      %get3A_102 = vector.load %arg7[%get3A_100, %get3A_101] : memref<1x256xf32, #tpu.memory_space<vmem>>, vector<1x256xf32>
      %mul3A_103 = arith.mulf %div3A_81, %mul3A_96 : vector<1x256xf32>
      %sub3A_104 = arith.subf %get3A_102, %mul3A_103 : vector<1x256xf32>
      %swap3A_105 = arith.constant 0 : index
      %swap3A_106 = arith.constant 0 : index
      %swap3A_107 = vector.load %arg10[%swap3A_105, %swap3A_106] : memref<1x256xf32, #tpu.memory_space<vmem>>, vector<1x256xf32>
      tpu.vector_store %arg10[%swap3A_105, %swap3A_106], %sub3A_104 {strides = array<i32>} : memref<1x256xf32, #tpu.memory_space<vmem>>, vector<1x256xf32>,
    } else {
    }
    return
  }
  func.func @transform_0(%arg0: i32) -> (i32, i32) {
    %c0_i32 = arith.constant 0 : i32
    %c0_i32_0 = arith.constant 0 : i32
    return %arg0, %c0_i32 : i32, i32
  }
  func.func @transform_1(%arg0: i32) -> (i32, i32) {
    %c0_i32 = arith.constant 0 : i32
    %c0_i32_0 = arith.constant 0 : i32
    return %arg0, %c0_i32 : i32, i32
  }
  func.func @transform_2(%arg0: i32) -> (i32, i32) {
    %c0_i32 = arith.constant 0 : i32
    %c0_i32_0 = arith.constant 0 : i32
    %c0_i32_1 = arith.constant 0 : i32
    return %c0_i32, %c0_i32_0 : i32, i32
  }
  func.func @transform_3(%arg0: i32) -> (i32, i32) {
    %c0_i32 = arith.constant 0 : i32
    %c0_i32_0 = arith.constant 0 : i32
    %c0_i32_1 = arith.constant 0 : i32
    return %c0_i32, %c0_i32_0 : i32, i32
  }
  func.func @transform_4(%arg0: i32) -> (i32, i32) {
    %c0_i32 = arith.constant 0 : i32
    %c0_i32_0 = arith.constant 0 : i32
    %c0_i32_1 = arith.constant 0 : i32
    return %c0_i32, %c0_i32_0 : i32, i32
  }
  func.func @transform_5(%arg0: i32) -> (i32, i32) {
    %c0_i32 = arith.constant 0 : i32
    %c0_i32_0 = arith.constant 0 : i32
    %c0_i32_1 = arith.constant 0 : i32
    return %c0_i32, %c0_i32_0 : i32, i32
  }
  func.func @transform_6(%arg0: i32) -> (i32, i32) {
    %c0_i32 = arith.constant 0 : i32
    %c0_i32_0 = arith.constant 0 : i32
    %c0_i32_1 = arith.constant 0 : i32
    return %c0_i32, %c0_i32_0 : i32, i32
  }
  func.func @transform_7(%arg0: i32) -> (i32, i32) {
    %c0_i32 = arith.constant 0 : i32
    %c0_i32_0 = arith.constant 0 : i32
    return %arg0, %c0_i32 : i32, i32
  }
  func.func @transform_8(%arg0: i32) -> (i32, i32) {
    %c0_i32 = arith.constant 0 : i32
    %c0_i32_0 = arith.constant 0 : i32
    %c0_i32_1 = arith.constant 0 : i32
    return %c0_i32, %c0_i32_0 : i32, i32
  }
  func.func @transform_9(%arg0: i32) -> (i32, i32) {
    %c0_i32 = arith.constant 0 : i32
    %c0_i32_0 = arith.constant 0 : i32
    %c0_i32_1 = arith.constant 0 : i32
    return %c0_i32, %c0_i32_0 : i32, i32
  }
}

module attributes {stable_mosaic.version = 14 : i64} {
  func.func @_normalize_body(%arg0: i32, %arg1: memref<1024x256xf32, #tpu.memory_space<vmem>>, %arg2: memref<1x256xf32, #tpu.memory_space<vmem>>, %arg3: memref<1x256xf32, #tpu.memory_space<vmem>>, %arg4: memref<1024x256xf32, #tpu.memory_space<vmem>>) attributes {dimension_semantics = [#tpu.dimension_semantics<arbitrary>], iteration_bounds = array<i64: 8>, scalar_prefetch = 0 : i64, scratch_operands = 0 : i64, tpu.core_type = #tpu.core_type<tc>, window_params = [{transform_indices = @transform_0, window_bounds = array<i64: 1024, 256>}, {pipeline_mode = #tpu.pipeline_mode<synchronous>, transform_indices = @transform_1, window_bounds = array<i64: 1, 256>}, {pipeline_mode = #tpu.pipeline_mode<synchronous>, transform_indices = @transform_2, window_bounds = array<i64: 1, 256>}, {transform_indices = @transform_3, window_bounds = array<i64: 1024, 256>}]} {
    %get3A = arith.constant 0 : index
    %get3A_0 = arith.constant 0 : index
    %get3A_1 = vector.load %arg1[%get3A, %get3A_0] : memref<1024x256xf32, #tpu.memory_space<vmem>>, vector<1024x256xf32>
    %get3A_2 = arith.constant 0 : index
    %get3A_3 = arith.constant 0 : index
    %get3A_4 = vector.load %arg2[%get3A_2, %get3A_3] : memref<1x256xf32, #tpu.memory_space<vmem>>, vector<1x256xf32>
    %mul3A = vector.broadcast %get3A_4 : vector<1x256xf32> to vector<1024x256xf32>
    %mul3A_5 = arith.mulf %get3A_1, %mul3A : vector<1024x256xf32>
    %get3A_6 = arith.constant 0 : index
    %get3A_7 = arith.constant 0 : index
    %get3A_8 = vector.load %arg3[%get3A_6, %get3A_7] : memref<1x256xf32, #tpu.memory_space<vmem>>, vector<1x256xf32>
    %add3A = vector.broadcast %get3A_8 : vector<1x256xf32> to vector<1024x256xf32>
    %add3A_9 = arith.addf %mul3A_5, %add3A : vector<1024x256xf32>
    %max3A = arith.constant 0.000000e+00 : f32
    %max3A_10 = vector.broadcast %max3A : f32 to vector<1024x256xf32>
    %max3A_11 = arith.maximumf %add3A_9, %max3A_10 : vector<1024x256xf32>
    %swap3A = arith.constant 0 : index
    %swap3A_12 = arith.constant 0 : index
    %swap3A_13 = vector.load %arg4[%swap3A, %swap3A_12] : memref<1024x256xf32, #tpu.memory_space<vmem>>, vector<1024x256xf32>
    tpu.vector_store %arg4[%swap3A, %swap3A_12], %max3A_11 {strides = array<i32>} : memref<1024x256xf32, #tpu.memory_space<vmem>>, vector<1024x256xf32>,
    return
  }
  func.func @transform_0(%arg0: i32) -> (i32, i32) {
    %c0_i32 = arith.constant 0 : i32
    %c0_i32_0 = arith.constant 0 : i32
    return %arg0, %c0_i32 : i32, i32
  }
  func.func @transform_1(%arg0: i32) -> (i32, i32) {
    %c0_i32 = arith.constant 0 : i32
    %c0_i32_0 = arith.constant 0 : i32
    %c0_i32_1 = arith.constant 0 : i32
    return %c0_i32, %c0_i32_0 : i32, i32
  }
  func.func @transform_2(%arg0: i32) -> (i32, i32) {
    %c0_i32 = arith.constant 0 : i32
    %c0_i32_0 = arith.constant 0 : i32
    %c0_i32_1 = arith.constant 0 : i32
    return %c0_i32, %c0_i32_0 : i32, i32
  }
  func.func @transform_3(%arg0: i32) -> (i32, i32) {
    %c0_i32 = arith.constant 0 : i32
    %c0_i32_0 = arith.constant 0 : i32
    return %arg0, %c0_i32 : i32, i32
  }
}

module attributes {stable_mosaic.version = 14 : i64} {
  func.func @_final_body(%arg0: i32, %arg1: i32, %arg2: memref<1x512x128xf32, #tpu.memory_space<vmem>>, %arg3: memref<1x512x128xf32, #tpu.memory_space<vmem>>, %arg4: memref<1x512x256xf32, #tpu.memory_space<vmem>>, %arg5: memref<128x512xf32, #tpu.memory_space<vmem>>, %arg6: memref<128x512xf32, #tpu.memory_space<vmem>>, %arg7: memref<256x512xf32, #tpu.memory_space<vmem>>, %arg8: memref<1x512xf32, #tpu.memory_space<vmem>>, %arg9: memref<1x512xf32, #tpu.memory_space<vmem>>, %arg10: memref<1x512xf32, #tpu.memory_space<vmem>>, %arg11: memref<4x512xf32, #tpu.memory_space<vmem>>, %arg12: memref<1x512xf32, #tpu.memory_space<vmem>>, %arg13: memref<1x512xf32, #tpu.memory_space<vmem>>, %arg14: memref<4x512xf32, #tpu.memory_space<vmem>>) attributes {dimension_semantics = [#tpu.dimension_semantics<arbitrary>, #tpu.dimension_semantics<arbitrary>], iteration_bounds = array<i64: 4, 4>, scalar_prefetch = 0 : i64, scratch_operands = 3 : i64, tpu.core_type = #tpu.core_type<tc>, window_params = [{transform_indices = @transform_0, window_bounds = array<i64: 1, 512, 128>}, {transform_indices = @transform_1, window_bounds = array<i64: 1, 512, 128>}, {transform_indices = @transform_2, window_bounds = array<i64: 1, 512, 256>}, {pipeline_mode = #tpu.pipeline_mode<synchronous>, transform_indices = @transform_3, window_bounds = array<i64: 128, 512>}, {pipeline_mode = #tpu.pipeline_mode<synchronous>, transform_indices = @transform_4, window_bounds = array<i64: 128, 512>}, {pipeline_mode = #tpu.pipeline_mode<synchronous>, transform_indices = @transform_5, window_bounds = array<i64: 256, 512>}, {pipeline_mode = #tpu.pipeline_mode<synchronous>, transform_indices = @transform_6, window_bounds = array<i64: 1, 512>}, {pipeline_mode = #tpu.pipeline_mode<synchronous>, transform_indices = @transform_7, window_bounds = array<i64: 1, 512>}, {pipeline_mode = #tpu.pipeline_mode<synchronous>, transform_indices = @transform_8, window_bounds = array<i64: 1, 512>}, {pipeline_mode = #tpu.pipeline_mode<synchronous>, transform_indices = @transform_9, window_bounds = array<i64: 4, 512>}]} {
    %eq3A = arith.constant 0 : i32
    %eq3A_0 = arith.cmpi eq, %arg0, %eq3A : i32
    %eq3A_1 = arith.constant 0 : i32
    %eq3A_2 = arith.cmpi eq, %arg1, %eq3A_1 : i32
    %and3A = arith.andi %eq3A_0, %eq3A_2 : i1
    %convert_element_type3A = arith.extui %and3A : i1 to i32
    %cond3A = arith.constant 0 : i32
    %cond3A_3 = arith.cmpi ne, %convert_element_type3A, %cond3A : i32
    scf.if %cond3A_3 {
      %broadcast_in_dim3A_77 = arith.constant 0.000000e+00 : f32
      %broadcast_in_dim3A_78 = vector.broadcast %broadcast_in_dim3A_77 : f32 to vector<1x512xf32>
      %swap3A_79 = arith.constant 0 : index
      %swap3A_80 = arith.constant 0 : index
      %swap3A_81 = vector.load %arg12[%swap3A_79, %swap3A_80] : memref<1x512xf32, #tpu.memory_space<vmem>>, vector<1x512xf32>
      tpu.vector_store %arg12[%swap3A_79, %swap3A_80], %broadcast_in_dim3A_78 {strides = array<i32>} : memref<1x512xf32, #tpu.memory_space<vmem>>, vector<1x512xf32>,
      %broadcast_in_dim3A_82 = arith.constant 0.000000e+00 : f32
      %broadcast_in_dim3A_83 = vector.broadcast %broadcast_in_dim3A_82 : f32 to vector<1x512xf32>
      %swap3A_84 = arith.constant 0 : index
      %swap3A_85 = arith.constant 0 : index
      %swap3A_86 = vector.load %arg13[%swap3A_84, %swap3A_85] : memref<1x512xf32, #tpu.memory_space<vmem>>, vector<1x512xf32>
      tpu.vector_store %arg13[%swap3A_84, %swap3A_85], %broadcast_in_dim3A_83 {strides = array<i32>} : memref<1x512xf32, #tpu.memory_space<vmem>>, vector<1x512xf32>,
      %broadcast_in_dim3A_87 = arith.constant 0xFF800000 : f32
      %broadcast_in_dim3A_88 = vector.broadcast %broadcast_in_dim3A_87 : f32 to vector<4x512xf32>
      %swap3A_89 = arith.constant 0 : index
      %swap3A_90 = arith.constant 0 : index
      %swap3A_91 = vector.load %arg14[%swap3A_89, %swap3A_90] : memref<4x512xf32, #tpu.memory_space<vmem>>, vector<4x512xf32>
      tpu.vector_store %arg14[%swap3A_89, %swap3A_90], %broadcast_in_dim3A_88 {strides = array<i32>} : memref<4x512xf32, #tpu.memory_space<vmem>>, vector<4x512xf32>,
    } else {
    }
    %get3A = arith.constant 0 : index
    %get3A_4 = arith.constant 0 : index
    %get3A_5 = arith.constant 0 : index
    %get3A_6 = vector.load %arg2[%get3A, %get3A_4, %get3A_5] : memref<1x512x128xf32, #tpu.memory_space<vmem>>, vector<1x512x128xf32>
    %get3A_7 = vector.shape_cast %get3A_6 : vector<1x512x128xf32> to vector<512x128xf32>
    %convert_element_type3A_8 = arith.truncf %get3A_7 : vector<512x128xf32> to vector<512x128xbf16>
    %get3A_9 = arith.constant 0 : index
    %get3A_10 = arith.constant 0 : index
    %get3A_11 = vector.load %arg5[%get3A_9, %get3A_10] : memref<128x512xf32, #tpu.memory_space<vmem>>, vector<128x512xf32>
    %convert_element_type3A_12 = arith.truncf %get3A_11 : vector<128x512xf32> to vector<128x512xbf16>
    %dot_general3A = arith.constant dense<0.000000e+00> : vector<512x512xf32>
    %dot_general3A_13 = tpu.matmul %convert_element_type3A_8, %convert_element_type3A_12, %dot_general3A {dimension_numbers = #tpu.dot_dimension_numbers<[1], [0], [0], [1], [0, 0, 1, 1], [], []>, transpose_lhs_hint = false} : vector<512x128xbf16>, vector<128x512xbf16>, vector<512x512xf32> -> vector<512x512xf32>
    %get3A_14 = arith.constant 0 : index
    %get3A_15 = arith.constant 0 : index
    %get3A_16 = arith.constant 0 : index
    %get3A_17 = vector.load %arg3[%get3A_14, %get3A_15, %get3A_16] : memref<1x512x128xf32, #tpu.memory_space<vmem>>, vector<1x512x128xf32>
    %get3A_18 = vector.shape_cast %get3A_17 : vector<1x512x128xf32> to vector<512x128xf32>
    %convert_element_type3A_19 = arith.truncf %get3A_18 : vector<512x128xf32> to vector<512x128xbf16>
    %get3A_20 = arith.constant 0 : index
    %get3A_21 = arith.constant 0 : index
    %get3A_22 = vector.load %arg6[%get3A_20, %get3A_21] : memref<128x512xf32, #tpu.memory_space<vmem>>, vector<128x512xf32>
    %convert_element_type3A_23 = arith.truncf %get3A_22 : vector<128x512xf32> to vector<128x512xbf16>
    %dot_general3A_24 = arith.constant dense<0.000000e+00> : vector<512x512xf32>
    %dot_general3A_25 = tpu.matmul %convert_element_type3A_19, %convert_element_type3A_23, %dot_general3A_24 {dimension_numbers = #tpu.dot_dimension_numbers<[1], [0], [0], [1], [0, 0, 1, 1], [], []>, transpose_lhs_hint = false} : vector<512x128xbf16>, vector<128x512xbf16>, vector<512x512xf32> -> vector<512x512xf32>
    %add3A = arith.addf %dot_general3A_13, %dot_general3A_25 : vector<512x512xf32>
    %get3A_26 = arith.constant 0 : index
    %get3A_27 = arith.constant 0 : index
    %get3A_28 = arith.constant 0 : index
    %get3A_29 = vector.load %arg4[%get3A_26, %get3A_27, %get3A_28] : memref<1x512x256xf32, #tpu.memory_space<vmem>>, vector<1x512x256xf32>
    %get3A_30 = vector.shape_cast %get3A_29 : vector<1x512x256xf32> to vector<512x256xf32>
    %convert_element_type3A_31 = arith.truncf %get3A_30 : vector<512x256xf32> to vector<512x256xbf16>
    %get3A_32 = arith.constant 0 : index
    %get3A_33 = arith.constant 0 : index
    %get3A_34 = vector.load %arg7[%get3A_32, %get3A_33] : memref<256x512xf32, #tpu.memory_space<vmem>>, vector<256x512xf32>
    %convert_element_type3A_35 = arith.truncf %get3A_34 : vector<256x512xf32> to vector<256x512xbf16>
    %dot_general3A_36 = arith.constant dense<0.000000e+00> : vector<512x512xf32>
    %dot_general3A_37 = tpu.matmul %convert_element_type3A_31, %convert_element_type3A_35, %dot_general3A_36 {dimension_numbers = #tpu.dot_dimension_numbers<[1], [0], [0], [1], [0, 0, 1, 1], [], []>, transpose_lhs_hint = false} : vector<512x256xbf16>, vector<256x512xbf16>, vector<512x512xf32> -> vector<512x512xf32>
    %add3A_38 = arith.addf %add3A, %dot_general3A_37 : vector<512x512xf32>
    %get3A_39 = arith.constant 0 : index
    %get3A_40 = arith.constant 0 : index
    %get3A_41 = vector.load %arg8[%get3A_39, %get3A_40] : memref<1x512xf32, #tpu.memory_space<vmem>>, vector<1x512xf32>
    %add3A_42 = vector.broadcast %get3A_41 : vector<1x512xf32> to vector<512x512xf32>
    %add3A_43 = arith.addf %add3A_38, %add3A_42 : vector<512x512xf32>
    %get3A_44 = arith.constant 0 : index
    %get3A_45 = arith.constant 0 : index
    %get3A_46 = vector.load %arg12[%get3A_44, %get3A_45] : memref<1x512xf32, #tpu.memory_space<vmem>>, vector<1x512xf32>
    %reduce_sum3A = arith.constant dense<0.000000e+00> : vector<512xf32>
    %reduce_sum3A_47 = vector.multi_reduction <add>, %add3A_43, %reduce_sum3A [0] : vector<512x512xf32> to vector<512xf32>
    %broadcast_in_dim3A = vector.shape_cast %reduce_sum3A_47 : vector<512xf32> to vector<1x512xf32>
    %add3A_48 = arith.addf %get3A_46, %broadcast_in_dim3A : vector<1x512xf32>
    %swap3A = arith.constant 0 : index
    %swap3A_49 = arith.constant 0 : index
    %swap3A_50 = vector.load %arg12[%swap3A, %swap3A_49] : memref<1x512xf32, #tpu.memory_space<vmem>>, vector<1x512xf32>
    tpu.vector_store %arg12[%swap3A, %swap3A_49], %add3A_48 {strides = array<i32>} : memref<1x512xf32, #tpu.memory_space<vmem>>, vector<1x512xf32>,
    %get3A_51 = arith.constant 0 : index
    %get3A_52 = arith.constant 0 : index
    %get3A_53 = vector.load %arg13[%get3A_51, %get3A_52] : memref<1x512xf32, #tpu.memory_space<vmem>>, vector<1x512xf32>
    %mul3A = arith.mulf %add3A_43, %add3A_43 : vector<512x512xf32>
    %reduce_sum3A_54 = arith.constant dense<0.000000e+00> : vector<512xf32>
    %reduce_sum3A_55 = vector.multi_reduction <add>, %mul3A, %reduce_sum3A_54 [0] : vector<512x512xf32> to vector<512xf32>
    %broadcast_in_dim3A_56 = vector.shape_cast %reduce_sum3A_55 : vector<512xf32> to vector<1x512xf32>
    %add3A_57 = arith.addf %get3A_53, %broadcast_in_dim3A_56 : vector<1x512xf32>
    %swap3A_58 = arith.constant 0 : index
    %swap3A_59 = arith.constant 0 : index
    %swap3A_60 = vector.load %arg13[%swap3A_58, %swap3A_59] : memref<1x512xf32, #tpu.memory_space<vmem>>, vector<1x512xf32>
    tpu.vector_store %arg13[%swap3A_58, %swap3A_59], %add3A_57 {strides = array<i32>} : memref<1x512xf32, #tpu.memory_space<vmem>>, vector<1x512xf32>,
    %get3A_61 = arith.index_cast %arg0 : i32 to index
    %get3A_62 = arith.constant 0 : index
    %get3A_63 = vector.load %arg14[%get3A_61, %get3A_62] : memref<4x512xf32, #tpu.memory_space<vmem>>, vector<1x512xf32>
    %reduce_max3A = arith.constant dense<0xFF800000> : vector<512xf32>
    %reduce_max3A_64 = vector.multi_reduction <maximumf>, %add3A_43, %reduce_max3A [0] : vector<512x512xf32> to vector<512xf32>
    %broadcast_in_dim3A_65 = vector.shape_cast %reduce_max3A_64 : vector<512xf32> to vector<1x512xf32>
    %max3A = arith.maximumf %get3A_63, %broadcast_in_dim3A_65 : vector<1x512xf32>
    %swap3A_66 = arith.index_cast %arg0 : i32 to index
    %swap3A_67 = arith.constant 0 : index
    %swap3A_68 = vector.load %arg14[%swap3A_66, %swap3A_67] : memref<4x512xf32, #tpu.memory_space<vmem>>, vector<1x512xf32>
    tpu.vector_store %arg14[%swap3A_66, %swap3A_67], %max3A {strides = array<i32>} : memref<4x512xf32, #tpu.memory_space<vmem>>, vector<1x512xf32>,
    %eq3A_69 = arith.constant 3 : i32
    %eq3A_70 = arith.cmpi eq, %arg0, %eq3A_69 : i32
    %eq3A_71 = arith.constant 3 : i32
    %eq3A_72 = arith.cmpi eq, %arg1, %eq3A_71 : i32
    %and3A_73 = arith.andi %eq3A_70, %eq3A_72 : i1
    %convert_element_type3A_74 = arith.extui %and3A_73 : i1 to i32
    %cond3A_75 = arith.constant 0 : i32
    %cond3A_76 = arith.cmpi ne, %convert_element_type3A_74, %cond3A_75 : i32
    scf.if %cond3A_76 {
      %get3A_77 = arith.constant 0 : index
      %get3A_78 = arith.constant 0 : index
      %get3A_79 = vector.load %arg12[%get3A_77, %get3A_78] : memref<1x512xf32, #tpu.memory_space<vmem>>, vector<1x512xf32>
      %div3A = arith.constant 8.192000e+03 : f32
      %div3A_80 = vector.broadcast %div3A : f32 to vector<1x512xf32>
      %div3A_81 = arith.divf %get3A_79, %div3A_80 : vector<1x512xf32>
      %get3A_82 = arith.constant 0 : index
      %get3A_83 = arith.constant 0 : index
      %get3A_84 = vector.load %arg13[%get3A_82, %get3A_83] : memref<1x512xf32, #tpu.memory_space<vmem>>, vector<1x512xf32>
      %div3A_85 = arith.constant 8.192000e+03 : f32
      %div3A_86 = vector.broadcast %div3A_85 : f32 to vector<1x512xf32>
      %div3A_87 = arith.divf %get3A_84, %div3A_86 : vector<1x512xf32>
      %mul3A_88 = arith.mulf %div3A_81, %div3A_81 : vector<1x512xf32>
      %sub3A = arith.subf %div3A_87, %mul3A_88 : vector<1x512xf32>
      %get3A_89 = arith.constant 0 : index
      %get3A_90 = arith.constant 0 : index
      %get3A_91 = vector.load %arg9[%get3A_89, %get3A_90] : memref<1x512xf32, #tpu.memory_space<vmem>>, vector<1x512xf32>
      %add3A_92 = arith.constant 9.99999974E-6 : f32
      %add3A_93 = vector.broadcast %add3A_92 : f32 to vector<1x512xf32>
      %add3A_94 = arith.addf %sub3A, %add3A_93 : vector<1x512xf32>
      %rsqrt3A = math.rsqrt %add3A_94 : vector<1x512xf32>
      %mul3A_95 = arith.mulf %get3A_91, %rsqrt3A : vector<1x512xf32>
      %get3A_96 = arith.constant 0 : index
      %get3A_97 = arith.constant 0 : index
      %get3A_98 = vector.load %arg10[%get3A_96, %get3A_97] : memref<1x512xf32, #tpu.memory_space<vmem>>, vector<1x512xf32>
      %mul3A_99 = arith.mulf %div3A_81, %mul3A_95 : vector<1x512xf32>
      %sub3A_100 = arith.subf %get3A_98, %mul3A_99 : vector<1x512xf32>
      %get3A_101 = arith.constant 0 : index
      %get3A_102 = arith.constant 0 : index
      %get3A_103 = vector.load %arg14[%get3A_101, %get3A_102] : memref<4x512xf32, #tpu.memory_space<vmem>>, vector<4x512xf32>
      %mul3A_104 = vector.broadcast %mul3A_95 : vector<1x512xf32> to vector<4x512xf32>
      %mul3A_105 = arith.mulf %get3A_103, %mul3A_104 : vector<4x512xf32>
      %add3A_106 = vector.broadcast %sub3A_100 : vector<1x512xf32> to vector<4x512xf32>
      %add3A_107 = arith.addf %mul3A_105, %add3A_106 : vector<4x512xf32>
      %max3A_108 = arith.constant 0.000000e+00 : f32
      %max3A_109 = vector.broadcast %max3A_108 : f32 to vector<4x512xf32>
      %max3A_110 = arith.maximumf %add3A_107, %max3A_109 : vector<4x512xf32>
      %swap3A_111 = arith.constant 0 : index
      %swap3A_112 = arith.constant 0 : index
      %swap3A_113 = vector.load %arg11[%swap3A_111, %swap3A_112] : memref<4x512xf32, #tpu.memory_space<vmem>>, vector<4x512xf32>
      tpu.vector_store %arg11[%swap3A_111, %swap3A_112], %max3A_110 {strides = array<i32>} : memref<4x512xf32, #tpu.memory_space<vmem>>, vector<4x512xf32>,
    } else {
    }
    return
  }
  func.func @transform_0(%arg0: i32, %arg1: i32) -> (i32, i32, i32) {
    %c0_i32 = arith.constant 0 : i32
    %c0_i32_0 = arith.constant 0 : i32
    return %arg0, %arg1, %c0_i32 : i32, i32, i32
  }
  func.func @transform_1(%arg0: i32, %arg1: i32) -> (i32, i32, i32) {
    %c0_i32 = arith.constant 0 : i32
    %c0_i32_0 = arith.constant 0 : i32
    return %arg0, %arg1, %c0_i32 : i32, i32, i32
  }
  func.func @transform_2(%arg0: i32, %arg1: i32) -> (i32, i32, i32) {
    %c0_i32 = arith.constant 0 : i32
    %c0_i32_0 = arith.constant 0 : i32
    return %arg0, %arg1, %c0_i32 : i32, i32, i32
  }
  func.func @transform_3(%arg0: i32, %arg1: i32) -> (i32, i32) {
    %c0_i32 = arith.constant 0 : i32
    %c0_i32_0 = arith.constant 0 : i32
    %c0_i32_1 = arith.constant 0 : i32
    return %c0_i32, %c0_i32_0 : i32, i32
  }
  func.func @transform_4(%arg0: i32, %arg1: i32) -> (i32, i32) {
    %c0_i32 = arith.constant 0 : i32
    %c0_i32_0 = arith.constant 0 : i32
    %c0_i32_1 = arith.constant 0 : i32
    return %c0_i32, %c0_i32_0 : i32, i32
  }
  func.func @transform_5(%arg0: i32, %arg1: i32) -> (i32, i32) {
    %c0_i32 = arith.constant 0 : i32
    %c0_i32_0 = arith.constant 0 : i32
    %c0_i32_1 = arith.constant 0 : i32
    return %c0_i32, %c0_i32_0 : i32, i32
  }
  func.func @transform_6(%arg0: i32, %arg1: i32) -> (i32, i32) {
    %c0_i32 = arith.constant 0 : i32
    %c0_i32_0 = arith.constant 0 : i32
    %c0_i32_1 = arith.constant 0 : i32
    return %c0_i32, %c0_i32_0 : i32, i32
  }
  func.func @transform_7(%arg0: i32, %arg1: i32) -> (i32, i32) {
    %c0_i32 = arith.constant 0 : i32
    %c0_i32_0 = arith.constant 0 : i32
    %c0_i32_1 = arith.constant 0 : i32
    return %c0_i32, %c0_i32_0 : i32, i32
  }
  func.func @transform_8(%arg0: i32, %arg1: i32) -> (i32, i32) {
    %c0_i32 = arith.constant 0 : i32
    %c0_i32_0 = arith.constant 0 : i32
    %c0_i32_1 = arith.constant 0 : i32
    return %c0_i32, %c0_i32_0 : i32, i32
  }
  func.func @transform_9(%arg0: i32, %arg1: i32) -> (i32, i32) {
    %c0_i32 = arith.constant 0 : i32
    %c0_i32_0 = arith.constant 0 : i32
    %c0_i32_1 = arith.constant 0 : i32
    return %c0_i32, %c0_i32_0 : i32, i32
  }
}

</mosaic_0001>

<sc_bundles>
// kernel: kernel.15.cloned.1.call-start
scs
__scs_entry_jumppad:
0x0: {  	(pc) =	sbr.rel $0x88, $3  }
0x1: {  	(tag) =	ssettag $0x0;
	lr =	simm.s32 $0x1  }
0x2: {  	[smem:$0x3F90] =	sst lr;
	_ =	strace $0xD0000000  }
0x3: {  	_ = 	snop  }
0x4: {  	_ = 	snop  }
0x5: {  	_ = 	snop  }
0x6: {  	_ = 	snop  }
0x7: {  	_ = 	snop  }
__scs_overlays_trampoline_lowered:
0x8: {  	[smem:$0x3F9F] =	sst s0  }
0x9: {  	[smem:$0x3FA0] =	sst s1  }
0xa: {  	[smem:$0x3FA1] =	sst s2  }
0xb: {  	[smem:$0x3FA2] =	sst s3  }
0xc: {  	[smem:$0x3FA3] =	sst s4  }
0xd: {  	[smem:$0x3FA4] =	sst s5  }
0xe: {  	[smem:$0x3FA5] =	sst s6  }
0xf: {  	[smem:$0x3FA6] =	sst s7  }
0x10: {  	[smem:$0x3FA7] =	sst s8  }
0x11: {  	[smem:$0x3FA8] =	sst s9;
	s0 =	simm.s32 @!p0 $0x0  }
0x12: {  	s1 =	sld [smem:$0x3F8E];
	s0 =	simm.s32 @p0 $0x1  }
0x13: {  	[smem:$0x3FA9] =	sst s0;
	s0 =	simm.s32 @!p1 $0x0  }
0x14: {  	s2 =	sld [smem:$0x3F8D];
	s0 =	simm.s32 @p1 $0x1  }
0x15: {  	[smem:$0x3FAA] =	sst s0;
	s0 =	simm.s32 @!p2 $0x0  }
0x16: {  	s3 =	sld [smem:$0x3FDB];
	s0 =	simm.s32 @p2 $0x1  }
0x17: {  	s4 =	simm.s32 $0x1BF5;
	[smem:$0x3FAC] =	sst s0  }
0x18: {  	s0 =	sld [smem:$0x3F8F];
	_ =	swait.ge [sflag:s4], $0x0  }
0x19: {  	s7 =	sld [smem:$0x3F90]  }
0x1a: {  	s8 =	sadd.s32 $0xFFFFE003, lr  }
0x1b: {  	s9 =	sadd.s32 $0xFFFFFEF7, lr;
	s5 =	simm.s32 $0xFFFFFFFF;
	p2 =	slt.u32 s8, $0xFFFFF086  }
0x1c: {  	p1 =	slt.u32 s9, $0xF7A;
	s5 =	simm.s32 @!p2 $0x0  }
0x1d: {  	s5 =	simm.s32 @p1 $0x1;
	p0 =	seq.s32 s7, s2  }
0x1e: {  	s7 =	smul.u32 @!p0 $0xF7A, s2;
	p2 =	seq.s32 @!p0 s5, $0x0  }
0x1f: {  	s9 =	smul.u32 $0xF7A, s1;
	s8 =	simm.s32 @!p0 $0x1BF5;
	p2 =	por !p2, p0  }
0x20: {  	[sflag:s8] =	ssyncset.s32 @!p0 $0xFFFFF086;
	s6 =	sadd.s32 @!p0 s3, s7;
	s7 =	simm.s32 @!p0 $0x108  }
0x21: {  	s3 =	sadd.s32 s3, s9;
	s6 =	sadd.s32 @!p0 $0x88, s6;
	s7 =	simm.s32 @p2 $0x1082  }
0x22: {  	[simem:s7], [sflag:s8] =	dma.local @!p0 [hbm:s6], $0xF7A  }
0x23: {  	s9 =	sor.u32 $0xD0000000, s2;
	s6 =	simm.s32 $0x108;
	_ =	swait.ge @!p0 [sflag:s8], $0x0  }
0x24: {  	s3 =	sadd.s32 $0x88, s3;
	s6 =	simm.s32 @!p1 $0x1082;
	[sflag:s4] =	ssyncset.s32 $0xFFFFF086  }
0x25: {  	[simem:s6], [sflag:s4] =	dma.local [hbm:s3], $0xF7A  }
0x26: {  	[smem:$0x3F90] =	sst s1;
	(tag) =	ssettag s2;
	_ =	strace s9  }
0x27: {  	s1 =	sld [smem:$0x3FA0]  }
0x28: {  	s2 =	sld [smem:$0x3FA1]  }
0x29: {  	s4 =	sld [smem:$0x3FA3]  }
0x2a: {  	p0 =	seq.s32 s5, $0x0;
	s5 =	sld [smem:$0x3FA4]  }
0x2b: {  	s6 =	sld [smem:$0x3FA5]  }
0x2c: {  	s7 =	sld [smem:$0x3FA6]  }
0x2d: {  	s3 =	simm.s32 $0x108;
	s8 =	sld [smem:$0x3FA7]  }
0x2e: {  	s3 =	simm.s32 @!p0 $0x1082;
	s9 =	sld [smem:$0x3FA8]  }
0x2f: {  	lr =	sadd.s32 s0, s3;
	s0 =	sld [smem:$0x3F9F]  }
0x30: {  	s3 =	sld [smem:$0x3FA2]  }
0x31: {  	[smem:$0x3FAB] =	sst s10  }
0x32: {  	s10 =	sld [smem:$0x3FA9];
	_ =	sdelay $0x3  }
0x33: {  	p0 =	seq.s32 s10, $0x1;
	s10 =	sld [smem:$0x3FAB];
	_ =	sdelay $0x3  }
0x34: {  	[smem:$0x3FAB] =	sst s10  }
0x35: {  	s10 =	sld [smem:$0x3FAA];
	_ =	sdelay $0x3  }
0x36: {  	p1 =	seq.s32 s10, $0x1;
	s10 =	sld [smem:$0x3FAB];
	_ =	sdelay $0x3  }
0x37: {  	[smem:$0x3FAB] =	sst s10  }
0x38: {  	s10 =	sld [smem:$0x3FAC]  }
0x39: {  	_ = 	snop;
	(pc) =	sbr.ind lr, $3  }
0x3a: {  	_ = 	snop  }
0x3b: {  	_ = 	snop  }
0x3c: {  	p2 =	seq.s32 s10, $0x1;
	s10 =	sld [smem:$0x3FAB]  }
0x3d: {  	_ =	shalt  }
0x3e: {  	_ =	shalt  }
0x3f: {  	_ =	shalt  }
0x40: {  	_ =	shalt  }
0x41: {  	_ =	shalt  }
0x42: {  	_ =	shalt  }
0x43: {  	_ =	shalt  }
0x44: {  	_ =	shalt  }
0x45: {  	_ =	shalt  }
0x46: {  	_ =	shalt  }
0x47: {  	_ =	shalt  }
0x48: {  	_ =	shalt  }
0x49: {  	_ =	shalt  }
0x4a: {  	_ =	shalt  }
0x4b: {  	_ =	shalt  }
0x4c: {  	_ =	shalt  }
0x4d: {  	_ =	shalt  }
0x4e: {  	_ =	shalt  }
0x4f: {  	_ =	shalt  }
0x50: {  	_ =	shalt  }
0x51: {  	_ =	shalt  }
0x52: {  	_ =	shalt  }
0x53: {  	_ =	shalt  }
0x54: {  	_ =	shalt  }
0x55: {  	_ =	shalt  }
0x56: {  	_ =	shalt  }
0x57: {  	_ =	shalt  }
0x58: {  	_ =	shalt  }
0x59: {  	_ =	shalt  }
0x5a: {  	_ =	shalt  }
0x5b: {  	_ =	shalt  }
0x5c: {  	_ =	shalt  }
0x5d: {  	_ =	shalt  }
0x5e: {  	_ =	shalt  }
0x5f: {  	_ =	shalt  }
0x60: {  	_ =	shalt  }
0x61: {  	_ =	shalt  }
0x62: {  	_ =	shalt  }
0x63: {  	_ =	shalt  }
0x64: {  	_ =	shalt  }
0x65: {  	_ =	shalt  }
0x66: {  	_ =	shalt  }
0x67: {  	_ =	shalt  }
0x68: {  	_ =	shalt  }
0x69: {  	_ =	shalt  }
0x6a: {  	_ =	shalt  }
0x6b: {  	_ =	shalt  }
0x6c: {  	_ =	shalt  }
0x6d: {  	_ =	shalt  }
0x6e: {  	_ =	shalt  }
0x6f: {  	_ =	shalt  }
0x70: {  	_ =	shalt  }
0x71: {  	_ =	shalt  }
0x72: {  	_ =	shalt  }
0x73: {  	_ =	shalt  }
0x74: {  	_ =	shalt  }
0x75: {  	_ =	shalt  }
0x76: {  	_ =	shalt  }
0x77: {  	_ =	shalt  }
0x78: {  	_ =	shalt  }
0x79: {  	_ =	shalt  }
0x7a: {  	_ =	shalt  }
0x7b: {  	_ =	shalt  }
0x7c: {  	_ =	shalt  }
0x7d: {  	_ =	shalt  }
0x7e: {  	_ =	shalt  }
0x7f: {  	_ =	shalt  }
0x80: {  	_ =	shalt  }
0x81: {  	_ =	shalt  }
0x82: {  	_ =	shalt  }
0x83: {  	_ =	shalt  }
0x84: {  	_ =	shalt  }
0x85: {  	_ =	shalt  }
0x86: {  	_ =	shalt  }
0x87: {  	_ =	shalt  }
.Lfunc_end0:
.L_simem_size_0:
called_computation_lowered:
.L_overlay_start_0:
0x88: {  	s2 =	sld [smem:$0x3FD9]  }
0x89: {  	s3 =	sld [smem:$0x3FFE];
	_ =	sdelay $0x1  }
0x8a: {  	s1 =	srdreg.scid  }
0x8b: {  	s0 =	sand.u32 $0x1, s1  }
0x8c: {  	s16 =	sshll.u32 s0, $0xA;
	s2 =	sadd.s32 s3, s2  }
0x8d: {  	s2 =	sadd.s32 s2, s16  }
0x8e: {  	[smem:$0x3FB7] =	sst s2  }
0x8f: {  	_ = 	snop  }
0x90: {  	(tm) =	ssettm $0x1  }
0x91: {  	s17 =	sld [smem:$0x3FFB];
	_ =	sdelay $0x3  }
0x92: {  	_ =	strace s17  }
0x93: {  	s2 =	sld [smem:$0x3FFC];
	_ =	sdelay $0x3  }
0x94: {  	_ =	strace s2  }
0x95: {  	s2 =	sld [smem:$0x3FFD];
	_ =	sdelay $0x3  }
0x96: {  	_ =	strace s2  }
0x97: {  	_ =	strace $0x8FFFFFFF  }
0x98: {  	s18 =	sld [smem:$0x3FDB];
	_ =	sdelay $0x1  }
0x99: {  	s19 =	simm.s32 $_scs_section_size  }
0x9a: {  	s4 =	simm.s32 $_size__tile_overlayer_lowered;
	s5 =	simm.s32 $_tile_overlayer_lowered  }
0x9b: {  	s22 =	simm.s32 $0x1BFF;
	s21 =	sshll.u32 s5, $0x1;
	s2 =	sadd.s32 s19, s18  }
0x9c: {  	s6 =	simm.s32 $0x0;
	s20 =	sshll.u32 s4, $0x1;
	s4 =	sadd.s32 s21, s2  }
0x9d: {  	[timem:s6], [sflag:s22] =	dma.local [hbm:s4], s20  }
0x9e: {  	_ =	swait.ge [sflag:s22], s20  }
0x9f: {  	s3 =	ssub.s32 $0x0, s20;
	[sflag:s22] =	ssyncset.done $0x0  }
0xa0: {  	[sflag:s22] =	ssyncadd.s32 s3;
	_ =	sdelay $0x1  }
0xa1: {  	s23 =	simm.s32 $0x1B8B  }
0xa2: {  	_ =	swait.ge [sflag:s23], $0x1  }
0xa3: {  	[sflag:s23] =	ssyncset.done $0x0  }
0xa4: {  	s25 =	simm.s32 $0x1B8E;
	s24 =	sld [smem:$0x3FFE];
	[sflag:s23] =	ssyncadd.s32 $0xFFFFFFFF  }
0xa5: {  	s26 =	simm.s32 $execute0_lowered;
	[smem:$0x3FD2] =	sst s25  }
0xa6: {  	s4 =	sshll.u32 s26, $0x1;
	_ =	strace $0x80000046;
	[dreg:$0x1] =	wrdreg $0xFFFFFFFF  }
0xa7: {  	s28 =	simm.s32 $_size_execute0_lowered;
	s2 =	sadd.s32 s2, s4;
	[dreg:$0x0] =	wrdreg $0x0  }
0xa8: {  	s4 =	sshll.u32 s28, $0x1;
	[dreg:$0x2] =	wrdreg s2  }
0xa9: {  	[dreg:$0x3] =	wrdreg s4  }
0xaa: {  	[dreg:$0x4] =	wrdreg $0xC0  }
0xab: {  	_ =	task [dreg:s6], $0x5FFFF  }
0xac: {  	[dreg:$0x1] =	wrdreg $0xFFFFFFFF  }
0xad: {  	[dreg:$0x0] =	wrdreg $0x60  }
0xae: {  	[dreg:$0x2] =	wrdreg s24  }
0xaf: {  	[dreg:$0x3] =	wrdreg $0x9  }
0xb0: {  	_ =	task.clear_ibuf [dreg:s6], $0x4FFFF;
	_ =	strace $0x90000046  }
0xb1: {  	s29 =	simm.s32 $0x9;
	_ =	strace $0x80000048  }
0xb2: {  	_ =	swait.ge [sflag:s29], $0x1  }
0xb3: {  	[sflag:s29] =	ssyncadd.s32 $0xFFFFFFFF  }
0xb4: {  	_ =	strace $0x90000048  }
0xb5: {  	_ =	sfence  }
0xb6: {  	s30 =	sld [smem:$0x0];
	_ =	sdelay $0x2  }
0xb7: {  	s31 =	sshll.u32 s1, $0xD;
	s1 =	sshrl.u32 s1, $0x2  }
0xb8: {  	s3 =	sand.u32 $0x4000, s31;
	s1 =	sadd.s32 s1, s30  }
0xb9: {  	s0 =	sor.u32 s3, s0;
	s1 =	sshll.u32 s1, $0x11  }
0xba: {  	s0 =	sor.u32 s1, s0  }
0xbb: {  	s0 =	sadd.s32 $0x8F2B, s0  }
0xbc: {  	[sflag:s0] =	ssyncadd.remote.s32 $0x1  }
0xbd: {  	_ =	sfence.sel $0xFFFF  }
0xbe: {  	[dreg:$0x0] =	wrdreg $0xFFFFFFFF;
	(pc) =	sbr.abs _section_cstart, $3  }
0xbf: {  	[dreg:$0x1] =	wrdreg $0xFFFFFFFF  }
0xc0: {  	_ =	task.clear_ibuf [dreg:s6], $0x2FFFF;
	_ =	strace $0x9FFFFFFF  }
0xc1: {  	(tm) =	ssettm $0x7FFFFFFF  }
tec
execute0_lowered:
.L_overlay_start_1:
0x0: {  	(tag) =	ssettag $0x1  }
0x1: {  	s4 =	rddreg [dreg:$0x0]  }
0x2: {  	s0 =	rddreg [dreg:$0x1];
	s2 =	simm.s32 $0x0;
	s3 =	srdreg.scid  }
0x3: {  	s1 =	stileid.u32;
	s10 =	simm.s32 $0x50;
	s11 =	simm.s32 $0x1400  }
0x4: {  	s12 =	simm.s32 $0x3C00;
	s13 =	simm.s32 $0x6400;
	s14 =	simm.s32 $0x1  }
0x5: {  	s15 =	simm.s32 $0x8C00;
	s16 =	simm.s32 $0x2;
	s17 =	simm.s32 $0x5  }
0x6: {  	s18 =	simm.s32 $0x3;
	s19 =	simm.s32 $0x6;
	s20 =	simm.s32 $0x4  }
0x7: {  	s21 =	simm.s32 $0x0;
	[smem:$0x7FF] =	sst s2;
	s5 =	sand.u32 $0x1, s3  }
0x8: {  	s28 =	sshrl.u32 s1, $0x2;
	s6 =	sshll.u32 s1, $0x8;
	s3 =	sadd.s32 $0x4C00, s4  }
0x9: {  	s29 =	smul.u32 $0x28000, s1;
	s7 =	sshll.u32 s5, $0x7;
	_ =	strace $0x80000047  }
0xa: {  	s8 =	smul.u32 $0xA000, s28;
	s30 =	ssub.s32 $0x2, s5;
	s6 =	sor.u32 s7, s6  }
0xb: {  	s5 =	smul.u32 $0x14000, s5;
	s9 =	sshrl.u32 s30, $0x1;
	s6 =	sand.u32 $0x380, s6  }
0xc: {  	s7 =	sadd.s32 s29, s4;
	s31 =	ssub.s32 s30, s9;
	s6 =	sor.u32 s8, s6  }
0xd: {  	s7 =	sadd.s32 s5, s7;
	s9 =	simm.s32 $0x7;
	s6 =	sshrl.u32 s6, $0x3  }
0xe: {  	s5 =	smax.u32 s31, $0x1;
	s8 =	simm.s32 $0x400;
	s4 =	sadd.s32 s6, s4  }
0xf: {  	s6 =	sadd.s32 $0x29C00, s7;
	s7 =	simm.s32 $0x80;
	s4 =	sadd.s32 $0x24C00, s4  }
.LBB2_1:
0x10: {  	[tilespmem:s2], [sflag:$0x7] =	stream.strided.gather [hbm4b:s4+s7], $0x1400, s8, s7, $0x38;
	[tilespmem:$0xB400] =	vst v63  }
0x11: {  	_ =	swait.ge [sflag:s9], $0x1400  }
0x12: {  	[sflag:s9] =	ssyncset.done $0x0  }
0x13: {  	p0 =	por $0x1, $0x1;
	[sflag:s9] =	ssyncadd.s32 $0xFFFFEC00  }
0x14: {  	[tilespmem:s11], [sflag:$0x1] =	stream.indirect.gather [hbm4b:s3+s10], $0x80, s2, s10, $0xb8;
	[tilespmem:$0xB400] =	vst v63  }
0x15: {  	s22 =	simm.s32 @!p0 $0x5  }
0x16: {  	[tilespmem:s12], [sflag:$0x2] =	stream.indirect.gather [hbm4b:s3+s10], $0x80, s10, s10, $0xb8;
	[tilespmem:$0xB400] =	vst v63  }
0x17: {  	_ =	swait.ge @!p0 [sflag:s22], $0x2800  }
0x18: {  	[sflag:s22] =	ssyncset.done @!p0 $0x0  }
0x19: {  	s28 =	simm.s32 $0xA0;
	[sflag:s22] =	ssyncadd.s32 @!p0 $0xFFFFD800  }
0x1a: {  	[tilespmem:s13], [sflag:$0x3] =	stream.indirect.gather [hbm4b:s3+s10], $0x80, s28, s10, $0xb8;
	[tilespmem:$0xB400] =	vst v63  }
0x1b: {  	_ =	swait.ge [sflag:s14], $0x2800  }
0x1c: {  	[sflag:s14] =	ssyncset.done $0x0  }
0x1d: {  	s22 =	simm.s32 @!p0 $0x6;
	[sflag:s14] =	ssyncadd.s32 $0xFFFFD800  }
0x1e: {  	[hbm4b:s6+s2] =	stream.linear.scatter [tilespmem:s11], [sflag:$0x5], $0x2800, $0x38;
	[tilespmem:$0xB400] =	vst v63  }
0x1f: {  	_ =	swait.ge @!p0 [sflag:s22], $0x2800  }
0x20: {  	[sflag:s22] =	ssyncset.done @!p0 $0x0  }
0x21: {  	s29 =	simm.s32 $0xF0;
	[sflag:s22] =	ssyncadd.s32 @!p0 $0xFFFFD800  }
0x22: {  	[tilespmem:s15], [sflag:$0x4] =	stream.indirect.gather [hbm4b:s3+s10], $0x80, s29, s10, $0xb8;
	[tilespmem:$0xB400] =	vst v63  }
0x23: {  	_ =	swait.ge [sflag:s16], $0x2800  }
0x24: {  	[sflag:s16] =	ssyncset.done $0x0  }
0x25: {  	s30 =	sadd.s32 $0x500, s6;
	[sflag:s16] =	ssyncadd.s32 $0xFFFFD800  }
0x26: {  	[hbm4b:s30+s2] =	stream.linear.scatter [tilespmem:s12], [sflag:$0x6], $0x2800, $0x38;
	[tilespmem:$0xB400] =	vst v63  }
0x27: {  	p0 =	por $0x0, $0x0;
	_ =	swait.ge [sflag:s17], $0x2800  }
0x28: {  	s22 =	simm.s32 @!p0 $0x1400;
	[sflag:s17] =	ssyncset.done $0x0  }
0x29: {  	s23 =	simm.s32 @!p0 $0x140;
	s24 =	simm.s32 @!p0 $0x50;
	[sflag:s17] =	ssyncadd.s32 $0xFFFFD800  }
0x2a: {  	[tilespmem:s22], [sflag:$0x1] =	stream.indirect.gather @!p0 [hbm4b:s3+s24], $0x80, s23, s24, $0xb8;
	[tilespmem:$0xB400] =	vst v63  }
0x2b: {  	_ =	swait.ge [sflag:s18], $0x2800  }
0x2c: {  	[sflag:s18] =	ssyncset.done $0x0  }
0x2d: {  	s31 =	sadd.s32 $0xA00, s6;
	[sflag:s18] =	ssyncadd.s32 $0xFFFFD800  }
0x2e: {  	[hbm4b:s31+s2] =	stream.linear.scatter [tilespmem:s13], [sflag:$0x5], $0x2800, $0x38;
	[tilespmem:$0xB400] =	vst v63  }
0x2f: {  	_ =	swait.ge [sflag:s19], $0x2800  }
0x30: {  	p1 =	por $0x0, $0x0;
	[sflag:s19] =	ssyncset.done $0x0  }
0x31: {  	s25 =	simm.s32 @!p0 $0x3C00;
	s22 =	simm.s32 @!p0 $0x190;
	[sflag:s19] =	ssyncadd.s32 $0xFFFFD800  }
0x32: {  	[tilespmem:s25], [sflag:$0x2] =	stream.indirect.gather @!p0 [hbm4b:s3+s24], $0x80, s22, s24, $0xb8;
	[tilespmem:$0xB400] =	vst v63  }
0x33: {  	s26 =	sadd.s32 $0xF00, s6;
	s23 =	simm.s32 $0x500;
	_ =	swait.ge [sflag:s20], $0x2800  }
0x34: {  	s24 =	simm.s32 $0xA00;
	s22 =	sadd.s32 $0x1400, s6;
	[sflag:s20] =	ssyncset.done $0x0  }
.LBB2_2:
0x35: {  	s28 =	simm.s32 @!p1 $0x5;
	[sflag:s20] =	ssyncadd.s32 $0xFFFFD800  }
0x36: {  	s29 =	smov.u32 s24;
	s24 =	sadd.s32 $0x500, s24;
	s25 =	smov.u32 s22  }
0x37: {  	[hbm4b:s26+s2] =	stream.linear.scatter [tilespmem:s15], [sflag:$0x6], $0x2800, $0x38;
	[tilespmem:$0xB400] =	vst v63  }
0x38: {  	p0 =	sne.s32 s24, $0x5000;
	_ =	swait.ge @!p1 [sflag:s28], $0x2800  }
0x39: {  	s26 =	sshra.s32 s23, $0x2;
	[sflag:s28] =	ssyncset.done @!p1 $0x0  }
0x3a: {  	[sflag:s28] =	ssyncadd.s32 @!p1 $0xFFFFD800;
	s28 =	sadd.s32 $0xA0, s26  }
0x3b: {  	[tilespmem:s13], [sflag:$0x3] =	stream.indirect.gather [hbm4b:s3+s10], $0x80, s28, s10, $0xb8;
	[tilespmem:$0xB400] =	vst v63  }
0x3c: {  	_ =	swait.ge [sflag:s14], $0x2800  }
0x3d: {  	[sflag:s14] =	ssyncset.done $0x0  }
0x3e: {  	s28 =	simm.s32 @!p1 $0x6;
	[sflag:s14] =	ssyncadd.s32 $0xFFFFD800  }
0x3f: {  	[hbm4b:s22+s2] =	stream.linear.scatter [tilespmem:s11], [sflag:$0x5], $0x2800, $0x38;
	[tilespmem:$0xB400] =	vst v63  }
0x40: {  	_ =	swait.ge @!p1 [sflag:s28], $0x2800  }
0x41: {  	[sflag:s28] =	ssyncset.done @!p1 $0x0  }
0x42: {  	s26 =	sadd.s32 $0xF0, s26;
	[sflag:s28] =	ssyncadd.s32 @!p1 $0xFFFFD800  }
0x43: {  	[tilespmem:s15], [sflag:$0x4] =	stream.indirect.gather [hbm4b:s3+s10], $0x80, s26, s10, $0xb8;
	[tilespmem:$0xB400] =	vst v63  }
0x44: {  	_ =	swait.ge [sflag:s16], $0x2800  }
0x45: {  	[sflag:s16] =	ssyncset.done $0x0  }
0x46: {  	s26 =	sadd.s32 $0x500, s22;
	[sflag:s16] =	ssyncadd.s32 $0xFFFFD800  }
0x47: {  	[hbm4b:s26+s2] =	stream.linear.scatter [tilespmem:s12], [sflag:$0x6], $0x2800, $0x38;
	[tilespmem:$0xB400] =	vst v63  }
0x48: {  	p1 =	seq.s32 s23, $0x4B00;
	_ =	swait.ge [sflag:s17], $0x2800  }
0x49: {  	s23 =	sshra.s32 @!p1 s23, $0x2;
	s26 =	simm.s32 @!p1 $0x1400;
	[sflag:s17] =	ssyncset.done $0x0  }
0x4a: {  	s30 =	simm.s32 @!p1 $0x50;
	s28 =	sadd.s32 @!p1 $0x140, s23;
	[sflag:s17] =	ssyncadd.s32 $0xFFFFD800  }
0x4b: {  	[tilespmem:s26], [sflag:$0x1] =	stream.indirect.gather @!p1 [hbm4b:s3+s30], $0x80, s28, s30, $0xb8;
	[tilespmem:$0xB400] =	vst v63  }
0x4c: {  	s26 =	sadd.s32 @!p1 $0x190, s23;
	s23 =	smov.u32 s29;
	_ =	swait.ge [sflag:s18], $0x2800  }
0x4d: {  	[sflag:s18] =	ssyncset.done $0x0  }
0x4e: {  	s28 =	sadd.s32 $0xA00, s22;
	[sflag:s18] =	ssyncadd.s32 $0xFFFFD800  }
0x4f: {  	[hbm4b:s28+s2] =	stream.linear.scatter [tilespmem:s13], [sflag:$0x5], $0x2800, $0x38;
	[tilespmem:$0xB400] =	vst v63  }
0x50: {  	_ =	swait.ge [sflag:s19], $0x2800  }
.Ltmp0:
0x51: {  	[sflag:s19] =	ssyncset.done $0x0;
	(pc) =	sbr.rel @p0 .LBB2_2-.Ltmp0, $4  }
0x52: {  	s28 =	simm.s32 @!p1 $0x3C00;
	[sflag:s19] =	ssyncadd.s32 $0xFFFFD800  }
0x53: {  	[tilespmem:s28], [sflag:$0x2] =	stream.indirect.gather @!p1 [hbm4b:s3+s30], $0x80, s26, s30, $0xb8;
	[tilespmem:$0xB400] =	vst v63  }
0x54: {  	s22 =	sadd.s32 $0x1400, s22;
	_ =	swait.ge [sflag:s20], $0x2800  }
0x55: {  	p1 =	seq.s32 s23, $0x0;
	s26 =	sadd.s32 $0xF00, s25;
	[sflag:s20] =	ssyncset.done $0x0  }
0x56: {  	s24 =	simm.s32 @!p1 $0x5;
	[sflag:s20] =	ssyncadd.s32 $0xFFFFD800  }
0x57: {  	[hbm4b:s26+s2] =	stream.linear.scatter [tilespmem:s15], [sflag:$0x6], $0x2800, $0x38;
	[tilespmem:$0xB400] =	vst v63  }
0x58: {  	_ =	swait.ge @!p1 [sflag:s24], $0x2800  }
0x59: {  	s25 =	sshra.s32 s23, $0x2;
	[sflag:s24] =	ssyncset.done @!p1 $0x0  }
0x5a: {  	s26 =	sadd.s32 $0xA0, s25;
	[sflag:s24] =	ssyncadd.s32 @!p1 $0xFFFFD800  }
0x5b: {  	[tilespmem:s13], [sflag:$0x3] =	stream.indirect.gather [hbm4b:s3+s10], $0x80, s26, s10, $0xb8;
	[tilespmem:$0xB400] =	vst v63  }
0x5c: {  	_ =	swait.ge [sflag:s14], $0x2800  }
0x5d: {  	[sflag:s14] =	ssyncset.done $0x0  }
0x5e: {  	s24 =	simm.s32 @!p1 $0x6;
	[sflag:s14] =	ssyncadd.s32 $0xFFFFD800  }
0x5f: {  	[hbm4b:s22+s2] =	stream.linear.scatter [tilespmem:s11], [sflag:$0x5], $0x2800, $0x38;
	[tilespmem:$0xB400] =	vst v63  }
0x60: {  	_ =	swait.ge @!p1 [sflag:s24], $0x2800  }
0x61: {  	[sflag:s24] =	ssyncset.done @!p1 $0x0  }
0x62: {  	s28 =	sadd.s32 $0xF0, s25;
	[sflag:s24] =	ssyncadd.s32 @!p1 $0xFFFFD800  }
0x63: {  	[tilespmem:s15], [sflag:$0x4] =	stream.indirect.gather [hbm4b:s3+s10], $0x80, s28, s10, $0xb8;
	[tilespmem:$0xB400] =	vst v63  }
0x64: {  	_ =	swait.ge [sflag:s16], $0x2800  }
0x65: {  	[sflag:s16] =	ssyncset.done $0x0  }
0x66: {  	s29 =	sadd.s32 $0x500, s22;
	p0 =	seq.s32 s23, $0x4B00;
	[sflag:s16] =	ssyncadd.s32 $0xFFFFD800  }
0x67: {  	[hbm4b:s29+s2] =	stream.linear.scatter [tilespmem:s12], [sflag:$0x6], $0x2800, $0x38;
	[tilespmem:$0xB400] =	vst v63  }
0x68: {  	s23 =	sshra.s32 @!p0 s23, $0x2;
	_ =	swait.ge [sflag:s17], $0x2800  }
0x69: {  	s25 =	sadd.s32 @!p0 $0x140, s23;
	[sflag:s17] =	ssyncset.done $0x0  }
0x6a: {  	s26 =	simm.s32 @!p0 $0x50;
	s24 =	simm.s32 @!p0 $0x1400;
	[sflag:s17] =	ssyncadd.s32 $0xFFFFD800  }
0x6b: {  	[tilespmem:s24], [sflag:$0x1] =	stream.indirect.gather @!p0 [hbm4b:s3+s26], $0x80, s25, s26, $0xb8;
	[tilespmem:$0xB400] =	vst v63  }
0x6c: {  	_ =	swait.ge [sflag:s18], $0x2800  }
0x6d: {  	[sflag:s18] =	ssyncset.done $0x0  }
0x6e: {  	s30 =	sadd.s32 $0xA00, s22;
	[sflag:s18] =	ssyncadd.s32 $0xFFFFD800  }
0x6f: {  	[hbm4b:s30+s2] =	stream.linear.scatter [tilespmem:s13], [sflag:$0x5], $0x2800, $0x38;
	[tilespmem:$0xB400] =	vst v63  }
0x70: {  	_ =	swait.ge [sflag:s19], $0x2800  }
0x71: {  	[sflag:s19] =	ssyncset.done $0x0  }
0x72: {  	s23 =	sadd.s32 @!p0 $0x190, s23;
	s24 =	simm.s32 @!p0 $0x3C00;
	[sflag:s19] =	ssyncadd.s32 $0xFFFFD800  }
0x73: {  	[tilespmem:s24], [sflag:$0x2] =	stream.indirect.gather @!p0 [hbm4b:s3+s26], $0x80, s23, s26, $0xb8;
	[tilespmem:$0xB400] =	vst v63  }
0x74: {  	_ =	swait.ge [sflag:s20], $0x2800  }
0x75: {  	[sflag:s20] =	ssyncset.done $0x0  }
0x76: {  	s31 =	sadd.s32 $0xF00, s22;
	s21 =	sadd.s32 $0x1, s21;
	[sflag:s20] =	ssyncadd.s32 $0xFFFFD800  }
0x77: {  	[hbm4b:s31+s2] =	stream.linear.scatter [tilespmem:s15], [sflag:$0x6], $0x2800, $0x38;
	[tilespmem:$0xB400] =	vst v63  }
0x78: {  	p0 =	sne.s32 s21, s5;
	_ =	swait.ge [sflag:s17], $0x2800  }
.Ltmp1:
0x79: {  	[sflag:s17] =	ssyncset.done $0x0;
	(pc) =	sbr.rel @p0 .LBB2_1-.Ltmp1, $4  }
0x7a: {  	[sflag:s17] =	ssyncadd.s32 $0xFFFFD800  }
0x7b: {  	_ =	swait.ge [sflag:s19], $0x2800  }
0x7c: {  	[sflag:s19] =	ssyncset.done $0x0  }
0x7d: {  	[sflag:s19] =	ssyncadd.s32 $0xFFFFD800  }
0x7e: {  	_ =	sfence.sel $0x180000  }
0x7f: {  	[bflag:$0x0] =	sbarrier.arrive $0xFFFF  }
0x80: {  	p0 =	sne.s32 s1, $0x0;
	_ =	strace $0x90000047  }
0x81: {  	s0 =	sadd.s32 @!p0 $0x100000, s0;
	[bflag:$0x2] =	sbarrier.arrive $0xFFFF  }
0x82: {  	[sflag:s0] =	ssyncadd.tile.s32 @!p0 $0x1;
	_ =	shalt  }
.Lfunc_end2:
_tile_overlayer_lowered:
.L_overlay_start_2:
0x83: {  	(tag) =	ssettag $0x2  }
0x84: {  	s0 =	rddreg [dreg:$0x0];
	s2 =	stileid.u32  }
0x85: {  	s1 =	rddreg [dreg:$0x1];
	p0 =	sne.s32 s2, $0x0  }
0x86: {  	s3 =	rddreg [dreg:$0x2];
	[bflag:$0x3] =	sbarrier.arrive $0xFFFF;
	s2 =	simm.s32 @!p0 $0x1C07  }
0x87: {  	[timem:s3], [sflag:s2] =	dma.local @!p0 [hbm:s0], s1  }
0x88: {  	s0 =	simm.s32 @!p0 $0x7  }
0x89: {  	_ =	swait.ge @!p0 [sflag:s0], s1  }
0x8a: {  	s1 =	ssub.s32 @!p0 $0x0, s1;
	[sflag:s0] =	ssyncset.done @!p0 $0x0  }
0x8b: {  	[sflag:s0] =	ssyncadd.s32 @!p0 s1  }
0x8c: {  	[bflag:$0x3] =	sbarrier.arrive $0xFFFF  }
0x8d: {  	_ =	shalt  }

// kernel: kernel.18.cloned.1.call-start
scs
__scs_entry_jumppad:
0x0: {  	(pc) =	sbr.rel $0x88, $3  }
0x1: {  	(tag) =	ssettag $0x0;
	lr =	simm.s32 $0x1  }
0x2: {  	[smem:$0x3F90] =	sst lr;
	_ =	strace $0xD0000000  }
0x3: {  	_ = 	snop  }
0x4: {  	_ = 	snop  }
0x5: {  	_ = 	snop  }
0x6: {  	_ = 	snop  }
0x7: {  	_ = 	snop  }
__scs_overlays_trampoline_lowered:
0x8: {  	[smem:$0x3F9F] =	sst s0  }
0x9: {  	[smem:$0x3FA0] =	sst s1  }
0xa: {  	[smem:$0x3FA1] =	sst s2  }
0xb: {  	[smem:$0x3FA2] =	sst s3  }
0xc: {  	[smem:$0x3FA3] =	sst s4  }
0xd: {  	[smem:$0x3FA4] =	sst s5  }
0xe: {  	[smem:$0x3FA5] =	sst s6  }
0xf: {  	[smem:$0x3FA6] =	sst s7  }
0x10: {  	[smem:$0x3FA7] =	sst s8  }
0x11: {  	[smem:$0x3FA8] =	sst s9;
	s0 =	simm.s32 @!p0 $0x0  }
0x12: {  	s1 =	sld [smem:$0x3F8E];
	s0 =	simm.s32 @p0 $0x1  }
0x13: {  	[smem:$0x3FA9] =	sst s0;
	s0 =	simm.s32 @!p1 $0x0  }
0x14: {  	s2 =	sld [smem:$0x3F8D];
	s0 =	simm.s32 @p1 $0x1  }
0x15: {  	[smem:$0x3FAA] =	sst s0;
	s0 =	simm.s32 @!p2 $0x0  }
0x16: {  	s3 =	sld [smem:$0x3FDB];
	s0 =	simm.s32 @p2 $0x1  }
0x17: {  	s4 =	simm.s32 $0x1BF5;
	[smem:$0x3FAC] =	sst s0  }
0x18: {  	s0 =	sld [smem:$0x3F8F];
	_ =	swait.ge [sflag:s4], $0x0  }
0x19: {  	s7 =	sld [smem:$0x3F90]  }
0x1a: {  	s8 =	sadd.s32 $0xFFFFE003, lr  }
0x1b: {  	s9 =	sadd.s32 $0xFFFFFEF7, lr;
	s5 =	simm.s32 $0xFFFFFFFF;
	p2 =	slt.u32 s8, $0xFFFFF086  }
0x1c: {  	p1 =	slt.u32 s9, $0xF7A;
	s5 =	simm.s32 @!p2 $0x0  }
0x1d: {  	s5 =	simm.s32 @p1 $0x1;
	p0 =	seq.s32 s7, s2  }
0x1e: {  	s7 =	smul.u32 @!p0 $0xF7A, s2;
	p2 =	seq.s32 @!p0 s5, $0x0  }
0x1f: {  	s9 =	smul.u32 $0xF7A, s1;
	s8 =	simm.s32 @!p0 $0x1BF5;
	p2 =	por !p2, p0  }
0x20: {  	[sflag:s8] =	ssyncset.s32 @!p0 $0xFFFFF086;
	s6 =	sadd.s32 @!p0 s3, s7;
	s7 =	simm.s32 @!p0 $0x108  }
0x21: {  	s3 =	sadd.s32 s3, s9;
	s6 =	sadd.s32 @!p0 $0x88, s6;
	s7 =	simm.s32 @p2 $0x1082  }
0x22: {  	[simem:s7], [sflag:s8] =	dma.local @!p0 [hbm:s6], $0xF7A  }
0x23: {  	s9 =	sor.u32 $0xD0000000, s2;
	s6 =	simm.s32 $0x108;
	_ =	swait.ge @!p0 [sflag:s8], $0x0  }
0x24: {  	s3 =	sadd.s32 $0x88, s3;
	s6 =	simm.s32 @!p1 $0x1082;
	[sflag:s4] =	ssyncset.s32 $0xFFFFF086  }
0x25: {  	[simem:s6], [sflag:s4] =	dma.local [hbm:s3], $0xF7A  }
0x26: {  	[smem:$0x3F90] =	sst s1;
	(tag) =	ssettag s2;
	_ =	strace s9  }
0x27: {  	s1 =	sld [smem:$0x3FA0]  }
0x28: {  	s2 =	sld [smem:$0x3FA1]  }
0x29: {  	s4 =	sld [smem:$0x3FA3]  }
0x2a: {  	p0 =	seq.s32 s5, $0x0;
	s5 =	sld [smem:$0x3FA4]  }
0x2b: {  	s6 =	sld [smem:$0x3FA5]  }
0x2c: {  	s7 =	sld [smem:$0x3FA6]  }
0x2d: {  	s3 =	simm.s32 $0x108;
	s8 =	sld [smem:$0x3FA7]  }
0x2e: {  	s3 =	simm.s32 @!p0 $0x1082;
	s9 =	sld [smem:$0x3FA8]  }
0x2f: {  	lr =	sadd.s32 s0, s3;
	s0 =	sld [smem:$0x3F9F]  }
0x30: {  	s3 =	sld [smem:$0x3FA2]  }
0x31: {  	[smem:$0x3FAB] =	sst s10  }
0x32: {  	s10 =	sld [smem:$0x3FA9];
	_ =	sdelay $0x3  }
0x33: {  	p0 =	seq.s32 s10, $0x1;
	s10 =	sld [smem:$0x3FAB];
	_ =	sdelay $0x3  }
0x34: {  	[smem:$0x3FAB] =	sst s10  }
0x35: {  	s10 =	sld [smem:$0x3FAA];
	_ =	sdelay $0x3  }
0x36: {  	p1 =	seq.s32 s10, $0x1;
	s10 =	sld [smem:$0x3FAB];
	_ =	sdelay $0x3  }
0x37: {  	[smem:$0x3FAB] =	sst s10  }
0x38: {  	s10 =	sld [smem:$0x3FAC]  }
0x39: {  	_ = 	snop;
	(pc) =	sbr.ind lr, $3  }
0x3a: {  	_ = 	snop  }
0x3b: {  	_ = 	snop  }
0x3c: {  	p2 =	seq.s32 s10, $0x1;
	s10 =	sld [smem:$0x3FAB]  }
0x3d: {  	_ =	shalt  }
0x3e: {  	_ =	shalt  }
0x3f: {  	_ =	shalt  }
0x40: {  	_ =	shalt  }
0x41: {  	_ =	shalt  }
0x42: {  	_ =	shalt  }
0x43: {  	_ =	shalt  }
0x44: {  	_ =	shalt  }
0x45: {  	_ =	shalt  }
0x46: {  	_ =	shalt  }
0x47: {  	_ =	shalt  }
0x48: {  	_ =	shalt  }
0x49: {  	_ =	shalt  }
0x4a: {  	_ =	shalt  }
0x4b: {  	_ =	shalt  }
0x4c: {  	_ =	shalt  }
0x4d: {  	_ =	shalt  }
0x4e: {  	_ =	shalt  }
0x4f: {  	_ =	shalt  }
0x50: {  	_ =	shalt  }
0x51: {  	_ =	shalt  }
0x52: {  	_ =	shalt  }
0x53: {  	_ =	shalt  }
0x54: {  	_ =	shalt  }
0x55: {  	_ =	shalt  }
0x56: {  	_ =	shalt  }
0x57: {  	_ =	shalt  }
0x58: {  	_ =	shalt  }
0x59: {  	_ =	shalt  }
0x5a: {  	_ =	shalt  }
0x5b: {  	_ =	shalt  }
0x5c: {  	_ =	shalt  }
0x5d: {  	_ =	shalt  }
0x5e: {  	_ =	shalt  }
0x5f: {  	_ =	shalt  }
0x60: {  	_ =	shalt  }
0x61: {  	_ =	shalt  }
0x62: {  	_ =	shalt  }
0x63: {  	_ =	shalt  }
0x64: {  	_ =	shalt  }
0x65: {  	_ =	shalt  }
0x66: {  	_ =	shalt  }
0x67: {  	_ =	shalt  }
0x68: {  	_ =	shalt  }
0x69: {  	_ =	shalt  }
0x6a: {  	_ =	shalt  }
0x6b: {  	_ =	shalt  }
0x6c: {  	_ =	shalt  }
0x6d: {  	_ =	shalt  }
0x6e: {  	_ =	shalt  }
0x6f: {  	_ =	shalt  }
0x70: {  	_ =	shalt  }
0x71: {  	_ =	shalt  }
0x72: {  	_ =	shalt  }
0x73: {  	_ =	shalt  }
0x74: {  	_ =	shalt  }
0x75: {  	_ =	shalt  }
0x76: {  	_ =	shalt  }
0x77: {  	_ =	shalt  }
0x78: {  	_ =	shalt  }
0x79: {  	_ =	shalt  }
0x7a: {  	_ =	shalt  }
0x7b: {  	_ =	shalt  }
0x7c: {  	_ =	shalt  }
0x7d: {  	_ =	shalt  }
0x7e: {  	_ =	shalt  }
0x7f: {  	_ =	shalt  }
0x80: {  	_ =	shalt  }
0x81: {  	_ =	shalt  }
0x82: {  	_ =	shalt  }
0x83: {  	_ =	shalt  }
0x84: {  	_ =	shalt  }
0x85: {  	_ =	shalt  }
0x86: {  	_ =	shalt  }
0x87: {  	_ =	shalt  }
.Lfunc_end0:
.L_simem_size_0:
called_computation.1_lowered:
.L_overlay_start_0:
0x88: {  	s2 =	sld [smem:$0x3FD9]  }
0x89: {  	s3 =	sld [smem:$0x3FFE];
	_ =	sdelay $0x1  }
0x8a: {  	s1 =	srdreg.scid  }
0x8b: {  	s0 =	sand.u32 $0x1, s1  }
0x8c: {  	s16 =	sshll.u32 s0, $0xA;
	s2 =	sadd.s32 s3, s2  }
0x8d: {  	s2 =	sadd.s32 s2, s16  }
0x8e: {  	[smem:$0x3FB7] =	sst s2  }
0x8f: {  	_ = 	snop  }
0x90: {  	(tm) =	ssettm $0x1  }
0x91: {  	s17 =	sld [smem:$0x3FFB];
	_ =	sdelay $0x3  }
0x92: {  	_ =	strace s17  }
0x93: {  	s2 =	sld [smem:$0x3FFC];
	_ =	sdelay $0x3  }
0x94: {  	_ =	strace s2  }
0x95: {  	s2 =	sld [smem:$0x3FFD];
	_ =	sdelay $0x3  }
0x96: {  	_ =	strace s2  }
0x97: {  	_ =	strace $0x8FFFFFFF  }
0x98: {  	s18 =	sld [smem:$0x3FDB];
	_ =	sdelay $0x1  }
0x99: {  	s19 =	simm.s32 $_scs_section_size  }
0x9a: {  	s4 =	simm.s32 $_size__tile_overlayer_lowered;
	s5 =	simm.s32 $_tile_overlayer_lowered  }
0x9b: {  	s22 =	simm.s32 $0x1BFF;
	s21 =	sshll.u32 s5, $0x1;
	s2 =	sadd.s32 s19, s18  }
0x9c: {  	s6 =	simm.s32 $0x0;
	s20 =	sshll.u32 s4, $0x1;
	s4 =	sadd.s32 s21, s2  }
0x9d: {  	[timem:s6], [sflag:s22] =	dma.local [hbm:s4], s20  }
0x9e: {  	_ =	swait.ge [sflag:s22], s20  }
0x9f: {  	s3 =	ssub.s32 $0x0, s20;
	[sflag:s22] =	ssyncset.done $0x0  }
0xa0: {  	[sflag:s22] =	ssyncadd.s32 s3;
	_ =	sdelay $0x1  }
0xa1: {  	s23 =	simm.s32 $0x1B8B  }
0xa2: {  	_ =	swait.ge [sflag:s23], $0x1  }
0xa3: {  	[sflag:s23] =	ssyncset.done $0x0  }
0xa4: {  	s25 =	simm.s32 $0x1B8E;
	s24 =	sld [smem:$0x3FFE];
	[sflag:s23] =	ssyncadd.s32 $0xFFFFFFFF  }
0xa5: {  	s26 =	simm.s32 $execute0_lowered;
	[smem:$0x3FD2] =	sst s25  }
0xa6: {  	s4 =	sshll.u32 s26, $0x1;
	_ =	strace $0x80000049;
	[dreg:$0x1] =	wrdreg $0xFFFFFFFF  }
0xa7: {  	s28 =	simm.s32 $_size_execute0_lowered;
	s2 =	sadd.s32 s2, s4;
	[dreg:$0x0] =	wrdreg $0x0  }
0xa8: {  	s4 =	sshll.u32 s28, $0x1;
	[dreg:$0x2] =	wrdreg s2  }
0xa9: {  	[dreg:$0x3] =	wrdreg s4  }
0xaa: {  	[dreg:$0x4] =	wrdreg $0xC0  }
0xab: {  	_ =	task [dreg:s6], $0x5FFFF  }
0xac: {  	[dreg:$0x1] =	wrdreg $0xFFFFFFFF  }
0xad: {  	[dreg:$0x0] =	wrdreg $0x60  }
0xae: {  	[dreg:$0x2] =	wrdreg s24  }
0xaf: {  	[dreg:$0x3] =	wrdreg $0x9  }
0xb0: {  	_ =	task.clear_ibuf [dreg:s6], $0x4FFFF;
	_ =	strace $0x90000049  }
0xb1: {  	s29 =	simm.s32 $0x9;
	_ =	strace $0x8000004B  }
0xb2: {  	_ =	swait.ge [sflag:s29], $0x1  }
0xb3: {  	[sflag:s29] =	ssyncadd.s32 $0xFFFFFFFF  }
0xb4: {  	_ =	strace $0x9000004B  }
0xb5: {  	_ =	sfence  }
0xb6: {  	s30 =	sld [smem:$0x0];
	_ =	sdelay $0x2  }
0xb7: {  	s31 =	sshll.u32 s1, $0xD;
	s1 =	sshrl.u32 s1, $0x2  }
0xb8: {  	s3 =	sand.u32 $0x4000, s31;
	s1 =	sadd.s32 s1, s30  }
0xb9: {  	s0 =	sor.u32 s3, s0;
	s1 =	sshll.u32 s1, $0x11  }
0xba: {  	s0 =	sor.u32 s1, s0  }
0xbb: {  	s0 =	sadd.s32 $0x8F2B, s0  }
0xbc: {  	[sflag:s0] =	ssyncadd.remote.s32 $0x1  }
0xbd: {  	_ =	sfence.sel $0xFFFF  }
0xbe: {  	[dreg:$0x0] =	wrdreg $0xFFFFFFFF;
	(pc) =	sbr.abs _section_cstart, $3  }
0xbf: {  	[dreg:$0x1] =	wrdreg $0xFFFFFFFF  }
0xc0: {  	_ =	task.clear_ibuf [dreg:s6], $0x2FFFF;
	_ =	strace $0x9FFFFFFF  }
0xc1: {  	(tm) =	ssettm $0x7FFFFFFF  }
tec
execute0_lowered:
.L_overlay_start_1:
0x0: {  	(tag) =	ssettag $0x1  }
0x1: {  	s4 =	rddreg [dreg:$0x0]  }
0x2: {  	s0 =	rddreg [dreg:$0x1];
	s2 =	simm.s32 $0x0;
	s3 =	srdreg.scid  }
0x3: {  	s1 =	stileid.u32;
	s10 =	simm.s32 $0x50;
	s11 =	simm.s32 $0x1400  }
0x4: {  	s12 =	simm.s32 $0x3C00;
	s13 =	simm.s32 $0x6400;
	s14 =	simm.s32 $0x1  }
0x5: {  	s15 =	simm.s32 $0x8C00;
	s16 =	simm.s32 $0x2;
	s17 =	simm.s32 $0x5  }
0x6: {  	s18 =	simm.s32 $0x3;
	s19 =	simm.s32 $0x6;
	s20 =	simm.s32 $0x4  }
0x7: {  	s21 =	simm.s32 $0x0;
	[smem:$0x7FF] =	sst s2;
	s5 =	sand.u32 $0x1, s3  }
0x8: {  	s28 =	sshrl.u32 s1, $0x2;
	s6 =	sshll.u32 s1, $0x8;
	s3 =	sadd.s32 $0x4C00, s4  }
0x9: {  	s29 =	smul.u32 $0x28000, s1;
	s7 =	sshll.u32 s5, $0x7;
	_ =	strace $0x8000004A  }
0xa: {  	s8 =	smul.u32 $0xA000, s28;
	s30 =	ssub.s32 $0x2, s5;
	s6 =	sor.u32 s7, s6  }
0xb: {  	s5 =	smul.u32 $0x14000, s5;
	s9 =	sshrl.u32 s30, $0x1;
	s6 =	sand.u32 $0x380, s6  }
0xc: {  	s7 =	sadd.s32 s29, s4;
	s31 =	ssub.s32 s30, s9;
	s6 =	sor.u32 s8, s6  }
0xd: {  	s7 =	sadd.s32 s5, s7;
	s9 =	simm.s32 $0x7;
	s6 =	sshrl.u32 s6, $0x3  }
0xe: {  	s5 =	smax.u32 s31, $0x1;
	s8 =	simm.s32 $0x400;
	s4 =	sadd.s32 s6, s4  }
0xf: {  	s6 =	sadd.s32 $0x29C00, s7;
	s7 =	simm.s32 $0x80;
	s4 =	sadd.s32 $0x24C00, s4  }
.LBB2_1:
0x10: {  	[tilespmem:s2], [sflag:$0x7] =	stream.strided.gather [hbm4b:s4+s7], $0x1400, s8, s7, $0x38;
	[tilespmem:$0xB400] =	vst v63  }
0x11: {  	_ =	swait.ge [sflag:s9], $0x1400  }
0x12: {  	[sflag:s9] =	ssyncset.done $0x0  }
0x13: {  	p0 =	por $0x1, $0x1;
	[sflag:s9] =	ssyncadd.s32 $0xFFFFEC00  }
0x14: {  	[tilespmem:s11], [sflag:$0x1] =	stream.indirect.gather [hbm4b:s3+s10], $0x80, s2, s10, $0xb8;
	[tilespmem:$0xB400] =	vst v63  }
0x15: {  	s22 =	simm.s32 @!p0 $0x5  }
0x16: {  	[tilespmem:s12], [sflag:$0x2] =	stream.indirect.gather [hbm4b:s3+s10], $0x80, s10, s10, $0xb8;
	[tilespmem:$0xB400] =	vst v63  }
0x17: {  	_ =	swait.ge @!p0 [sflag:s22], $0x2800  }
0x18: {  	[sflag:s22] =	ssyncset.done @!p0 $0x0  }
0x19: {  	s28 =	simm.s32 $0xA0;
	[sflag:s22] =	ssyncadd.s32 @!p0 $0xFFFFD800  }
0x1a: {  	[tilespmem:s13], [sflag:$0x3] =	stream.indirect.gather [hbm4b:s3+s10], $0x80, s28, s10, $0xb8;
	[tilespmem:$0xB400] =	vst v63  }
0x1b: {  	_ =	swait.ge [sflag:s14], $0x2800  }
0x1c: {  	[sflag:s14] =	ssyncset.done $0x0  }
0x1d: {  	s22 =	simm.s32 @!p0 $0x6;
	[sflag:s14] =	ssyncadd.s32 $0xFFFFD800  }
0x1e: {  	[hbm4b:s6+s2] =	stream.linear.scatter [tilespmem:s11], [sflag:$0x5], $0x2800, $0x38;
	[tilespmem:$0xB400] =	vst v63  }
0x1f: {  	_ =	swait.ge @!p0 [sflag:s22], $0x2800  }
0x20: {  	[sflag:s22] =	ssyncset.done @!p0 $0x0  }
0x21: {  	s29 =	simm.s32 $0xF0;
	[sflag:s22] =	ssyncadd.s32 @!p0 $0xFFFFD800  }
0x22: {  	[tilespmem:s15], [sflag:$0x4] =	stream.indirect.gather [hbm4b:s3+s10], $0x80, s29, s10, $0xb8;
	[tilespmem:$0xB400] =	vst v63  }
0x23: {  	_ =	swait.ge [sflag:s16], $0x2800  }
0x24: {  	[sflag:s16] =	ssyncset.done $0x0  }
0x25: {  	s30 =	sadd.s32 $0x500, s6;
	[sflag:s16] =	ssyncadd.s32 $0xFFFFD800  }
0x26: {  	[hbm4b:s30+s2] =	stream.linear.scatter [tilespmem:s12], [sflag:$0x6], $0x2800, $0x38;
	[tilespmem:$0xB400] =	vst v63  }
0x27: {  	p0 =	por $0x0, $0x0;
	_ =	swait.ge [sflag:s17], $0x2800  }
0x28: {  	s22 =	simm.s32 @!p0 $0x1400;
	[sflag:s17] =	ssyncset.done $0x0  }
0x29: {  	s23 =	simm.s32 @!p0 $0x140;
	s24 =	simm.s32 @!p0 $0x50;
	[sflag:s17] =	ssyncadd.s32 $0xFFFFD800  }
0x2a: {  	[tilespmem:s22], [sflag:$0x1] =	stream.indirect.gather @!p0 [hbm4b:s3+s24], $0x80, s23, s24, $0xb8;
	[tilespmem:$0xB400] =	vst v63  }
0x2b: {  	_ =	swait.ge [sflag:s18], $0x2800  }
0x2c: {  	[sflag:s18] =	ssyncset.done $0x0  }
0x2d: {  	s31 =	sadd.s32 $0xA00, s6;
	[sflag:s18] =	ssyncadd.s32 $0xFFFFD800  }
0x2e: {  	[hbm4b:s31+s2] =	stream.linear.scatter [tilespmem:s13], [sflag:$0x5], $0x2800, $0x38;
	[tilespmem:$0xB400] =	vst v63  }
0x2f: {  	_ =	swait.ge [sflag:s19], $0x2800  }
0x30: {  	p1 =	por $0x0, $0x0;
	[sflag:s19] =	ssyncset.done $0x0  }
0x31: {  	s25 =	simm.s32 @!p0 $0x3C00;
	s22 =	simm.s32 @!p0 $0x190;
	[sflag:s19] =	ssyncadd.s32 $0xFFFFD800  }
0x32: {  	[tilespmem:s25], [sflag:$0x2] =	stream.indirect.gather @!p0 [hbm4b:s3+s24], $0x80, s22, s24, $0xb8;
	[tilespmem:$0xB400] =	vst v63  }
0x33: {  	s26 =	sadd.s32 $0xF00, s6;
	s23 =	simm.s32 $0x500;
	_ =	swait.ge [sflag:s20], $0x2800  }
0x34: {  	s24 =	simm.s32 $0xA00;
	s22 =	sadd.s32 $0x1400, s6;
	[sflag:s20] =	ssyncset.done $0x0  }
.LBB2_2:
0x35: {  	s28 =	simm.s32 @!p1 $0x5;
	[sflag:s20] =	ssyncadd.s32 $0xFFFFD800  }
0x36: {  	s29 =	smov.u32 s24;
	s24 =	sadd.s32 $0x500, s24;
	s25 =	smov.u32 s22  }
0x37: {  	[hbm4b:s26+s2] =	stream.linear.scatter [tilespmem:s15], [sflag:$0x6], $0x2800, $0x38;
	[tilespmem:$0xB400] =	vst v63  }
0x38: {  	p0 =	sne.s32 s24, $0x5000;
	_ =	swait.ge @!p1 [sflag:s28], $0x2800  }
0x39: {  	s26 =	sshra.s32 s23, $0x2;
	[sflag:s28] =	ssyncset.done @!p1 $0x0  }
0x3a: {  	[sflag:s28] =	ssyncadd.s32 @!p1 $0xFFFFD800;
	s28 =	sadd.s32 $0xA0, s26  }
0x3b: {  	[tilespmem:s13], [sflag:$0x3] =	stream.indirect.gather [hbm4b:s3+s10], $0x80, s28, s10, $0xb8;
	[tilespmem:$0xB400] =	vst v63  }
0x3c: {  	_ =	swait.ge [sflag:s14], $0x2800  }
0x3d: {  	[sflag:s14] =	ssyncset.done $0x0  }
0x3e: {  	s28 =	simm.s32 @!p1 $0x6;
	[sflag:s14] =	ssyncadd.s32 $0xFFFFD800  }
0x3f: {  	[hbm4b:s22+s2] =	stream.linear.scatter [tilespmem:s11], [sflag:$0x5], $0x2800, $0x38;
	[tilespmem:$0xB400] =	vst v63  }
0x40: {  	_ =	swait.ge @!p1 [sflag:s28], $0x2800  }
0x41: {  	[sflag:s28] =	ssyncset.done @!p1 $0x0  }
0x42: {  	s26 =	sadd.s32 $0xF0, s26;
	[sflag:s28] =	ssyncadd.s32 @!p1 $0xFFFFD800  }
0x43: {  	[tilespmem:s15], [sflag:$0x4] =	stream.indirect.gather [hbm4b:s3+s10], $0x80, s26, s10, $0xb8;
	[tilespmem:$0xB400] =	vst v63  }
0x44: {  	_ =	swait.ge [sflag:s16], $0x2800  }
0x45: {  	[sflag:s16] =	ssyncset.done $0x0  }
0x46: {  	s26 =	sadd.s32 $0x500, s22;
	[sflag:s16] =	ssyncadd.s32 $0xFFFFD800  }
0x47: {  	[hbm4b:s26+s2] =	stream.linear.scatter [tilespmem:s12], [sflag:$0x6], $0x2800, $0x38;
	[tilespmem:$0xB400] =	vst v63  }
0x48: {  	p1 =	seq.s32 s23, $0x4B00;
	_ =	swait.ge [sflag:s17], $0x2800  }
0x49: {  	s23 =	sshra.s32 @!p1 s23, $0x2;
	s26 =	simm.s32 @!p1 $0x1400;
	[sflag:s17] =	ssyncset.done $0x0  }
0x4a: {  	s30 =	simm.s32 @!p1 $0x50;
	s28 =	sadd.s32 @!p1 $0x140, s23;
	[sflag:s17] =	ssyncadd.s32 $0xFFFFD800  }
0x4b: {  	[tilespmem:s26], [sflag:$0x1] =	stream.indirect.gather @!p1 [hbm4b:s3+s30], $0x80, s28, s30, $0xb8;
	[tilespmem:$0xB400] =	vst v63  }
0x4c: {  	s26 =	sadd.s32 @!p1 $0x190, s23;
	s23 =	smov.u32 s29;
	_ =	swait.ge [sflag:s18], $0x2800  }
0x4d: {  	[sflag:s18] =	ssyncset.done $0x0  }
0x4e: {  	s28 =	sadd.s32 $0xA00, s22;
	[sflag:s18] =	ssyncadd.s32 $0xFFFFD800  }
0x4f: {  	[hbm4b:s28+s2] =	stream.linear.scatter [tilespmem:s13], [sflag:$0x5], $0x2800, $0x38;
	[tilespmem:$0xB400] =	vst v63  }
0x50: {  	_ =	swait.ge [sflag:s19], $0x2800  }
.Ltmp0:
0x51: {  	[sflag:s19] =	ssyncset.done $0x0;
	(pc) =	sbr.rel @p0 .LBB2_2-.Ltmp0, $4  }
0x52: {  	s28 =	simm.s32 @!p1 $0x3C00;
	[sflag:s19] =	ssyncadd.s32 $0xFFFFD800  }
0x53: {  	[tilespmem:s28], [sflag:$0x2] =	stream.indirect.gather @!p1 [hbm4b:s3+s30], $0x80, s26, s30, $0xb8;
	[tilespmem:$0xB400] =	vst v63  }
0x54: {  	s22 =	sadd.s32 $0x1400, s22;
	_ =	swait.ge [sflag:s20], $0x2800  }
0x55: {  	p1 =	seq.s32 s23, $0x0;
	s26 =	sadd.s32 $0xF00, s25;
	[sflag:s20] =	ssyncset.done $0x0  }
0x56: {  	s24 =	simm.s32 @!p1 $0x5;
	[sflag:s20] =	ssyncadd.s32 $0xFFFFD800  }
0x57: {  	[hbm4b:s26+s2] =	stream.linear.scatter [tilespmem:s15], [sflag:$0x6], $0x2800, $0x38;
	[tilespmem:$0xB400] =	vst v63  }
0x58: {  	_ =	swait.ge @!p1 [sflag:s24], $0x2800  }
0x59: {  	s25 =	sshra.s32 s23, $0x2;
	[sflag:s24] =	ssyncset.done @!p1 $0x0  }
0x5a: {  	s26 =	sadd.s32 $0xA0, s25;
	[sflag:s24] =	ssyncadd.s32 @!p1 $0xFFFFD800  }
0x5b: {  	[tilespmem:s13], [sflag:$0x3] =	stream.indirect.gather [hbm4b:s3+s10], $0x80, s26, s10, $0xb8;
	[tilespmem:$0xB400] =	vst v63  }
0x5c: {  	_ =	swait.ge [sflag:s14], $0x2800  }
0x5d: {  	[sflag:s14] =	ssyncset.done $0x0  }
0x5e: {  	s24 =	simm.s32 @!p1 $0x6;
	[sflag:s14] =	ssyncadd.s32 $0xFFFFD800  }
0x5f: {  	[hbm4b:s22+s2] =	stream.linear.scatter [tilespmem:s11], [sflag:$0x5], $0x2800, $0x38;
	[tilespmem:$0xB400] =	vst v63  }
0x60: {  	_ =	swait.ge @!p1 [sflag:s24], $0x2800  }
0x61: {  	[sflag:s24] =	ssyncset.done @!p1 $0x0  }
0x62: {  	s28 =	sadd.s32 $0xF0, s25;
	[sflag:s24] =	ssyncadd.s32 @!p1 $0xFFFFD800  }
0x63: {  	[tilespmem:s15], [sflag:$0x4] =	stream.indirect.gather [hbm4b:s3+s10], $0x80, s28, s10, $0xb8;
	[tilespmem:$0xB400] =	vst v63  }
0x64: {  	_ =	swait.ge [sflag:s16], $0x2800  }
0x65: {  	[sflag:s16] =	ssyncset.done $0x0  }
0x66: {  	s29 =	sadd.s32 $0x500, s22;
	p0 =	seq.s32 s23, $0x4B00;
	[sflag:s16] =	ssyncadd.s32 $0xFFFFD800  }
0x67: {  	[hbm4b:s29+s2] =	stream.linear.scatter [tilespmem:s12], [sflag:$0x6], $0x2800, $0x38;
	[tilespmem:$0xB400] =	vst v63  }
0x68: {  	s23 =	sshra.s32 @!p0 s23, $0x2;
	_ =	swait.ge [sflag:s17], $0x2800  }
0x69: {  	s25 =	sadd.s32 @!p0 $0x140, s23;
	[sflag:s17] =	ssyncset.done $0x0  }
0x6a: {  	s26 =	simm.s32 @!p0 $0x50;
	s24 =	simm.s32 @!p0 $0x1400;
	[sflag:s17] =	ssyncadd.s32 $0xFFFFD800  }
0x6b: {  	[tilespmem:s24], [sflag:$0x1] =	stream.indirect.gather @!p0 [hbm4b:s3+s26], $0x80, s25, s26, $0xb8;
	[tilespmem:$0xB400] =	vst v63  }
0x6c: {  	_ =	swait.ge [sflag:s18], $0x2800  }
0x6d: {  	[sflag:s18] =	ssyncset.done $0x0  }
0x6e: {  	s30 =	sadd.s32 $0xA00, s22;
	[sflag:s18] =	ssyncadd.s32 $0xFFFFD800  }
0x6f: {  	[hbm4b:s30+s2] =	stream.linear.scatter [tilespmem:s13], [sflag:$0x5], $0x2800, $0x38;
	[tilespmem:$0xB400] =	vst v63  }
0x70: {  	_ =	swait.ge [sflag:s19], $0x2800  }
0x71: {  	[sflag:s19] =	ssyncset.done $0x0  }
0x72: {  	s23 =	sadd.s32 @!p0 $0x190, s23;
	s24 =	simm.s32 @!p0 $0x3C00;
	[sflag:s19] =	ssyncadd.s32 $0xFFFFD800  }
0x73: {  	[tilespmem:s24], [sflag:$0x2] =	stream.indirect.gather @!p0 [hbm4b:s3+s26], $0x80, s23, s26, $0xb8;
	[tilespmem:$0xB400] =	vst v63  }
0x74: {  	_ =	swait.ge [sflag:s20], $0x2800  }
0x75: {  	[sflag:s20] =	ssyncset.done $0x0  }
0x76: {  	s31 =	sadd.s32 $0xF00, s22;
	s21 =	sadd.s32 $0x1, s21;
	[sflag:s20] =	ssyncadd.s32 $0xFFFFD800  }
0x77: {  	[hbm4b:s31+s2] =	stream.linear.scatter [tilespmem:s15], [sflag:$0x6], $0x2800, $0x38;
	[tilespmem:$0xB400] =	vst v63  }
0x78: {  	p0 =	sne.s32 s21, s5;
	_ =	swait.ge [sflag:s17], $0x2800  }
.Ltmp1:
0x79: {  	[sflag:s17] =	ssyncset.done $0x0;
	(pc) =	sbr.rel @p0 .LBB2_1-.Ltmp1, $4  }
0x7a: {  	[sflag:s17] =	ssyncadd.s32 $0xFFFFD800  }
0x7b: {  	_ =	swait.ge [sflag:s19], $0x2800  }
0x7c: {  	[sflag:s19] =	ssyncset.done $0x0  }
0x7d: {  	[sflag:s19] =	ssyncadd.s32 $0xFFFFD800  }
0x7e: {  	_ =	sfence.sel $0x180000  }
0x7f: {  	[bflag:$0x0] =	sbarrier.arrive $0xFFFF  }
0x80: {  	p0 =	sne.s32 s1, $0x0;
	_ =	strace $0x9000004A  }
0x81: {  	s0 =	sadd.s32 @!p0 $0x100000, s0;
	[bflag:$0x2] =	sbarrier.arrive $0xFFFF  }
0x82: {  	[sflag:s0] =	ssyncadd.tile.s32 @!p0 $0x1;
	_ =	shalt  }
.Lfunc_end2:
_tile_overlayer_lowered:
.L_overlay_start_2:
0x83: {  	(tag) =	ssettag $0x2  }
0x84: {  	s0 =	rddreg [dreg:$0x0];
	s2 =	stileid.u32  }
0x85: {  	s1 =	rddreg [dreg:$0x1];
	p0 =	sne.s32 s2, $0x0  }
0x86: {  	s3 =	rddreg [dreg:$0x2];
	[bflag:$0x3] =	sbarrier.arrive $0xFFFF;
	s2 =	simm.s32 @!p0 $0x1C07  }
0x87: {  	[timem:s3], [sflag:s2] =	dma.local @!p0 [hbm:s0], s1  }
0x88: {  	s0 =	simm.s32 @!p0 $0x7  }
0x89: {  	_ =	swait.ge @!p0 [sflag:s0], s1  }
0x8a: {  	s1 =	ssub.s32 @!p0 $0x0, s1;
	[sflag:s0] =	ssyncset.done @!p0 $0x0  }
0x8b: {  	[sflag:s0] =	ssyncadd.s32 @!p0 s1  }
0x8c: {  	[bflag:$0x3] =	sbarrier.arrive $0xFFFF  }
0x8d: {  	_ =	shalt  }

// kernel: kernel.21.cloned.1.call-start
scs
__scs_entry_jumppad:
0x0: {  	(pc) =	sbr.rel $0x88, $3  }
0x1: {  	(tag) =	ssettag $0x0;
	lr =	simm.s32 $0x1  }
0x2: {  	[smem:$0x3F90] =	sst lr;
	_ =	strace $0xD0000000  }
0x3: {  	_ = 	snop  }
0x4: {  	_ = 	snop  }
0x5: {  	_ = 	snop  }
0x6: {  	_ = 	snop  }
0x7: {  	_ = 	snop  }
__scs_overlays_trampoline_lowered:
0x8: {  	[smem:$0x3F9F] =	sst s0  }
0x9: {  	[smem:$0x3FA0] =	sst s1  }
0xa: {  	[smem:$0x3FA1] =	sst s2  }
0xb: {  	[smem:$0x3FA2] =	sst s3  }
0xc: {  	[smem:$0x3FA3] =	sst s4  }
0xd: {  	[smem:$0x3FA4] =	sst s5  }
0xe: {  	[smem:$0x3FA5] =	sst s6  }
0xf: {  	[smem:$0x3FA6] =	sst s7  }
0x10: {  	[smem:$0x3FA7] =	sst s8  }
0x11: {  	[smem:$0x3FA8] =	sst s9;
	s0 =	simm.s32 @!p0 $0x0  }
0x12: {  	s1 =	sld [smem:$0x3F8E];
	s0 =	simm.s32 @p0 $0x1  }
0x13: {  	[smem:$0x3FA9] =	sst s0;
	s0 =	simm.s32 @!p1 $0x0  }
0x14: {  	s2 =	sld [smem:$0x3F8D];
	s0 =	simm.s32 @p1 $0x1  }
0x15: {  	[smem:$0x3FAA] =	sst s0;
	s0 =	simm.s32 @!p2 $0x0  }
0x16: {  	s3 =	sld [smem:$0x3FDB];
	s0 =	simm.s32 @p2 $0x1  }
0x17: {  	s4 =	simm.s32 $0x1BF5;
	[smem:$0x3FAC] =	sst s0  }
0x18: {  	s0 =	sld [smem:$0x3F8F];
	_ =	swait.ge [sflag:s4], $0x0  }
0x19: {  	s7 =	sld [smem:$0x3F90]  }
0x1a: {  	s8 =	sadd.s32 $0xFFFFE003, lr  }
0x1b: {  	s9 =	sadd.s32 $0xFFFFFEF7, lr;
	s5 =	simm.s32 $0xFFFFFFFF;
	p2 =	slt.u32 s8, $0xFFFFF086  }
0x1c: {  	p1 =	slt.u32 s9, $0xF7A;
	s5 =	simm.s32 @!p2 $0x0  }
0x1d: {  	s5 =	simm.s32 @p1 $0x1;
	p0 =	seq.s32 s7, s2  }
0x1e: {  	s7 =	smul.u32 @!p0 $0xF7A, s2;
	p2 =	seq.s32 @!p0 s5, $0x0  }
0x1f: {  	s9 =	smul.u32 $0xF7A, s1;
	s8 =	simm.s32 @!p0 $0x1BF5;
	p2 =	por !p2, p0  }
0x20: {  	[sflag:s8] =	ssyncset.s32 @!p0 $0xFFFFF086;
	s6 =	sadd.s32 @!p0 s3, s7;
	s7 =	simm.s32 @!p0 $0x108  }
0x21: {  	s3 =	sadd.s32 s3, s9;
	s6 =	sadd.s32 @!p0 $0x88, s6;
	s7 =	simm.s32 @p2 $0x1082  }
0x22: {  	[simem:s7], [sflag:s8] =	dma.local @!p0 [hbm:s6], $0xF7A  }
0x23: {  	s9 =	sor.u32 $0xD0000000, s2;
	s6 =	simm.s32 $0x108;
	_ =	swait.ge @!p0 [sflag:s8], $0x0  }
0x24: {  	s3 =	sadd.s32 $0x88, s3;
	s6 =	simm.s32 @!p1 $0x1082;
	[sflag:s4] =	ssyncset.s32 $0xFFFFF086  }
0x25: {  	[simem:s6], [sflag:s4] =	dma.local [hbm:s3], $0xF7A  }
0x26: {  	[smem:$0x3F90] =	sst s1;
	(tag) =	ssettag s2;
	_ =	strace s9  }
0x27: {  	s1 =	sld [smem:$0x3FA0]  }
0x28: {  	s2 =	sld [smem:$0x3FA1]  }
0x29: {  	s4 =	sld [smem:$0x3FA3]  }
0x2a: {  	p0 =	seq.s32 s5, $0x0;
	s5 =	sld [smem:$0x3FA4]  }
0x2b: {  	s6 =	sld [smem:$0x3FA5]  }
0x2c: {  	s7 =	sld [smem:$0x3FA6]  }
0x2d: {  	s3 =	simm.s32 $0x108;
	s8 =	sld [smem:$0x3FA7]  }
0x2e: {  	s3 =	simm.s32 @!p0 $0x1082;
	s9 =	sld [smem:$0x3FA8]  }
0x2f: {  	lr =	sadd.s32 s0, s3;
	s0 =	sld [smem:$0x3F9F]  }
0x30: {  	s3 =	sld [smem:$0x3FA2]  }
0x31: {  	[smem:$0x3FAB] =	sst s10  }
0x32: {  	s10 =	sld [smem:$0x3FA9];
	_ =	sdelay $0x3  }
0x33: {  	p0 =	seq.s32 s10, $0x1;
	s10 =	sld [smem:$0x3FAB];
	_ =	sdelay $0x3  }
0x34: {  	[smem:$0x3FAB] =	sst s10  }
0x35: {  	s10 =	sld [smem:$0x3FAA];
	_ =	sdelay $0x3  }
0x36: {  	p1 =	seq.s32 s10, $0x1;
	s10 =	sld [smem:$0x3FAB];
	_ =	sdelay $0x3  }
0x37: {  	[smem:$0x3FAB] =	sst s10  }
0x38: {  	s10 =	sld [smem:$0x3FAC]  }
0x39: {  	_ = 	snop;
	(pc) =	sbr.ind lr, $3  }
0x3a: {  	_ = 	snop  }
0x3b: {  	_ = 	snop  }
0x3c: {  	p2 =	seq.s32 s10, $0x1;
	s10 =	sld [smem:$0x3FAB]  }
0x3d: {  	_ =	shalt  }
0x3e: {  	_ =	shalt  }
0x3f: {  	_ =	shalt  }
0x40: {  	_ =	shalt  }
0x41: {  	_ =	shalt  }
0x42: {  	_ =	shalt  }
0x43: {  	_ =	shalt  }
0x44: {  	_ =	shalt  }
0x45: {  	_ =	shalt  }
0x46: {  	_ =	shalt  }
0x47: {  	_ =	shalt  }
0x48: {  	_ =	shalt  }
0x49: {  	_ =	shalt  }
0x4a: {  	_ =	shalt  }
0x4b: {  	_ =	shalt  }
0x4c: {  	_ =	shalt  }
0x4d: {  	_ =	shalt  }
0x4e: {  	_ =	shalt  }
0x4f: {  	_ =	shalt  }
0x50: {  	_ =	shalt  }
0x51: {  	_ =	shalt  }
0x52: {  	_ =	shalt  }
0x53: {  	_ =	shalt  }
0x54: {  	_ =	shalt  }
0x55: {  	_ =	shalt  }
0x56: {  	_ =	shalt  }
0x57: {  	_ =	shalt  }
0x58: {  	_ =	shalt  }
0x59: {  	_ =	shalt  }
0x5a: {  	_ =	shalt  }
0x5b: {  	_ =	shalt  }
0x5c: {  	_ =	shalt  }
0x5d: {  	_ =	shalt  }
0x5e: {  	_ =	shalt  }
0x5f: {  	_ =	shalt  }
0x60: {  	_ =	shalt  }
0x61: {  	_ =	shalt  }
0x62: {  	_ =	shalt  }
0x63: {  	_ =	shalt  }
0x64: {  	_ =	shalt  }
0x65: {  	_ =	shalt  }
0x66: {  	_ =	shalt  }
0x67: {  	_ =	shalt  }
0x68: {  	_ =	shalt  }
0x69: {  	_ =	shalt  }
0x6a: {  	_ =	shalt  }
0x6b: {  	_ =	shalt  }
0x6c: {  	_ =	shalt  }
0x6d: {  	_ =	shalt  }
0x6e: {  	_ =	shalt  }
0x6f: {  	_ =	shalt  }
0x70: {  	_ =	shalt  }
0x71: {  	_ =	shalt  }
0x72: {  	_ =	shalt  }
0x73: {  	_ =	shalt  }
0x74: {  	_ =	shalt  }
0x75: {  	_ =	shalt  }
0x76: {  	_ =	shalt  }
0x77: {  	_ =	shalt  }
0x78: {  	_ =	shalt  }
0x79: {  	_ =	shalt  }
0x7a: {  	_ =	shalt  }
0x7b: {  	_ =	shalt  }
0x7c: {  	_ =	shalt  }
0x7d: {  	_ =	shalt  }
0x7e: {  	_ =	shalt  }
0x7f: {  	_ =	shalt  }
0x80: {  	_ =	shalt  }
0x81: {  	_ =	shalt  }
0x82: {  	_ =	shalt  }
0x83: {  	_ =	shalt  }
0x84: {  	_ =	shalt  }
0x85: {  	_ =	shalt  }
0x86: {  	_ =	shalt  }
0x87: {  	_ =	shalt  }
.Lfunc_end0:
.L_simem_size_0:
called_computation.2_lowered:
.L_overlay_start_0:
0x88: {  	s2 =	sld [smem:$0x3FD9]  }
0x89: {  	s3 =	sld [smem:$0x3FFE];
	_ =	sdelay $0x1  }
0x8a: {  	s1 =	srdreg.scid  }
0x8b: {  	s0 =	sand.u32 $0x1, s1  }
0x8c: {  	s16 =	sshll.u32 s0, $0xA;
	s2 =	sadd.s32 s3, s2  }
0x8d: {  	s2 =	sadd.s32 s2, s16  }
0x8e: {  	[smem:$0x3FB7] =	sst s2  }
0x8f: {  	_ = 	snop  }
0x90: {  	(tm) =	ssettm $0x1  }
0x91: {  	s17 =	sld [smem:$0x3FFB];
	_ =	sdelay $0x3  }
0x92: {  	_ =	strace s17  }
0x93: {  	s2 =	sld [smem:$0x3FFC];
	_ =	sdelay $0x3  }
0x94: {  	_ =	strace s2  }
0x95: {  	s2 =	sld [smem:$0x3FFD];
	_ =	sdelay $0x3  }
0x96: {  	_ =	strace s2  }
0x97: {  	_ =	strace $0x8FFFFFFF  }
0x98: {  	s18 =	sld [smem:$0x3FDB];
	_ =	sdelay $0x1  }
0x99: {  	s19 =	simm.s32 $_scs_section_size  }
0x9a: {  	s4 =	simm.s32 $_size__tile_overlayer_lowered;
	s5 =	simm.s32 $_tile_overlayer_lowered  }
0x9b: {  	s22 =	simm.s32 $0x1BFF;
	s21 =	sshll.u32 s5, $0x1;
	s2 =	sadd.s32 s19, s18  }
0x9c: {  	s6 =	simm.s32 $0x0;
	s20 =	sshll.u32 s4, $0x1;
	s4 =	sadd.s32 s21, s2  }
0x9d: {  	[timem:s6], [sflag:s22] =	dma.local [hbm:s4], s20  }
0x9e: {  	_ =	swait.ge [sflag:s22], s20  }
0x9f: {  	s3 =	ssub.s32 $0x0, s20;
	[sflag:s22] =	ssyncset.done $0x0  }
0xa0: {  	[sflag:s22] =	ssyncadd.s32 s3;
	_ =	sdelay $0x1  }
0xa1: {  	s23 =	simm.s32 $0x1B8B  }
0xa2: {  	_ =	swait.ge [sflag:s23], $0x1  }
0xa3: {  	[sflag:s23] =	ssyncset.done $0x0  }
0xa4: {  	s25 =	simm.s32 $0x1B8E;
	s24 =	sld [smem:$0x3FFE];
	[sflag:s23] =	ssyncadd.s32 $0xFFFFFFFF  }
0xa5: {  	s26 =	simm.s32 $execute0_lowered;
	[smem:$0x3FD2] =	sst s25  }
0xa6: {  	s4 =	sshll.u32 s26, $0x1;
	_ =	strace $0x8000004C;
	[dreg:$0x1] =	wrdreg $0xFFFFFFFF  }
0xa7: {  	s28 =	simm.s32 $_size_execute0_lowered;
	s2 =	sadd.s32 s2, s4;
	[dreg:$0x0] =	wrdreg $0x0  }
0xa8: {  	s4 =	sshll.u32 s28, $0x1;
	[dreg:$0x2] =	wrdreg s2  }
0xa9: {  	[dreg:$0x3] =	wrdreg s4  }
0xaa: {  	[dreg:$0x4] =	wrdreg $0xC0  }
0xab: {  	_ =	task [dreg:s6], $0x5FFFF  }
0xac: {  	[dreg:$0x1] =	wrdreg $0xFFFFFFFF  }
0xad: {  	[dreg:$0x0] =	wrdreg $0x60  }
0xae: {  	[dreg:$0x2] =	wrdreg s24  }
0xaf: {  	[dreg:$0x3] =	wrdreg $0x9  }
0xb0: {  	_ =	task.clear_ibuf [dreg:s6], $0x4FFFF;
	_ =	strace $0x9000004C  }
0xb1: {  	s29 =	simm.s32 $0x9;
	_ =	strace $0x8000004E  }
0xb2: {  	_ =	swait.ge [sflag:s29], $0x1  }
0xb3: {  	[sflag:s29] =	ssyncadd.s32 $0xFFFFFFFF  }
0xb4: {  	_ =	strace $0x9000004E  }
0xb5: {  	_ =	sfence  }
0xb6: {  	s30 =	sld [smem:$0x0];
	_ =	sdelay $0x2  }
0xb7: {  	s31 =	sshll.u32 s1, $0xD;
	s1 =	sshrl.u32 s1, $0x2  }
0xb8: {  	s3 =	sand.u32 $0x4000, s31;
	s1 =	sadd.s32 s1, s30  }
0xb9: {  	s0 =	sor.u32 s3, s0;
	s1 =	sshll.u32 s1, $0x11  }
0xba: {  	s0 =	sor.u32 s1, s0  }
0xbb: {  	s0 =	sadd.s32 $0x8F2B, s0  }
0xbc: {  	[sflag:s0] =	ssyncadd.remote.s32 $0x1  }
0xbd: {  	_ =	sfence.sel $0xFFFF  }
0xbe: {  	[dreg:$0x0] =	wrdreg $0xFFFFFFFF;
	(pc) =	sbr.abs _section_cstart, $3  }
0xbf: {  	[dreg:$0x1] =	wrdreg $0xFFFFFFFF  }
0xc0: {  	_ =	task.clear_ibuf [dreg:s6], $0x2FFFF;
	_ =	strace $0x9FFFFFFF  }
0xc1: {  	(tm) =	ssettm $0x7FFFFFFF  }
tec
execute0_lowered:
.L_overlay_start_1:
0x0: {  	(tag) =	ssettag $0x1  }
0x1: {  	s4 =	rddreg [dreg:$0x0]  }
0x2: {  	s0 =	rddreg [dreg:$0x1];
	s2 =	simm.s32 $0x0;
	s3 =	srdreg.scid  }
0x3: {  	s1 =	stileid.u32;
	s10 =	simm.s32 $0x50;
	s11 =	simm.s32 $0x1400  }
0x4: {  	s12 =	simm.s32 $0x3C00;
	s13 =	simm.s32 $0x6400;
	s14 =	simm.s32 $0x1  }
0x5: {  	s15 =	simm.s32 $0x8C00;
	s16 =	simm.s32 $0x2;
	s17 =	simm.s32 $0x5  }
0x6: {  	s18 =	simm.s32 $0x3;
	s19 =	simm.s32 $0x6;
	s20 =	simm.s32 $0x4  }
0x7: {  	s21 =	simm.s32 $0x0;
	[smem:$0x7FF] =	sst s2;
	s5 =	sand.u32 $0x1, s3  }
0x8: {  	s28 =	sshrl.u32 s1, $0x2;
	s6 =	sshll.u32 s1, $0x8;
	s3 =	sadd.s32 $0x4C00, s4  }
0x9: {  	s29 =	smul.u32 $0x28000, s1;
	s7 =	sshll.u32 s5, $0x7;
	_ =	strace $0x8000004D  }
0xa: {  	s8 =	smul.u32 $0xA000, s28;
	s30 =	ssub.s32 $0x2, s5;
	s6 =	sor.u32 s7, s6  }
0xb: {  	s5 =	smul.u32 $0x14000, s5;
	s9 =	sshrl.u32 s30, $0x1;
	s6 =	sand.u32 $0x380, s6  }
0xc: {  	s7 =	sadd.s32 s29, s4;
	s31 =	ssub.s32 s30, s9;
	s6 =	sor.u32 s8, s6  }
0xd: {  	s7 =	sadd.s32 s5, s7;
	s9 =	simm.s32 $0x7;
	s6 =	sshrl.u32 s6, $0x3  }
0xe: {  	s5 =	smax.u32 s31, $0x1;
	s8 =	simm.s32 $0x400;
	s4 =	sadd.s32 s6, s4  }
0xf: {  	s6 =	sadd.s32 $0x29C00, s7;
	s7 =	simm.s32 $0x80;
	s4 =	sadd.s32 $0x24C00, s4  }
.LBB2_1:
0x10: {  	[tilespmem:s2], [sflag:$0x7] =	stream.strided.gather [hbm4b:s4+s7], $0x1400, s8, s7, $0x38;
	[tilespmem:$0xB400] =	vst v63  }
0x11: {  	_ =	swait.ge [sflag:s9], $0x1400  }
0x12: {  	[sflag:s9] =	ssyncset.done $0x0  }
0x13: {  	p0 =	por $0x1, $0x1;
	[sflag:s9] =	ssyncadd.s32 $0xFFFFEC00  }
0x14: {  	[tilespmem:s11], [sflag:$0x1] =	stream.indirect.gather [hbm4b:s3+s10], $0x80, s2, s10, $0xb8;
	[tilespmem:$0xB400] =	vst v63  }
0x15: {  	s22 =	simm.s32 @!p0 $0x5  }
0x16: {  	[tilespmem:s12], [sflag:$0x2] =	stream.indirect.gather [hbm4b:s3+s10], $0x80, s10, s10, $0xb8;
	[tilespmem:$0xB400] =	vst v63  }
0x17: {  	_ =	swait.ge @!p0 [sflag:s22], $0x2800  }
0x18: {  	[sflag:s22] =	ssyncset.done @!p0 $0x0  }
0x19: {  	s28 =	simm.s32 $0xA0;
	[sflag:s22] =	ssyncadd.s32 @!p0 $0xFFFFD800  }
0x1a: {  	[tilespmem:s13], [sflag:$0x3] =	stream.indirect.gather [hbm4b:s3+s10], $0x80, s28, s10, $0xb8;
	[tilespmem:$0xB400] =	vst v63  }
0x1b: {  	_ =	swait.ge [sflag:s14], $0x2800  }
0x1c: {  	[sflag:s14] =	ssyncset.done $0x0  }
0x1d: {  	s22 =	simm.s32 @!p0 $0x6;
	[sflag:s14] =	ssyncadd.s32 $0xFFFFD800  }
0x1e: {  	[hbm4b:s6+s2] =	stream.linear.scatter [tilespmem:s11], [sflag:$0x5], $0x2800, $0x38;
	[tilespmem:$0xB400] =	vst v63  }
0x1f: {  	_ =	swait.ge @!p0 [sflag:s22], $0x2800  }
0x20: {  	[sflag:s22] =	ssyncset.done @!p0 $0x0  }
0x21: {  	s29 =	simm.s32 $0xF0;
	[sflag:s22] =	ssyncadd.s32 @!p0 $0xFFFFD800  }
0x22: {  	[tilespmem:s15], [sflag:$0x4] =	stream.indirect.gather [hbm4b:s3+s10], $0x80, s29, s10, $0xb8;
	[tilespmem:$0xB400] =	vst v63  }
0x23: {  	_ =	swait.ge [sflag:s16], $0x2800  }
0x24: {  	[sflag:s16] =	ssyncset.done $0x0  }
0x25: {  	s30 =	sadd.s32 $0x500, s6;
	[sflag:s16] =	ssyncadd.s32 $0xFFFFD800  }
0x26: {  	[hbm4b:s30+s2] =	stream.linear.scatter [tilespmem:s12], [sflag:$0x6], $0x2800, $0x38;
	[tilespmem:$0xB400] =	vst v63  }
0x27: {  	p0 =	por $0x0, $0x0;
	_ =	swait.ge [sflag:s17], $0x2800  }
0x28: {  	s22 =	simm.s32 @!p0 $0x1400;
	[sflag:s17] =	ssyncset.done $0x0  }
0x29: {  	s23 =	simm.s32 @!p0 $0x140;
	s24 =	simm.s32 @!p0 $0x50;
	[sflag:s17] =	ssyncadd.s32 $0xFFFFD800  }
0x2a: {  	[tilespmem:s22], [sflag:$0x1] =	stream.indirect.gather @!p0 [hbm4b:s3+s24], $0x80, s23, s24, $0xb8;
	[tilespmem:$0xB400] =	vst v63  }
0x2b: {  	_ =	swait.ge [sflag:s18], $0x2800  }
0x2c: {  	[sflag:s18] =	ssyncset.done $0x0  }
0x2d: {  	s31 =	sadd.s32 $0xA00, s6;
	[sflag:s18] =	ssyncadd.s32 $0xFFFFD800  }
0x2e: {  	[hbm4b:s31+s2] =	stream.linear.scatter [tilespmem:s13], [sflag:$0x5], $0x2800, $0x38;
	[tilespmem:$0xB400] =	vst v63  }
0x2f: {  	_ =	swait.ge [sflag:s19], $0x2800  }
0x30: {  	p1 =	por $0x0, $0x0;
	[sflag:s19] =	ssyncset.done $0x0  }
0x31: {  	s25 =	simm.s32 @!p0 $0x3C00;
	s22 =	simm.s32 @!p0 $0x190;
	[sflag:s19] =	ssyncadd.s32 $0xFFFFD800  }
0x32: {  	[tilespmem:s25], [sflag:$0x2] =	stream.indirect.gather @!p0 [hbm4b:s3+s24], $0x80, s22, s24, $0xb8;
	[tilespmem:$0xB400] =	vst v63  }
0x33: {  	s26 =	sadd.s32 $0xF00, s6;
	s23 =	simm.s32 $0x500;
	_ =	swait.ge [sflag:s20], $0x2800  }
0x34: {  	s24 =	simm.s32 $0xA00;
	s22 =	sadd.s32 $0x1400, s6;
	[sflag:s20] =	ssyncset.done $0x0  }
.LBB2_2:
0x35: {  	s28 =	simm.s32 @!p1 $0x5;
	[sflag:s20] =	ssyncadd.s32 $0xFFFFD800  }
0x36: {  	s29 =	smov.u32 s24;
	s24 =	sadd.s32 $0x500, s24;
	s25 =	smov.u32 s22  }
0x37: {  	[hbm4b:s26+s2] =	stream.linear.scatter [tilespmem:s15], [sflag:$0x6], $0x2800, $0x38;
	[tilespmem:$0xB400] =	vst v63  }
0x38: {  	p0 =	sne.s32 s24, $0x5000;
	_ =	swait.ge @!p1 [sflag:s28], $0x2800  }
0x39: {  	s26 =	sshra.s32 s23, $0x2;
	[sflag:s28] =	ssyncset.done @!p1 $0x0  }
0x3a: {  	[sflag:s28] =	ssyncadd.s32 @!p1 $0xFFFFD800;
	s28 =	sadd.s32 $0xA0, s26  }
0x3b: {  	[tilespmem:s13], [sflag:$0x3] =	stream.indirect.gather [hbm4b:s3+s10], $0x80, s28, s10, $0xb8;
	[tilespmem:$0xB400] =	vst v63  }
0x3c: {  	_ =	swait.ge [sflag:s14], $0x2800  }
0x3d: {  	[sflag:s14] =	ssyncset.done $0x0  }
0x3e: {  	s28 =	simm.s32 @!p1 $0x6;
	[sflag:s14] =	ssyncadd.s32 $0xFFFFD800  }
0x3f: {  	[hbm4b:s22+s2] =	stream.linear.scatter [tilespmem:s11], [sflag:$0x5], $0x2800, $0x38;
	[tilespmem:$0xB400] =	vst v63  }
0x40: {  	_ =	swait.ge @!p1 [sflag:s28], $0x2800  }
0x41: {  	[sflag:s28] =	ssyncset.done @!p1 $0x0  }
0x42: {  	s26 =	sadd.s32 $0xF0, s26;
	[sflag:s28] =	ssyncadd.s32 @!p1 $0xFFFFD800  }
0x43: {  	[tilespmem:s15], [sflag:$0x4] =	stream.indirect.gather [hbm4b:s3+s10], $0x80, s26, s10, $0xb8;
	[tilespmem:$0xB400] =	vst v63  }
0x44: {  	_ =	swait.ge [sflag:s16], $0x2800  }
0x45: {  	[sflag:s16] =	ssyncset.done $0x0  }
0x46: {  	s26 =	sadd.s32 $0x500, s22;
	[sflag:s16] =	ssyncadd.s32 $0xFFFFD800  }
0x47: {  	[hbm4b:s26+s2] =	stream.linear.scatter [tilespmem:s12], [sflag:$0x6], $0x2800, $0x38;
	[tilespmem:$0xB400] =	vst v63  }
0x48: {  	p1 =	seq.s32 s23, $0x4B00;
	_ =	swait.ge [sflag:s17], $0x2800  }
0x49: {  	s23 =	sshra.s32 @!p1 s23, $0x2;
	s26 =	simm.s32 @!p1 $0x1400;
	[sflag:s17] =	ssyncset.done $0x0  }
0x4a: {  	s30 =	simm.s32 @!p1 $0x50;
	s28 =	sadd.s32 @!p1 $0x140, s23;
	[sflag:s17] =	ssyncadd.s32 $0xFFFFD800  }
0x4b: {  	[tilespmem:s26], [sflag:$0x1] =	stream.indirect.gather @!p1 [hbm4b:s3+s30], $0x80, s28, s30, $0xb8;
	[tilespmem:$0xB400] =	vst v63  }
0x4c: {  	s26 =	sadd.s32 @!p1 $0x190, s23;
	s23 =	smov.u32 s29;
	_ =	swait.ge [sflag:s18], $0x2800  }
0x4d: {  	[sflag:s18] =	ssyncset.done $0x0  }
0x4e: {  	s28 =	sadd.s32 $0xA00, s22;
	[sflag:s18] =	ssyncadd.s32 $0xFFFFD800  }
0x4f: {  	[hbm4b:s28+s2] =	stream.linear.scatter [tilespmem:s13], [sflag:$0x5], $0x2800, $0x38;
	[tilespmem:$0xB400] =	vst v63  }
0x50: {  	_ =	swait.ge [sflag:s19], $0x2800  }
.Ltmp0:
0x51: {  	[sflag:s19] =	ssyncset.done $0x0;
	(pc) =	sbr.rel @p0 .LBB2_2-.Ltmp0, $4  }
0x52: {  	s28 =	simm.s32 @!p1 $0x3C00;
	[sflag:s19] =	ssyncadd.s32 $0xFFFFD800  }
0x53: {  	[tilespmem:s28], [sflag:$0x2] =	stream.indirect.gather @!p1 [hbm4b:s3+s30], $0x80, s26, s30, $0xb8;
	[tilespmem:$0xB400] =	vst v63  }
0x54: {  	s22 =	sadd.s32 $0x1400, s22;
	_ =	swait.ge [sflag:s20], $0x2800  }
0x55: {  	p1 =	seq.s32 s23, $0x0;
	s26 =	sadd.s32 $0xF00, s25;
	[sflag:s20] =	ssyncset.done $0x0  }
0x56: {  	s24 =	simm.s32 @!p1 $0x5;
	[sflag:s20] =	ssyncadd.s32 $0xFFFFD800  }
0x57: {  	[hbm4b:s26+s2] =	stream.linear.scatter [tilespmem:s15], [sflag:$0x6], $0x2800, $0x38;
	[tilespmem:$0xB400] =	vst v63  }
0x58: {  	_ =	swait.ge @!p1 [sflag:s24], $0x2800  }
0x59: {  	s25 =	sshra.s32 s23, $0x2;
	[sflag:s24] =	ssyncset.done @!p1 $0x0  }
0x5a: {  	s26 =	sadd.s32 $0xA0, s25;
	[sflag:s24] =	ssyncadd.s32 @!p1 $0xFFFFD800  }
0x5b: {  	[tilespmem:s13], [sflag:$0x3] =	stream.indirect.gather [hbm4b:s3+s10], $0x80, s26, s10, $0xb8;
	[tilespmem:$0xB400] =	vst v63  }
0x5c: {  	_ =	swait.ge [sflag:s14], $0x2800  }
0x5d: {  	[sflag:s14] =	ssyncset.done $0x0  }
0x5e: {  	s24 =	simm.s32 @!p1 $0x6;
	[sflag:s14] =	ssyncadd.s32 $0xFFFFD800  }
0x5f: {  	[hbm4b:s22+s2] =	stream.linear.scatter [tilespmem:s11], [sflag:$0x5], $0x2800, $0x38;
	[tilespmem:$0xB400] =	vst v63  }
0x60: {  	_ =	swait.ge @!p1 [sflag:s24], $0x2800  }
0x61: {  	[sflag:s24] =	ssyncset.done @!p1 $0x0  }
0x62: {  	s28 =	sadd.s32 $0xF0, s25;
	[sflag:s24] =	ssyncadd.s32 @!p1 $0xFFFFD800  }
0x63: {  	[tilespmem:s15], [sflag:$0x4] =	stream.indirect.gather [hbm4b:s3+s10], $0x80, s28, s10, $0xb8;
	[tilespmem:$0xB400] =	vst v63  }
0x64: {  	_ =	swait.ge [sflag:s16], $0x2800  }
0x65: {  	[sflag:s16] =	ssyncset.done $0x0  }
0x66: {  	s29 =	sadd.s32 $0x500, s22;
	p0 =	seq.s32 s23, $0x4B00;
	[sflag:s16] =	ssyncadd.s32 $0xFFFFD800  }
0x67: {  	[hbm4b:s29+s2] =	stream.linear.scatter [tilespmem:s12], [sflag:$0x6], $0x2800, $0x38;
	[tilespmem:$0xB400] =	vst v63  }
0x68: {  	s23 =	sshra.s32 @!p0 s23, $0x2;
	_ =	swait.ge [sflag:s17], $0x2800  }
0x69: {  	s25 =	sadd.s32 @!p0 $0x140, s23;
	[sflag:s17] =	ssyncset.done $0x0  }
0x6a: {  	s26 =	simm.s32 @!p0 $0x50;
	s24 =	simm.s32 @!p0 $0x1400;
	[sflag:s17] =	ssyncadd.s32 $0xFFFFD800  }
0x6b: {  	[tilespmem:s24], [sflag:$0x1] =	stream.indirect.gather @!p0 [hbm4b:s3+s26], $0x80, s25, s26, $0xb8;
	[tilespmem:$0xB400] =	vst v63  }
0x6c: {  	_ =	swait.ge [sflag:s18], $0x2800  }
0x6d: {  	[sflag:s18] =	ssyncset.done $0x0  }
0x6e: {  	s30 =	sadd.s32 $0xA00, s22;
	[sflag:s18] =	ssyncadd.s32 $0xFFFFD800  }
0x6f: {  	[hbm4b:s30+s2] =	stream.linear.scatter [tilespmem:s13], [sflag:$0x5], $0x2800, $0x38;
	[tilespmem:$0xB400] =	vst v63  }
0x70: {  	_ =	swait.ge [sflag:s19], $0x2800  }
0x71: {  	[sflag:s19] =	ssyncset.done $0x0  }
0x72: {  	s23 =	sadd.s32 @!p0 $0x190, s23;
	s24 =	simm.s32 @!p0 $0x3C00;
	[sflag:s19] =	ssyncadd.s32 $0xFFFFD800  }
0x73: {  	[tilespmem:s24], [sflag:$0x2] =	stream.indirect.gather @!p0 [hbm4b:s3+s26], $0x80, s23, s26, $0xb8;
	[tilespmem:$0xB400] =	vst v63  }
0x74: {  	_ =	swait.ge [sflag:s20], $0x2800  }
0x75: {  	[sflag:s20] =	ssyncset.done $0x0  }
0x76: {  	s31 =	sadd.s32 $0xF00, s22;
	s21 =	sadd.s32 $0x1, s21;
	[sflag:s20] =	ssyncadd.s32 $0xFFFFD800  }
0x77: {  	[hbm4b:s31+s2] =	stream.linear.scatter [tilespmem:s15], [sflag:$0x6], $0x2800, $0x38;
	[tilespmem:$0xB400] =	vst v63  }
0x78: {  	p0 =	sne.s32 s21, s5;
	_ =	swait.ge [sflag:s17], $0x2800  }
.Ltmp1:
0x79: {  	[sflag:s17] =	ssyncset.done $0x0;
	(pc) =	sbr.rel @p0 .LBB2_1-.Ltmp1, $4  }
0x7a: {  	[sflag:s17] =	ssyncadd.s32 $0xFFFFD800  }
0x7b: {  	_ =	swait.ge [sflag:s19], $0x2800  }
0x7c: {  	[sflag:s19] =	ssyncset.done $0x0  }
0x7d: {  	[sflag:s19] =	ssyncadd.s32 $0xFFFFD800  }
0x7e: {  	_ =	sfence.sel $0x180000  }
0x7f: {  	[bflag:$0x0] =	sbarrier.arrive $0xFFFF  }
0x80: {  	p0 =	sne.s32 s1, $0x0;
	_ =	strace $0x9000004D  }
0x81: {  	s0 =	sadd.s32 @!p0 $0x100000, s0;
	[bflag:$0x2] =	sbarrier.arrive $0xFFFF  }
0x82: {  	[sflag:s0] =	ssyncadd.tile.s32 @!p0 $0x1;
	_ =	shalt  }
.Lfunc_end2:
_tile_overlayer_lowered:
.L_overlay_start_2:
0x83: {  	(tag) =	ssettag $0x2  }
0x84: {  	s0 =	rddreg [dreg:$0x0];
	s2 =	stileid.u32  }
0x85: {  	s1 =	rddreg [dreg:$0x1];
	p0 =	sne.s32 s2, $0x0  }
0x86: {  	s3 =	rddreg [dreg:$0x2];
	[bflag:$0x3] =	sbarrier.arrive $0xFFFF;
	s2 =	simm.s32 @!p0 $0x1C07  }
0x87: {  	[timem:s3], [sflag:s2] =	dma.local @!p0 [hbm:s0], s1  }
0x88: {  	s0 =	simm.s32 @!p0 $0x7  }
0x89: {  	_ =	swait.ge @!p0 [sflag:s0], s1  }
0x8a: {  	s1 =	ssub.s32 @!p0 $0x0, s1;
	[sflag:s0] =	ssyncset.done @!p0 $0x0  }
0x8b: {  	[sflag:s0] =	ssyncadd.s32 @!p0 s1  }
0x8c: {  	[bflag:$0x3] =	sbarrier.arrive $0xFFFF  }
0x8d: {  	_ =	shalt  }

</sc_bundles>
